<compile_context>
chip_gen: v7x
topology: tpu7x:2x2x1
jax: 0.10.2.dev20260603
libtpu: 0.0.44.dev20260713+nightly
codegen_flags: <defaults>
</compile_context>

<pallas_src>
import functools

import jax
import jax.numpy as jnp
from jax import lax
from jax.experimental import pallas as pl
from jax.experimental.pallas import tpu as pltpu
from jax.experimental.pallas import tpu_sc as plsc

N = 10000
E = 320000
IN_CH = 128
HID = 256
OUT = 128

NC = 2
NS = 16
CH_E = 128
NCH = 2560
E_PAD = NCH * CH_E
N_PAD = 10112
QC = 64
BLK = 400

_MESH = plsc.VectorSubcoreMesh(core_axis_name="c", subcore_axis_name="s")
_SC_PARAMS = pltpu.CompilerParams(use_tc_tiling_on_sc=False)


DEG_CPT = NCH // (NC * NS)


@functools.partial(
    pl.kernel,
    out_type=jax.ShapeDtypeStruct((2 * N,), jnp.float32),
    mesh=_MESH,
    compiler_params=_SC_PARAMS,
    scratch_types=[
        pltpu.VMEM((DEG_CPT, CH_E), jnp.int32),
        pltpu.VMEM((CH_E,), jnp.float32),
        pltpu.VMEM((640,), jnp.float32),
        pltpu.VMEM_SHARED((N_PAD,), jnp.float32),
    ],
)
def _deg_kernel(dst_hbm, deg_out, dstst, ones_v, zeros_v, acc):
    c = lax.axis_index("c")
    s = lax.axis_index("s")
    for k in range(CH_E // 16):
        ones_v[pl.ds(k * 16, 16)] = jnp.ones((16,), jnp.float32)
    for k in range(640 // 16):
        zeros_v[pl.ds(k * 16, 16)] = jnp.zeros((16,), jnp.float32)
    base = (c * NS + s) * DEG_CPT
    pltpu.sync_copy(dst_hbm.at[pl.ds(base, DEG_CPT)], dstst)
    rpt = N_PAD // NS
    pltpu.sync_copy(zeros_v.at[pl.ds(0, rpt)], acc.at[pl.ds(s * rpt, rpt)])
    plsc.subcore_barrier()

    @pl.loop(0, DEG_CPT)
    def _(j):
        pltpu.sync_copy(ones_v, acc.at[dstst.at[j]], add=True)

    plsc.subcore_barrier()

    @pl.when(s < NS - 1)
    def _():
        pltpu.sync_copy(acc.at[pl.ds(s * 624, 624)], zeros_v.at[pl.ds(0, 624)])
        pltpu.sync_copy(zeros_v.at[pl.ds(0, 624)],
                        deg_out.at[pl.ds(c * N + s * 624, 624)])

    @pl.when(s == NS - 1)
    def _():
        pltpu.sync_copy(acc.at[pl.ds(9360, 640)], zeros_v)
        pltpu.sync_copy(zeros_v, deg_out.at[pl.ds(c * N + 9360, 640)])


CPT = NCH // NS
NB = 4


def _agg_pass(c, s, srcst, dstst, rows, acc, gsem, ssem, y0, y1, o0, o1):
    off = jnp.where(s < NS - 1, s * 624, 9360)

    def rows_copy(src_ref, dst_ref, n):
        pltpu.sync_copy(src_ref.at[pl.ds(off, n)], dst_ref.at[pl.ds(off, n)])

    def ranged_copy(src_ref, dst_ref):
        @pl.when(s < NS - 1)
        def _():
            rows_copy(src_ref, dst_ref, 624)

        @pl.when(s == NS - 1)
        def _():
            rows_copy(src_ref, dst_ref, 640)

    @pl.when(c == 0)
    def _():
        ranged_copy(y0, acc)

    @pl.when(c == 1)
    def _():
        ranged_copy(y1, acc)

    plsc.subcore_barrier()

    def gather(j, b):
        @pl.when(c == 0)
        def _():
            pltpu.async_copy(y0.at[srcst.at[j]], rows[b], gsem[b])

        @pl.when(c == 1)
        def _():
            pltpu.async_copy(y1.at[srcst.at[j]], rows[b], gsem[b])

    def gather_wait(b):
        pltpu.make_async_copy(y0.at[srcst.at[0]], rows[b], gsem[b]).wait()

    for b in range(NB):
        gather(b, b)

    @pl.loop(0, CPT, step=NB)
    def _(j):
        for b in range(NB):
            gather_wait(b)
            pltpu.async_copy(rows[b], acc.at[dstst.at[j + b]], ssem[b],
                             add=True)
        for b in range(NB):
            pltpu.make_async_copy(rows[b], acc.at[dstst.at[0]],
                                  ssem[b]).wait()

            @pl.when(j + NB + b < CPT)
            def _():
                gather(j + NB + b, b)

    plsc.subcore_barrier()

    @pl.when(c == 0)
    def _():
        ranged_copy(acc, o0)

    @pl.when(c == 1)
    def _():
        ranged_copy(acc, o1)


_AGG_SCRATCH = [
    pltpu.VMEM((CPT, CH_E), jnp.int32),
    pltpu.VMEM((CPT, CH_E), jnp.int32),
    [pltpu.VMEM((CH_E, QC), jnp.float32)] * NB,
    pltpu.VMEM_SHARED((N_PAD, QC), jnp.float32),
    [pltpu.SemaphoreType.DMA] * NB,
    [pltpu.SemaphoreType.DMA] * NB,
]


def _stage_indices(src_hbm, dst_hbm, srcst, dstst, s):
    base = s * CPT
    pltpu.sync_copy(src_hbm.at[pl.ds(base, CPT)], srcst)
    pltpu.sync_copy(dst_hbm.at[pl.ds(base, CPT)], dstst)


@functools.partial(
    pl.kernel,
    out_type=tuple(jax.ShapeDtypeStruct((N, QC), jnp.float32)
                   for _ in range(4)),
    mesh=_MESH,
    compiler_params=_SC_PARAMS,
    scratch_types=_AGG_SCRATCH,
)
def _agg2(src_hbm, dst_hbm, q0, q1, q2, q3, o0, o1, o2, o3, srcst, dstst,
          rows, acc, gsem, ssem):
    c = lax.axis_index("c")
    s = lax.axis_index("s")
    _stage_indices(src_hbm, dst_hbm, srcst, dstst, s)
    _agg_pass(c, s, srcst, dstst, rows, acc, gsem, ssem, q0, q1, o0, o1)
    _agg_pass(c, s, srcst, dstst, rows, acc, gsem, ssem, q2, q3, o2, o3)


@functools.partial(
    pl.kernel,
    out_type=tuple(jax.ShapeDtypeStruct((N, QC), jnp.float32)
                   for _ in range(2)),
    mesh=_MESH,
    compiler_params=_SC_PARAMS,
    scratch_types=_AGG_SCRATCH,
)
def _agg(src_hbm, dst_hbm, y0, y1, o0, o1, srcst, dstst, rows, acc,
         gsem, ssem):
    c = lax.axis_index("c")
    s = lax.axis_index("s")
    _stage_indices(src_hbm, dst_hbm, srcst, dstst, s)
    _agg_pass(c, s, srcst, dstst, rows, acc, gsem, ssem, y0, y1, o0, o1)


def _mm1_body(x_ref, w_ref, d_ref, q0_ref, q1_ref, q2_ref, q3_ref):
    r = lax.rsqrt(d_ref[0] + d_ref[1] + 1.0)
    xw = jnp.dot(x_ref[...], w_ref[...], preferred_element_type=jnp.float32)
    y = xw * r
    q0_ref[...] = y[:, 0 * QC:1 * QC]
    q1_ref[...] = y[:, 1 * QC:2 * QC]
    q2_ref[...] = y[:, 2 * QC:3 * QC]
    q3_ref[...] = y[:, 3 * QC:4 * QC]


def _mid_body(a0_ref, a1_ref, a2_ref, a3_ref, d_ref, b1_ref, w2_ref,
              z0_ref, z1_ref):
    r = lax.rsqrt(d_ref[0] + d_ref[1] + 1.0)
    h = jnp.concatenate(
        [a0_ref[...], a1_ref[...], a2_ref[...], a3_ref[...]], axis=1)
    h = jnp.maximum(h * r + b1_ref[...], 0.0)
    y2 = jnp.dot(h, w2_ref[...], preferred_element_type=jnp.float32) * r
    z0_ref[...] = y2[:, :QC]
    z1_ref[...] = y2[:, QC:]


def _fin_body(g0_ref, g1_ref, d_ref, b2_ref, o_ref):
    r = lax.rsqrt(d_ref[0] + d_ref[1] + 1.0)
    o_ref[...] = (jnp.concatenate([g0_ref[...], g1_ref[...]], axis=1) * r
                  + b2_ref[...])


def _mm1(x, W1, degp):
    return pl.pallas_call(
        _mm1_body,
        grid=(N // BLK,),
        in_specs=[
            pl.BlockSpec((BLK, IN_CH), lambda i: (i, 0)),
            pl.BlockSpec((IN_CH, HID), lambda i: (0, 0)),
            pl.BlockSpec((2, BLK, 1), lambda i: (0, i, 0)),
        ],
        out_specs=tuple(pl.BlockSpec((BLK, QC), lambda i: (i, 0))
                        for _ in range(4)),
        out_shape=tuple(jax.ShapeDtypeStruct((N, QC), jnp.float32)
                        for _ in range(4)),
    )(x, W1, degp)


def _mid(a0, a1, a2, a3, degp, b1r, W2):
    return pl.pallas_call(
        _mid_body,
        grid=(N // BLK,),
        in_specs=[
            pl.BlockSpec((BLK, QC), lambda i: (i, 0)),
            pl.BlockSpec((BLK, QC), lambda i: (i, 0)),
            pl.BlockSpec((BLK, QC), lambda i: (i, 0)),
            pl.BlockSpec((BLK, QC), lambda i: (i, 0)),
            pl.BlockSpec((2, BLK, 1), lambda i: (0, i, 0)),
            pl.BlockSpec((1, HID), lambda i: (0, 0)),
            pl.BlockSpec((HID, OUT), lambda i: (0, 0)),
        ],
        out_specs=(pl.BlockSpec((BLK, QC), lambda i: (i, 0)),
                   pl.BlockSpec((BLK, QC), lambda i: (i, 0))),
        out_shape=(jax.ShapeDtypeStruct((N, QC), jnp.float32),
                   jax.ShapeDtypeStruct((N, QC), jnp.float32)),
    )(a0, a1, a2, a3, degp, b1r, W2)


def _fin(g0, g1, degp, b2r):
    return pl.pallas_call(
        _fin_body,
        grid=(N // BLK,),
        in_specs=[
            pl.BlockSpec((BLK, QC), lambda i: (i, 0)),
            pl.BlockSpec((BLK, QC), lambda i: (i, 0)),
            pl.BlockSpec((2, BLK, 1), lambda i: (0, i, 0)),
            pl.BlockSpec((1, OUT), lambda i: (0, 0)),
        ],
        out_specs=pl.BlockSpec((BLK, OUT), lambda i: (i, 0)),
        out_shape=jax.ShapeDtypeStruct((N, OUT), jnp.float32),
    )(g0, g1, degp, b2r)


def kernel(x, edge_index, W1, b1, W2, b2):
    src = edge_index[0].astype(jnp.int32)
    dst = edge_index[1].astype(jnp.int32)
    pad = E_PAD - E
    srcp = jnp.concatenate([src, jnp.zeros((pad,), jnp.int32)]).reshape(NCH, CH_E)
    dstp = jnp.concatenate(
        [dst, N + (jnp.arange(pad, dtype=jnp.int32) % 16)]).reshape(NCH, CH_E)

    degf = _deg_kernel(dstp)
    degp = degf.reshape(2, N, 1)

    q0, q1, q2, q3 = _mm1(x, W1, degp)
    a0, a1, a2, a3 = _agg2(srcp, dstp, q0, q1, q2, q3)
    z0, z1 = _mid(a0, a1, a2, a3, degp, b1.reshape(1, HID), W2)
    g0, g1 = _agg(srcp, dstp, z0, z1)
    return _fin(g0, g1, degp, b2.reshape(1, OUT))

# --- scband reference (transcript-rebuilt; emitter-appended) ---
"""Pipeline reference for scband-gcn-20504173871666 (READ-ONLY COPY).

The authoritative reference and input builder live on the scoring server;
editing this copy changes nothing except your own understanding.
"""

import jax, jax.numpy as jnp
import numpy as np

N_NODES = 10000
N_EDGES = 320000
IN_CH = 128
HID_CH = 256
OUT_CH = 128


def setup_inputs(seed: int = 0) -> dict:
    key = jax.random.key(seed)
    k1, k2, k3, k4, k5, k6 = jax.random.split(key, 6)
    x = jax.random.normal(k1, (N_NODES, IN_CH), dtype=jnp.float32)
    edge_index = jax.random.randint(k2, (2, N_EDGES), 0, N_NODES, dtype=jnp.int64)
    # Glorot-style init for GCNConv linear weights (bias init zeros, as in PyG)
    W1 = jax.random.normal(k3, (IN_CH, HID_CH), dtype=jnp.float32) * (1.0 / np.sqrt(IN_CH))
    b1 = jnp.zeros((HID_CH,), dtype=jnp.float32)
    W2 = jax.random.normal(k4, (HID_CH, OUT_CH), dtype=jnp.float32) * (1.0 / np.sqrt(HID_CH))
    b2 = jnp.zeros((OUT_CH,), dtype=jnp.float32)
    return {"x": x, "edge_index": edge_index, "W1": W1, "b1": b1, "W2": W2, "b2": b2}


def _gcn_conv(x, edge_index, W, b):
    # Faithful to PyG GCNConv defaults: add_self_loops=True, normalize=True,
    # flow='source_to_target' (messages from edge_index[0] to edge_index[1]).
    n = x.shape[0]
    loop = jnp.arange(n, dtype=edge_index.dtype)
    src = jnp.concatenate([edge_index[0], loop])
    dst = jnp.concatenate([edge_index[1], loop])
    ew = jnp.ones(src.shape[0], dtype=x.dtype)
    deg = jnp.zeros((n,), dtype=x.dtype).at[dst].add(ew)
    deg_inv_sqrt = jnp.where(deg > 0, jax.lax.rsqrt(deg), 0.0)
    norm = deg_inv_sqrt[src] * deg_inv_sqrt[dst]
    xw = x @ W
    msg = xw[src] * norm[:, None]
    out = jnp.zeros((n, W.shape[1]), dtype=x.dtype).at[dst].add(msg)
    return out + b


def reference(x, edge_index, W1, b1, W2, b2):
    # GCN forward: conv1 -> relu -> dropout(p=0, identity) -> conv2
    h = _gcn_conv(x, edge_index, W1, b1)
    h = jax.nn.relu(h)
    out = _gcn_conv(h, edge_index, W2, b2)
    return out

if __name__ == "__main__":
    import jax
    _d = setup_inputs()
    print(jax.jit(kernel)(*tuple(_d.values())))

</pallas_src>

<mosaic_0001>
#map = affine_map<(d0, d1) -> (0, 0)>
module attributes {stable_mosaic.version = 14 : i64} {
  func.func @_agg(%arg0: i32, %arg1: i32, %arg2: memref<2560x128xi32, #tpu.memory_space<hbm>>, %arg3: memref<2560x128xi32, #tpu.memory_space<hbm>>, %arg4: memref<10000x64xf32, #tpu.memory_space<hbm>>, %arg5: memref<10000x64xf32, #tpu.memory_space<hbm>>, %arg6: memref<10000x64xf32, #tpu.memory_space<hbm>>, %arg7: memref<10000x64xf32, #tpu.memory_space<hbm>>, %arg8: memref<160x128xi32, #tpu.memory_space<vmem>>, %arg9: memref<160x128xi32, #tpu.memory_space<vmem>>, %arg10: memref<128x64xf32, #tpu.memory_space<vmem>>, %arg11: memref<128x64xf32, #tpu.memory_space<vmem>>, %arg12: memref<128x64xf32, #tpu.memory_space<vmem>>, %arg13: memref<128x64xf32, #tpu.memory_space<vmem>>, %arg14: memref<10112x64xf32, #tpu.memory_space<vmem_shared>>, %arg15: memref<!tpu.dma_semaphore, #tpu.memory_space<semaphore_mem>>, %arg16: memref<!tpu.dma_semaphore, #tpu.memory_space<semaphore_mem>>, %arg17: memref<!tpu.dma_semaphore, #tpu.memory_space<semaphore_mem>>, %arg18: memref<!tpu.dma_semaphore, #tpu.memory_space<semaphore_mem>>, %arg19: memref<!tpu.dma_semaphore, #tpu.memory_space<semaphore_mem>>, %arg20: memref<!tpu.dma_semaphore, #tpu.memory_space<semaphore_mem>>, %arg21: memref<!tpu.dma_semaphore, #tpu.memory_space<semaphore_mem>>, %arg22: memref<!tpu.dma_semaphore, #tpu.memory_space<semaphore_mem>>) attributes {dimension_semantics = [#tpu.dimension_semantics<core_parallel>, #tpu.dimension_semantics<subcore_parallel>], iteration_bounds = array<i64: 2, 16>, scalar_prefetch = 0 : i64, scratch_operands = 15 : i64, tpu.core_type = #tpu.core_type<sc_vector_subcore>, window_params = [{transform_indices = #map}, {transform_indices = #map}, {transform_indices = #map}, {transform_indices = #map}, {transform_indices = #map}, {transform_indices = #map}]} {
    %mul3A = arith.constant 160 : i32
    %mul3A_0 = arith.muli %arg1, %mul3A : i32
    "tpu.region"() ({
      %run_scoped3A = tpu.sem_alloc : memref<!tpu.dma_semaphore, #tpu.memory_space<semaphore_mem>>
      %dma_start3A = arith.constant 0 : i32
      %dma_start3A_66 = tpu.memref_slice %arg2[%mul3A_0, %dma_start3A] : memref<2560x128xi32, #tpu.memory_space<hbm>> -> memref<160x128xi32, #tpu.memory_space<hbm>>
      %dma_start3A_67 = arith.constant 0 : i32
      %dma_start3A_68 = tpu.memref_slice %arg2[%mul3A_0, %dma_start3A_67] : memref<2560x128xi32, #tpu.memory_space<hbm>> -> memref<160x128xi32, #tpu.memory_space<hbm>>
      tpu.enqueue_dma source(%dma_start3A_68 : memref<160x128xi32, #tpu.memory_space<hbm>>) target(%arg8 : memref<160x128xi32, #tpu.memory_space<vmem>>) target_semaphore(%run_scoped3A : memref<!tpu.dma_semaphore, #tpu.memory_space<semaphore_mem>>)
      %dma_wait3A = arith.constant 0 : i32
      %dma_wait3A_69 = tpu.memref_slice %arg2[%mul3A_0, %dma_wait3A] : memref<2560x128xi32, #tpu.memory_space<hbm>> -> memref<160x128xi32, #tpu.memory_space<hbm>>
      %dma_wait3A_70 = arith.constant 0 : i32
      %dma_wait3A_71 = tpu.memref_slice %arg2[%mul3A_0, %dma_wait3A_70] : memref<2560x128xi32, #tpu.memory_space<hbm>> -> memref<160x128xi32, #tpu.memory_space<hbm>>
      tpu.wait_dma2 semaphore(%run_scoped3A : memref<!tpu.dma_semaphore, #tpu.memory_space<semaphore_mem>>) src(%dma_wait3A_71 : memref<160x128xi32, #tpu.memory_space<hbm>>) dst(%arg8 : memref<160x128xi32, #tpu.memory_space<vmem>>)
      tpu.yield
    }) : () -> ()
    "tpu.region"() ({
      %run_scoped3A = tpu.sem_alloc : memref<!tpu.dma_semaphore, #tpu.memory_space<semaphore_mem>>
      %dma_start3A = arith.constant 0 : i32
      %dma_start3A_66 = tpu.memref_slice %arg3[%mul3A_0, %dma_start3A] : memref<2560x128xi32, #tpu.memory_space<hbm>> -> memref<160x128xi32, #tpu.memory_space<hbm>>
      %dma_start3A_67 = arith.constant 0 : i32
      %dma_start3A_68 = tpu.memref_slice %arg3[%mul3A_0, %dma_start3A_67] : memref<2560x128xi32, #tpu.memory_space<hbm>> -> memref<160x128xi32, #tpu.memory_space<hbm>>
      tpu.enqueue_dma source(%dma_start3A_68 : memref<160x128xi32, #tpu.memory_space<hbm>>) target(%arg9 : memref<160x128xi32, #tpu.memory_space<vmem>>) target_semaphore(%run_scoped3A : memref<!tpu.dma_semaphore, #tpu.memory_space<semaphore_mem>>)
      %dma_wait3A = arith.constant 0 : i32
      %dma_wait3A_69 = tpu.memref_slice %arg3[%mul3A_0, %dma_wait3A] : memref<2560x128xi32, #tpu.memory_space<hbm>> -> memref<160x128xi32, #tpu.memory_space<hbm>>
      %dma_wait3A_70 = arith.constant 0 : i32
      %dma_wait3A_71 = tpu.memref_slice %arg3[%mul3A_0, %dma_wait3A_70] : memref<2560x128xi32, #tpu.memory_space<hbm>> -> memref<160x128xi32, #tpu.memory_space<hbm>>
      tpu.wait_dma2 semaphore(%run_scoped3A : memref<!tpu.dma_semaphore, #tpu.memory_space<semaphore_mem>>) src(%dma_wait3A_71 : memref<160x128xi32, #tpu.memory_space<hbm>>) dst(%arg9 : memref<160x128xi32, #tpu.memory_space<vmem>>)
      tpu.yield
    }) : () -> ()
    %lt3A = arith.constant 15 : i32
    %lt3A_1 = arith.cmpi slt, %arg1, %lt3A : i32
    %mul3A_2 = arith.constant 624 : i32
    %mul3A_3 = arith.muli %arg1, %mul3A_2 : i32
    %jit3A = arith.constant 9360 : i32
    %select_n3A = arith.select %lt3A_1, %mul3A_3, %jit3A : i32
    %eq3A = arith.constant 0 : i32
    %eq3A_4 = arith.cmpi eq, %arg0, %eq3A : i32
    %convert_element_type3A = arith.extui %eq3A_4 : i1 to i32
    %cond3A = arith.constant 0 : i32
    %cond3A_5 = arith.cmpi ne, %convert_element_type3A, %cond3A : i32
    scf.if %cond3A_5 {
      %lt3A_66 = arith.constant 15 : i32
      %lt3A_67 = arith.cmpi slt, %arg1, %lt3A_66 : i32
      %convert_element_type3A_68 = arith.extui %lt3A_67 : i1 to i32
      %cond3A_69 = arith.constant 0 : i32
      %cond3A_70 = arith.cmpi ne, %convert_element_type3A_68, %cond3A_69 : i32
      scf.if %cond3A_70 {
        "tpu.region"() ({
          %run_scoped3A = tpu.sem_alloc : memref<!tpu.dma_semaphore, #tpu.memory_space<semaphore_mem>>
          %dma_start3A = arith.constant 0 : i32
          %dma_start3A_76 = tpu.memref_slice %arg14[%select_n3A, %dma_start3A] : memref<10112x64xf32, #tpu.memory_space<vmem_shared>> -> memref<624x64xf32, #tpu.memory_space<vmem_shared>>
          %dma_start3A_77 = arith.constant 0 : i32
          %dma_start3A_78 = tpu.memref_slice %arg4[%select_n3A, %dma_start3A_77] : memref<10000x64xf32, #tpu.memory_space<hbm>> -> memref<624x64xf32, #tpu.memory_space<hbm>>
          tpu.enqueue_dma source(%dma_start3A_78 : memref<624x64xf32, #tpu.memory_space<hbm>>) target(%dma_start3A_76 : memref<624x64xf32, #tpu.memory_space<vmem_shared>>) target_semaphore(%run_scoped3A : memref<!tpu.dma_semaphore, #tpu.memory_space<semaphore_mem>>)
          %dma_wait3A = arith.constant 0 : i32
          %dma_wait3A_79 = tpu.memref_slice %arg14[%select_n3A, %dma_wait3A] : memref<10112x64xf32, #tpu.memory_space<vmem_shared>> -> memref<624x64xf32, #tpu.memory_space<vmem_shared>>
          %dma_wait3A_80 = arith.constant 0 : i32
          %dma_wait3A_81 = tpu.memref_slice %arg4[%select_n3A, %dma_wait3A_80] : memref<10000x64xf32, #tpu.memory_space<hbm>> -> memref<624x64xf32, #tpu.memory_space<hbm>>
          tpu.wait_dma2 semaphore(%run_scoped3A : memref<!tpu.dma_semaphore, #tpu.memory_space<semaphore_mem>>) src(%dma_wait3A_81 : memref<624x64xf32, #tpu.memory_space<hbm>>) dst(%dma_wait3A_79 : memref<624x64xf32, #tpu.memory_space<vmem_shared>>)
          tpu.yield
        }) : () -> ()
      } else {
      }
      %eq3A_71 = arith.constant 15 : i32
      %eq3A_72 = arith.cmpi eq, %arg1, %eq3A_71 : i32
      %convert_element_type3A_73 = arith.extui %eq3A_72 : i1 to i32
      %cond3A_74 = arith.constant 0 : i32
      %cond3A_75 = arith.cmpi ne, %convert_element_type3A_73, %cond3A_74 : i32
      scf.if %cond3A_75 {
        "tpu.region"() ({
          %run_scoped3A = tpu.sem_alloc : memref<!tpu.dma_semaphore, #tpu.memory_space<semaphore_mem>>
          %dma_start3A = arith.constant 0 : i32
          %dma_start3A_76 = tpu.memref_slice %arg14[%select_n3A, %dma_start3A] : memref<10112x64xf32, #tpu.memory_space<vmem_shared>> -> memref<640x64xf32, #tpu.memory_space<vmem_shared>>
          %dma_start3A_77 = arith.constant 0 : i32
          %dma_start3A_78 = tpu.memref_slice %arg4[%select_n3A, %dma_start3A_77] : memref<10000x64xf32, #tpu.memory_space<hbm>> -> memref<640x64xf32, #tpu.memory_space<hbm>>
          tpu.enqueue_dma source(%dma_start3A_78 : memref<640x64xf32, #tpu.memory_space<hbm>>) target(%dma_start3A_76 : memref<640x64xf32, #tpu.memory_space<vmem_shared>>) target_semaphore(%run_scoped3A : memref<!tpu.dma_semaphore, #tpu.memory_space<semaphore_mem>>)
          %dma_wait3A = arith.constant 0 : i32
          %dma_wait3A_79 = tpu.memref_slice %arg14[%select_n3A, %dma_wait3A] : memref<10112x64xf32, #tpu.memory_space<vmem_shared>> -> memref<640x64xf32, #tpu.memory_space<vmem_shared>>
          %dma_wait3A_80 = arith.constant 0 : i32
          %dma_wait3A_81 = tpu.memref_slice %arg4[%select_n3A, %dma_wait3A_80] : memref<10000x64xf32, #tpu.memory_space<hbm>> -> memref<640x64xf32, #tpu.memory_space<hbm>>
          tpu.wait_dma2 semaphore(%run_scoped3A : memref<!tpu.dma_semaphore, #tpu.memory_space<semaphore_mem>>) src(%dma_wait3A_81 : memref<640x64xf32, #tpu.memory_space<hbm>>) dst(%dma_wait3A_79 : memref<640x64xf32, #tpu.memory_space<vmem_shared>>)
          tpu.yield
        }) : () -> ()
      } else {
      }
    } else {
    }
    %eq3A_6 = arith.constant 1 : i32
    %eq3A_7 = arith.cmpi eq, %arg0, %eq3A_6 : i32
    %convert_element_type3A_8 = arith.extui %eq3A_7 : i1 to i32
    %cond3A_9 = arith.constant 0 : i32
    %cond3A_10 = arith.cmpi ne, %convert_element_type3A_8, %cond3A_9 : i32
    scf.if %cond3A_10 {
      %lt3A_66 = arith.constant 15 : i32
      %lt3A_67 = arith.cmpi slt, %arg1, %lt3A_66 : i32
      %convert_element_type3A_68 = arith.extui %lt3A_67 : i1 to i32
      %cond3A_69 = arith.constant 0 : i32
      %cond3A_70 = arith.cmpi ne, %convert_element_type3A_68, %cond3A_69 : i32
      scf.if %cond3A_70 {
        "tpu.region"() ({
          %run_scoped3A = tpu.sem_alloc : memref<!tpu.dma_semaphore, #tpu.memory_space<semaphore_mem>>
          %dma_start3A = arith.constant 0 : i32
          %dma_start3A_76 = tpu.memref_slice %arg14[%select_n3A, %dma_start3A] : memref<10112x64xf32, #tpu.memory_space<vmem_shared>> -> memref<624x64xf32, #tpu.memory_space<vmem_shared>>
          %dma_start3A_77 = arith.constant 0 : i32
          %dma_start3A_78 = tpu.memref_slice %arg5[%select_n3A, %dma_start3A_77] : memref<10000x64xf32, #tpu.memory_space<hbm>> -> memref<624x64xf32, #tpu.memory_space<hbm>>
          tpu.enqueue_dma source(%dma_start3A_78 : memref<624x64xf32, #tpu.memory_space<hbm>>) target(%dma_start3A_76 : memref<624x64xf32, #tpu.memory_space<vmem_shared>>) target_semaphore(%run_scoped3A : memref<!tpu.dma_semaphore, #tpu.memory_space<semaphore_mem>>)
          %dma_wait3A = arith.constant 0 : i32
          %dma_wait3A_79 = tpu.memref_slice %arg14[%select_n3A, %dma_wait3A] : memref<10112x64xf32, #tpu.memory_space<vmem_shared>> -> memref<624x64xf32, #tpu.memory_space<vmem_shared>>
          %dma_wait3A_80 = arith.constant 0 : i32
          %dma_wait3A_81 = tpu.memref_slice %arg5[%select_n3A, %dma_wait3A_80] : memref<10000x64xf32, #tpu.memory_space<hbm>> -> memref<624x64xf32, #tpu.memory_space<hbm>>
          tpu.wait_dma2 semaphore(%run_scoped3A : memref<!tpu.dma_semaphore, #tpu.memory_space<semaphore_mem>>) src(%dma_wait3A_81 : memref<624x64xf32, #tpu.memory_space<hbm>>) dst(%dma_wait3A_79 : memref<624x64xf32, #tpu.memory_space<vmem_shared>>)
          tpu.yield
        }) : () -> ()
      } else {
      }
      %eq3A_71 = arith.constant 15 : i32
      %eq3A_72 = arith.cmpi eq, %arg1, %eq3A_71 : i32
      %convert_element_type3A_73 = arith.extui %eq3A_72 : i1 to i32
      %cond3A_74 = arith.constant 0 : i32
      %cond3A_75 = arith.cmpi ne, %convert_element_type3A_73, %cond3A_74 : i32
      scf.if %cond3A_75 {
        "tpu.region"() ({
          %run_scoped3A = tpu.sem_alloc : memref<!tpu.dma_semaphore, #tpu.memory_space<semaphore_mem>>
          %dma_start3A = arith.constant 0 : i32
          %dma_start3A_76 = tpu.memref_slice %arg14[%select_n3A, %dma_start3A] : memref<10112x64xf32, #tpu.memory_space<vmem_shared>> -> memref<640x64xf32, #tpu.memory_space<vmem_shared>>
          %dma_start3A_77 = arith.constant 0 : i32
          %dma_start3A_78 = tpu.memref_slice %arg5[%select_n3A, %dma_start3A_77] : memref<10000x64xf32, #tpu.memory_space<hbm>> -> memref<640x64xf32, #tpu.memory_space<hbm>>
          tpu.enqueue_dma source(%dma_start3A_78 : memref<640x64xf32, #tpu.memory_space<hbm>>) target(%dma_start3A_76 : memref<640x64xf32, #tpu.memory_space<vmem_shared>>) target_semaphore(%run_scoped3A : memref<!tpu.dma_semaphore, #tpu.memory_space<semaphore_mem>>)
          %dma_wait3A = arith.constant 0 : i32
          %dma_wait3A_79 = tpu.memref_slice %arg14[%select_n3A, %dma_wait3A] : memref<10112x64xf32, #tpu.memory_space<vmem_shared>> -> memref<640x64xf32, #tpu.memory_space<vmem_shared>>
          %dma_wait3A_80 = arith.constant 0 : i32
          %dma_wait3A_81 = tpu.memref_slice %arg5[%select_n3A, %dma_wait3A_80] : memref<10000x64xf32, #tpu.memory_space<hbm>> -> memref<640x64xf32, #tpu.memory_space<hbm>>
          tpu.wait_dma2 semaphore(%run_scoped3A : memref<!tpu.dma_semaphore, #tpu.memory_space<semaphore_mem>>) src(%dma_wait3A_81 : memref<640x64xf32, #tpu.memory_space<hbm>>) dst(%dma_wait3A_79 : memref<640x64xf32, #tpu.memory_space<vmem_shared>>)
          tpu.yield
        }) : () -> ()
      } else {
      }
    } else {
    }
    %barrier3A = arith.constant 0 : index
    tpu.barrier barrier_id(%barrier3A)
    %eq3A_11 = arith.constant 0 : i32
    %eq3A_12 = arith.cmpi eq, %arg0, %eq3A_11 : i32
    %convert_element_type3A_13 = arith.extui %eq3A_12 : i1 to i32
    %cond3A_14 = arith.constant 0 : i32
    %cond3A_15 = arith.cmpi ne, %convert_element_type3A_13, %cond3A_14 : i32
    scf.if %cond3A_15 {
      %dma_start3A = arith.constant 0 : i32
      %dma_start3A_66 = arith.constant 0 : i32
      %dma_start3A_67 = tpu.memref_slice %arg8[%dma_start3A, %dma_start3A_66] : memref<160x128xi32, #tpu.memory_space<vmem>> -> memref<1x128xi32, #tpu.memory_space<vmem>>
      %dma_start3A_68 = tpu.memref_squeeze %dma_start3A_67 : memref<1x128xi32, #tpu.memory_space<vmem>> -> memref<128xi32, #tpu.memory_space<vmem>>
      %dma_start3A_69 = arith.constant 0 : i32
      %dma_start3A_70 = arith.constant 0 : i32
      %dma_start3A_71 = tpu.memref_slice %arg4[%dma_start3A_69, %dma_start3A_70] : memref<10000x64xf32, #tpu.memory_space<hbm>> -> memref<10000x64xf32, #tpu.memory_space<hbm>>
      tpu.enqueue_indirect_dma source(%dma_start3A_71 : memref<10000x64xf32, #tpu.memory_space<hbm>>) target(%arg10 : memref<128x64xf32, #tpu.memory_space<vmem>>) offsets(%dma_start3A_68 : memref<128xi32, #tpu.memory_space<vmem>>) semaphore(%arg15 : memref<!tpu.dma_semaphore, #tpu.memory_space<semaphore_mem>>)
    } else {
    }
    %eq3A_16 = arith.constant 1 : i32
    %eq3A_17 = arith.cmpi eq, %arg0, %eq3A_16 : i32
    %convert_element_type3A_18 = arith.extui %eq3A_17 : i1 to i32
    %cond3A_19 = arith.constant 0 : i32
    %cond3A_20 = arith.cmpi ne, %convert_element_type3A_18, %cond3A_19 : i32
    scf.if %cond3A_20 {
      %dma_start3A = arith.constant 0 : i32
      %dma_start3A_66 = arith.constant 0 : i32
      %dma_start3A_67 = tpu.memref_slice %arg8[%dma_start3A, %dma_start3A_66] : memref<160x128xi32, #tpu.memory_space<vmem>> -> memref<1x128xi32, #tpu.memory_space<vmem>>
      %dma_start3A_68 = tpu.memref_squeeze %dma_start3A_67 : memref<1x128xi32, #tpu.memory_space<vmem>> -> memref<128xi32, #tpu.memory_space<vmem>>
      %dma_start3A_69 = arith.constant 0 : i32
      %dma_start3A_70 = arith.constant 0 : i32
      %dma_start3A_71 = tpu.memref_slice %arg5[%dma_start3A_69, %dma_start3A_70] : memref<10000x64xf32, #tpu.memory_space<hbm>> -> memref<10000x64xf32, #tpu.memory_space<hbm>>
      tpu.enqueue_indirect_dma source(%dma_start3A_71 : memref<10000x64xf32, #tpu.memory_space<hbm>>) target(%arg10 : memref<128x64xf32, #tpu.memory_space<vmem>>) offsets(%dma_start3A_68 : memref<128xi32, #tpu.memory_space<vmem>>) semaphore(%arg15 : memref<!tpu.dma_semaphore, #tpu.memory_space<semaphore_mem>>)
    } else {
    }
    %eq3A_21 = arith.constant 0 : i32
    %eq3A_22 = arith.cmpi eq, %arg0, %eq3A_21 : i32
    %convert_element_type3A_23 = arith.extui %eq3A_22 : i1 to i32
    %cond3A_24 = arith.constant 0 : i32
    %cond3A_25 = arith.cmpi ne, %convert_element_type3A_23, %cond3A_24 : i32
    scf.if %cond3A_25 {
      %dma_start3A = arith.constant 1 : i32
      %dma_start3A_66 = arith.constant 0 : i32
      %dma_start3A_67 = tpu.memref_slice %arg8[%dma_start3A, %dma_start3A_66] : memref<160x128xi32, #tpu.memory_space<vmem>> -> memref<1x128xi32, #tpu.memory_space<vmem>>
      %dma_start3A_68 = tpu.memref_squeeze %dma_start3A_67 : memref<1x128xi32, #tpu.memory_space<vmem>> -> memref<128xi32, #tpu.memory_space<vmem>>
      %dma_start3A_69 = arith.constant 0 : i32
      %dma_start3A_70 = arith.constant 0 : i32
      %dma_start3A_71 = tpu.memref_slice %arg4[%dma_start3A_69, %dma_start3A_70] : memref<10000x64xf32, #tpu.memory_space<hbm>> -> memref<10000x64xf32, #tpu.memory_space<hbm>>
      tpu.enqueue_indirect_dma source(%dma_start3A_71 : memref<10000x64xf32, #tpu.memory_space<hbm>>) target(%arg11 : memref<128x64xf32, #tpu.memory_space<vmem>>) offsets(%dma_start3A_68 : memref<128xi32, #tpu.memory_space<vmem>>) semaphore(%arg16 : memref<!tpu.dma_semaphore, #tpu.memory_space<semaphore_mem>>)
    } else {
    }
    %eq3A_26 = arith.constant 1 : i32
    %eq3A_27 = arith.cmpi eq, %arg0, %eq3A_26 : i32
    %convert_element_type3A_28 = arith.extui %eq3A_27 : i1 to i32
    %cond3A_29 = arith.constant 0 : i32
    %cond3A_30 = arith.cmpi ne, %convert_element_type3A_28, %cond3A_29 : i32
    scf.if %cond3A_30 {
      %dma_start3A = arith.constant 1 : i32
      %dma_start3A_66 = arith.constant 0 : i32
      %dma_start3A_67 = tpu.memref_slice %arg8[%dma_start3A, %dma_start3A_66] : memref<160x128xi32, #tpu.memory_space<vmem>> -> memref<1x128xi32, #tpu.memory_space<vmem>>
      %dma_start3A_68 = tpu.memref_squeeze %dma_start3A_67 : memref<1x128xi32, #tpu.memory_space<vmem>> -> memref<128xi32, #tpu.memory_space<vmem>>
      %dma_start3A_69 = arith.constant 0 : i32
      %dma_start3A_70 = arith.constant 0 : i32
      %dma_start3A_71 = tpu.memref_slice %arg5[%dma_start3A_69, %dma_start3A_70] : memref<10000x64xf32, #tpu.memory_space<hbm>> -> memref<10000x64xf32, #tpu.memory_space<hbm>>
      tpu.enqueue_indirect_dma source(%dma_start3A_71 : memref<10000x64xf32, #tpu.memory_space<hbm>>) target(%arg11 : memref<128x64xf32, #tpu.memory_space<vmem>>) offsets(%dma_start3A_68 : memref<128xi32, #tpu.memory_space<vmem>>) semaphore(%arg16 : memref<!tpu.dma_semaphore, #tpu.memory_space<semaphore_mem>>)
    } else {
    }
    %eq3A_31 = arith.constant 0 : i32
    %eq3A_32 = arith.cmpi eq, %arg0, %eq3A_31 : i32
    %convert_element_type3A_33 = arith.extui %eq3A_32 : i1 to i32
    %cond3A_34 = arith.constant 0 : i32
    %cond3A_35 = arith.cmpi ne, %convert_element_type3A_33, %cond3A_34 : i32
    scf.if %cond3A_35 {
      %dma_start3A = arith.constant 2 : i32
      %dma_start3A_66 = arith.constant 0 : i32
      %dma_start3A_67 = tpu.memref_slice %arg8[%dma_start3A, %dma_start3A_66] : memref<160x128xi32, #tpu.memory_space<vmem>> -> memref<1x128xi32, #tpu.memory_space<vmem>>
      %dma_start3A_68 = tpu.memref_squeeze %dma_start3A_67 : memref<1x128xi32, #tpu.memory_space<vmem>> -> memref<128xi32, #tpu.memory_space<vmem>>
      %dma_start3A_69 = arith.constant 0 : i32
      %dma_start3A_70 = arith.constant 0 : i32
      %dma_start3A_71 = tpu.memref_slice %arg4[%dma_start3A_69, %dma_start3A_70] : memref<10000x64xf32, #tpu.memory_space<hbm>> -> memref<10000x64xf32, #tpu.memory_space<hbm>>
      tpu.enqueue_indirect_dma source(%dma_start3A_71 : memref<10000x64xf32, #tpu.memory_space<hbm>>) target(%arg12 : memref<128x64xf32, #tpu.memory_space<vmem>>) offsets(%dma_start3A_68 : memref<128xi32, #tpu.memory_space<vmem>>) semaphore(%arg17 : memref<!tpu.dma_semaphore, #tpu.memory_space<semaphore_mem>>)
    } else {
    }
    %eq3A_36 = arith.constant 1 : i32
    %eq3A_37 = arith.cmpi eq, %arg0, %eq3A_36 : i32
    %convert_element_type3A_38 = arith.extui %eq3A_37 : i1 to i32
    %cond3A_39 = arith.constant 0 : i32
    %cond3A_40 = arith.cmpi ne, %convert_element_type3A_38, %cond3A_39 : i32
    scf.if %cond3A_40 {
      %dma_start3A = arith.constant 2 : i32
      %dma_start3A_66 = arith.constant 0 : i32
      %dma_start3A_67 = tpu.memref_slice %arg8[%dma_start3A, %dma_start3A_66] : memref<160x128xi32, #tpu.memory_space<vmem>> -> memref<1x128xi32, #tpu.memory_space<vmem>>
      %dma_start3A_68 = tpu.memref_squeeze %dma_start3A_67 : memref<1x128xi32, #tpu.memory_space<vmem>> -> memref<128xi32, #tpu.memory_space<vmem>>
      %dma_start3A_69 = arith.constant 0 : i32
      %dma_start3A_70 = arith.constant 0 : i32
      %dma_start3A_71 = tpu.memref_slice %arg5[%dma_start3A_69, %dma_start3A_70] : memref<10000x64xf32, #tpu.memory_space<hbm>> -> memref<10000x64xf32, #tpu.memory_space<hbm>>
      tpu.enqueue_indirect_dma source(%dma_start3A_71 : memref<10000x64xf32, #tpu.memory_space<hbm>>) target(%arg12 : memref<128x64xf32, #tpu.memory_space<vmem>>) offsets(%dma_start3A_68 : memref<128xi32, #tpu.memory_space<vmem>>) semaphore(%arg17 : memref<!tpu.dma_semaphore, #tpu.memory_space<semaphore_mem>>)
    } else {
    }
    %eq3A_41 = arith.constant 0 : i32
    %eq3A_42 = arith.cmpi eq, %arg0, %eq3A_41 : i32
    %convert_element_type3A_43 = arith.extui %eq3A_42 : i1 to i32
    %cond3A_44 = arith.constant 0 : i32
    %cond3A_45 = arith.cmpi ne, %convert_element_type3A_43, %cond3A_44 : i32
    scf.if %cond3A_45 {
      %dma_start3A = arith.constant 3 : i32
      %dma_start3A_66 = arith.constant 0 : i32
      %dma_start3A_67 = tpu.memref_slice %arg8[%dma_start3A, %dma_start3A_66] : memref<160x128xi32, #tpu.memory_space<vmem>> -> memref<1x128xi32, #tpu.memory_space<vmem>>
      %dma_start3A_68 = tpu.memref_squeeze %dma_start3A_67 : memref<1x128xi32, #tpu.memory_space<vmem>> -> memref<128xi32, #tpu.memory_space<vmem>>
      %dma_start3A_69 = arith.constant 0 : i32
      %dma_start3A_70 = arith.constant 0 : i32
      %dma_start3A_71 = tpu.memref_slice %arg4[%dma_start3A_69, %dma_start3A_70] : memref<10000x64xf32, #tpu.memory_space<hbm>> -> memref<10000x64xf32, #tpu.memory_space<hbm>>
      tpu.enqueue_indirect_dma source(%dma_start3A_71 : memref<10000x64xf32, #tpu.memory_space<hbm>>) target(%arg13 : memref<128x64xf32, #tpu.memory_space<vmem>>) offsets(%dma_start3A_68 : memref<128xi32, #tpu.memory_space<vmem>>) semaphore(%arg18 : memref<!tpu.dma_semaphore, #tpu.memory_space<semaphore_mem>>)
    } else {
    }
    %eq3A_46 = arith.constant 1 : i32
    %eq3A_47 = arith.cmpi eq, %arg0, %eq3A_46 : i32
    %convert_element_type3A_48 = arith.extui %eq3A_47 : i1 to i32
    %cond3A_49 = arith.constant 0 : i32
    %cond3A_50 = arith.cmpi ne, %convert_element_type3A_48, %cond3A_49 : i32
    scf.if %cond3A_50 {
      %dma_start3A = arith.constant 3 : i32
      %dma_start3A_66 = arith.constant 0 : i32
      %dma_start3A_67 = tpu.memref_slice %arg8[%dma_start3A, %dma_start3A_66] : memref<160x128xi32, #tpu.memory_space<vmem>> -> memref<1x128xi32, #tpu.memory_space<vmem>>
      %dma_start3A_68 = tpu.memref_squeeze %dma_start3A_67 : memref<1x128xi32, #tpu.memory_space<vmem>> -> memref<128xi32, #tpu.memory_space<vmem>>
      %dma_start3A_69 = arith.constant 0 : i32
      %dma_start3A_70 = arith.constant 0 : i32
      %dma_start3A_71 = tpu.memref_slice %arg5[%dma_start3A_69, %dma_start3A_70] : memref<10000x64xf32, #tpu.memory_space<hbm>> -> memref<10000x64xf32, #tpu.memory_space<hbm>>
      tpu.enqueue_indirect_dma source(%dma_start3A_71 : memref<10000x64xf32, #tpu.memory_space<hbm>>) target(%arg13 : memref<128x64xf32, #tpu.memory_space<vmem>>) offsets(%dma_start3A_68 : memref<128xi32, #tpu.memory_space<vmem>>) semaphore(%arg18 : memref<!tpu.dma_semaphore, #tpu.memory_space<semaphore_mem>>)
    } else {
    }
    %scan3A = arith.constant 0 : i32
    %scan3A_51 = arith.constant 40 : i32
    %scan3A_52 = arith.addi %scan3A, %scan3A_51 : i32
    %scan3A_53 = arith.constant 1 : i32
    scf.for %scan3A_66 = %scan3A to %scan3A_52 step %scan3A_53  : i32 {
      %mul3A_67 = arith.constant 4 : i32
      %mul3A_68 = arith.muli %scan3A_66, %mul3A_67 : i32
      %add3A = arith.constant 0 : i32
      %add3A_69 = arith.addi %add3A, %mul3A_68 : i32
      %dma_wait3A = arith.constant 0 : i32
      %dma_wait3A_70 = arith.constant 0 : i32
      %dma_wait3A_71 = tpu.memref_slice %arg8[%dma_wait3A, %dma_wait3A_70] : memref<160x128xi32, #tpu.memory_space<vmem>> -> memref<1x128xi32, #tpu.memory_space<vmem>>
      %dma_wait3A_72 = tpu.memref_squeeze %dma_wait3A_71 : memref<1x128xi32, #tpu.memory_space<vmem>> -> memref<128xi32, #tpu.memory_space<vmem>>
      %dma_wait3A_73 = arith.constant 0 : i32
      %dma_wait3A_74 = arith.constant 0 : i32
      %dma_wait3A_75 = tpu.memref_slice %arg4[%dma_wait3A_73, %dma_wait3A_74] : memref<10000x64xf32, #tpu.memory_space<hbm>> -> memref<10000x64xf32, #tpu.memory_space<hbm>>
      tpu.wait_indirect_dma semaphore(%arg15 : memref<!tpu.dma_semaphore, #tpu.memory_space<semaphore_mem>>) src(%dma_wait3A_75 : memref<10000x64xf32, #tpu.memory_space<hbm>>) dst(%arg10 : memref<128x64xf32, #tpu.memory_space<vmem>>)
      %add3A_76 = arith.constant 0 : i32
      %add3A_77 = arith.addi %add3A_69, %add3A_76 : i32
      %dma_start3A = arith.constant 0 : i32
      %dma_start3A_78 = tpu.memref_slice %arg9[%add3A_77, %dma_start3A] : memref<160x128xi32, #tpu.memory_space<vmem>> -> memref<1x128xi32, #tpu.memory_space<vmem>>
      %dma_start3A_79 = tpu.memref_squeeze %dma_start3A_78 : memref<1x128xi32, #tpu.memory_space<vmem>> -> memref<128xi32, #tpu.memory_space<vmem>>
      %dma_start3A_80 = arith.constant 0 : i32
      %dma_start3A_81 = arith.constant 0 : i32
      %dma_start3A_82 = tpu.memref_slice %arg14[%dma_start3A_80, %dma_start3A_81] : memref<10112x64xf32, #tpu.memory_space<vmem_shared>> -> memref<10112x64xf32, #tpu.memory_space<vmem_shared>>
      tpu.enqueue_indirect_dma source(%arg10 : memref<128x64xf32, #tpu.memory_space<vmem>>) target(%dma_start3A_82 : memref<10112x64xf32, #tpu.memory_space<vmem_shared>>) offsets(%dma_start3A_79 : memref<128xi32, #tpu.memory_space<vmem>>) semaphore(%arg19 : memref<!tpu.dma_semaphore, #tpu.memory_space<semaphore_mem>>) {add = true}
      %dma_wait3A_83 = arith.constant 0 : i32
      %dma_wait3A_84 = arith.constant 0 : i32
      %dma_wait3A_85 = tpu.memref_slice %arg8[%dma_wait3A_83, %dma_wait3A_84] : memref<160x128xi32, #tpu.memory_space<vmem>> -> memref<1x128xi32, #tpu.memory_space<vmem>>
      %dma_wait3A_86 = tpu.memref_squeeze %dma_wait3A_85 : memref<1x128xi32, #tpu.memory_space<vmem>> -> memref<128xi32, #tpu.memory_space<vmem>>
      %dma_wait3A_87 = arith.constant 0 : i32
      %dma_wait3A_88 = arith.constant 0 : i32
      %dma_wait3A_89 = tpu.memref_slice %arg4[%dma_wait3A_87, %dma_wait3A_88] : memref<10000x64xf32, #tpu.memory_space<hbm>> -> memref<10000x64xf32, #tpu.memory_space<hbm>>
      tpu.wait_indirect_dma semaphore(%arg16 : memref<!tpu.dma_semaphore, #tpu.memory_space<semaphore_mem>>) src(%dma_wait3A_89 : memref<10000x64xf32, #tpu.memory_space<hbm>>) dst(%arg11 : memref<128x64xf32, #tpu.memory_space<vmem>>)
      %add3A_90 = arith.constant 1 : i32
      %add3A_91 = arith.addi %add3A_69, %add3A_90 : i32
      %dma_start3A_92 = arith.constant 0 : i32
      %dma_start3A_93 = tpu.memref_slice %arg9[%add3A_91, %dma_start3A_92] : memref<160x128xi32, #tpu.memory_space<vmem>> -> memref<1x128xi32, #tpu.memory_space<vmem>>
      %dma_start3A_94 = tpu.memref_squeeze %dma_start3A_93 : memref<1x128xi32, #tpu.memory_space<vmem>> -> memref<128xi32, #tpu.memory_space<vmem>>
      %dma_start3A_95 = arith.constant 0 : i32
      %dma_start3A_96 = arith.constant 0 : i32
      %dma_start3A_97 = tpu.memref_slice %arg14[%dma_start3A_95, %dma_start3A_96] : memref<10112x64xf32, #tpu.memory_space<vmem_shared>> -> memref<10112x64xf32, #tpu.memory_space<vmem_shared>>
      tpu.enqueue_indirect_dma source(%arg11 : memref<128x64xf32, #tpu.memory_space<vmem>>) target(%dma_start3A_97 : memref<10112x64xf32, #tpu.memory_space<vmem_shared>>) offsets(%dma_start3A_94 : memref<128xi32, #tpu.memory_space<vmem>>) semaphore(%arg20 : memref<!tpu.dma_semaphore, #tpu.memory_space<semaphore_mem>>) {add = true}
      %dma_wait3A_98 = arith.constant 0 : i32
      %dma_wait3A_99 = arith.constant 0 : i32
      %dma_wait3A_100 = tpu.memref_slice %arg8[%dma_wait3A_98, %dma_wait3A_99] : memref<160x128xi32, #tpu.memory_space<vmem>> -> memref<1x128xi32, #tpu.memory_space<vmem>>
      %dma_wait3A_101 = tpu.memref_squeeze %dma_wait3A_100 : memref<1x128xi32, #tpu.memory_space<vmem>> -> memref<128xi32, #tpu.memory_space<vmem>>
      %dma_wait3A_102 = arith.constant 0 : i32
      %dma_wait3A_103 = arith.constant 0 : i32
      %dma_wait3A_104 = tpu.memref_slice %arg4[%dma_wait3A_102, %dma_wait3A_103] : memref<10000x64xf32, #tpu.memory_space<hbm>> -> memref<10000x64xf32, #tpu.memory_space<hbm>>
      tpu.wait_indirect_dma semaphore(%arg17 : memref<!tpu.dma_semaphore, #tpu.memory_space<semaphore_mem>>) src(%dma_wait3A_104 : memref<10000x64xf32, #tpu.memory_space<hbm>>) dst(%arg12 : memref<128x64xf32, #tpu.memory_space<vmem>>)
      %add3A_105 = arith.constant 2 : i32
      %add3A_106 = arith.addi %add3A_69, %add3A_105 : i32
      %dma_start3A_107 = arith.constant 0 : i32
      %dma_start3A_108 = tpu.memref_slice %arg9[%add3A_106, %dma_start3A_107] : memref<160x128xi32, #tpu.memory_space<vmem>> -> memref<1x128xi32, #tpu.memory_space<vmem>>
      %dma_start3A_109 = tpu.memref_squeeze %dma_start3A_108 : memref<1x128xi32, #tpu.memory_space<vmem>> -> memref<128xi32, #tpu.memory_space<vmem>>
      %dma_start3A_110 = arith.constant 0 : i32
      %dma_start3A_111 = arith.constant 0 : i32
      %dma_start3A_112 = tpu.memref_slice %arg14[%dma_start3A_110, %dma_start3A_111] : memref<10112x64xf32, #tpu.memory_space<vmem_shared>> -> memref<10112x64xf32, #tpu.memory_space<vmem_shared>>
      tpu.enqueue_indirect_dma source(%arg12 : memref<128x64xf32, #tpu.memory_space<vmem>>) target(%dma_start3A_112 : memref<10112x64xf32, #tpu.memory_space<vmem_shared>>) offsets(%dma_start3A_109 : memref<128xi32, #tpu.memory_space<vmem>>) semaphore(%arg21 : memref<!tpu.dma_semaphore, #tpu.memory_space<semaphore_mem>>) {add = true}
      %dma_wait3A_113 = arith.constant 0 : i32
      %dma_wait3A_114 = arith.constant 0 : i32
      %dma_wait3A_115 = tpu.memref_slice %arg8[%dma_wait3A_113, %dma_wait3A_114] : memref<160x128xi32, #tpu.memory_space<vmem>> -> memref<1x128xi32, #tpu.memory_space<vmem>>
      %dma_wait3A_116 = tpu.memref_squeeze %dma_wait3A_115 : memref<1x128xi32, #tpu.memory_space<vmem>> -> memref<128xi32, #tpu.memory_space<vmem>>
      %dma_wait3A_117 = arith.constant 0 : i32
      %dma_wait3A_118 = arith.constant 0 : i32
      %dma_wait3A_119 = tpu.memref_slice %arg4[%dma_wait3A_117, %dma_wait3A_118] : memref<10000x64xf32, #tpu.memory_space<hbm>> -> memref<10000x64xf32, #tpu.memory_space<hbm>>
      tpu.wait_indirect_dma semaphore(%arg18 : memref<!tpu.dma_semaphore, #tpu.memory_space<semaphore_mem>>) src(%dma_wait3A_119 : memref<10000x64xf32, #tpu.memory_space<hbm>>) dst(%arg13 : memref<128x64xf32, #tpu.memory_space<vmem>>)
      %add3A_120 = arith.constant 3 : i32
      %add3A_121 = arith.addi %add3A_69, %add3A_120 : i32
      %dma_start3A_122 = arith.constant 0 : i32
      %dma_start3A_123 = tpu.memref_slice %arg9[%add3A_121, %dma_start3A_122] : memref<160x128xi32, #tpu.memory_space<vmem>> -> memref<1x128xi32, #tpu.memory_space<vmem>>
      %dma_start3A_124 = tpu.memref_squeeze %dma_start3A_123 : memref<1x128xi32, #tpu.memory_space<vmem>> -> memref<128xi32, #tpu.memory_space<vmem>>
      %dma_start3A_125 = arith.constant 0 : i32
      %dma_start3A_126 = arith.constant 0 : i32
      %dma_start3A_127 = tpu.memref_slice %arg14[%dma_start3A_125, %dma_start3A_126] : memref<10112x64xf32, #tpu.memory_space<vmem_shared>> -> memref<10112x64xf32, #tpu.memory_space<vmem_shared>>
      tpu.enqueue_indirect_dma source(%arg13 : memref<128x64xf32, #tpu.memory_space<vmem>>) target(%dma_start3A_127 : memref<10112x64xf32, #tpu.memory_space<vmem_shared>>) offsets(%dma_start3A_124 : memref<128xi32, #tpu.memory_space<vmem>>) semaphore(%arg22 : memref<!tpu.dma_semaphore, #tpu.memory_space<semaphore_mem>>) {add = true}
      %dma_wait3A_128 = arith.constant 0 : i32
      %dma_wait3A_129 = arith.constant 0 : i32
      %dma_wait3A_130 = tpu.memref_slice %arg9[%dma_wait3A_128, %dma_wait3A_129] : memref<160x128xi32, #tpu.memory_space<vmem>> -> memref<1x128xi32, #tpu.memory_space<vmem>>
      %dma_wait3A_131 = tpu.memref_squeeze %dma_wait3A_130 : memref<1x128xi32, #tpu.memory_space<vmem>> -> memref<128xi32, #tpu.memory_space<vmem>>
      %dma_wait3A_132 = arith.constant 0 : i32
      %dma_wait3A_133 = arith.constant 0 : i32
      %dma_wait3A_134 = tpu.memref_slice %arg14[%dma_wait3A_132, %dma_wait3A_133] : memref<10112x64xf32, #tpu.memory_space<vmem_shared>> -> memref<10112x64xf32, #tpu.memory_space<vmem_shared>>
      tpu.wait_indirect_dma semaphore(%arg19 : memref<!tpu.dma_semaphore, #tpu.memory_space<semaphore_mem>>) src(%arg10 : memref<128x64xf32, #tpu.memory_space<vmem>>) dst(%dma_wait3A_134 : memref<10112x64xf32, #tpu.memory_space<vmem_shared>>)
      %add3A_135 = arith.constant 4 : i32
      %add3A_136 = arith.addi %add3A_69, %add3A_135 : i32
      %add3A_137 = arith.constant 0 : i32
      %add3A_138 = arith.addi %add3A_136, %add3A_137 : i32
      %lt3A_139 = arith.constant 160 : i32
      %lt3A_140 = arith.cmpi slt, %add3A_138, %lt3A_139 : i32
      %convert_element_type3A_141 = arith.extui %lt3A_140 : i1 to i32
      %cond3A_142 = arith.constant 0 : i32
      %cond3A_143 = arith.cmpi ne, %convert_element_type3A_141, %cond3A_142 : i32
      scf.if %cond3A_143 {
        %add3A_192 = arith.constant 4 : i32
        %add3A_193 = arith.addi %add3A_69, %add3A_192 : i32
        %add3A_194 = arith.constant 0 : i32
        %add3A_195 = arith.addi %add3A_193, %add3A_194 : i32
        %eq3A_196 = arith.constant 0 : i32
        %eq3A_197 = arith.cmpi eq, %arg0, %eq3A_196 : i32
        %convert_element_type3A_198 = arith.extui %eq3A_197 : i1 to i32
        %cond3A_199 = arith.constant 0 : i32
        %cond3A_200 = arith.cmpi ne, %convert_element_type3A_198, %cond3A_199 : i32
        scf.if %cond3A_200 {
          %dma_start3A_206 = arith.constant 0 : i32
          %dma_start3A_207 = tpu.memref_slice %arg8[%add3A_195, %dma_start3A_206] : memref<160x128xi32, #tpu.memory_space<vmem>> -> memref<1x128xi32, #tpu.memory_space<vmem>>
          %dma_start3A_208 = tpu.memref_squeeze %dma_start3A_207 : memref<1x128xi32, #tpu.memory_space<vmem>> -> memref<128xi32, #tpu.memory_space<vmem>>
          %dma_start3A_209 = arith.constant 0 : i32
          %dma_start3A_210 = arith.constant 0 : i32
          %dma_start3A_211 = tpu.memref_slice %arg4[%dma_start3A_209, %dma_start3A_210] : memref<10000x64xf32, #tpu.memory_space<hbm>> -> memref<10000x64xf32, #tpu.memory_space<hbm>>
          tpu.enqueue_indirect_dma source(%dma_start3A_211 : memref<10000x64xf32, #tpu.memory_space<hbm>>) target(%arg10 : memref<128x64xf32, #tpu.memory_space<vmem>>) offsets(%dma_start3A_208 : memref<128xi32, #tpu.memory_space<vmem>>) semaphore(%arg15 : memref<!tpu.dma_semaphore, #tpu.memory_space<semaphore_mem>>)
        } else {
        }
        %eq3A_201 = arith.constant 1 : i32
        %eq3A_202 = arith.cmpi eq, %arg0, %eq3A_201 : i32
        %convert_element_type3A_203 = arith.extui %eq3A_202 : i1 to i32
        %cond3A_204 = arith.constant 0 : i32
        %cond3A_205 = arith.cmpi ne, %convert_element_type3A_203, %cond3A_204 : i32
        scf.if %cond3A_205 {
          %dma_start3A_206 = arith.constant 0 : i32
          %dma_start3A_207 = tpu.memref_slice %arg8[%add3A_195, %dma_start3A_206] : memref<160x128xi32, #tpu.memory_space<vmem>> -> memref<1x128xi32, #tpu.memory_space<vmem>>
          %dma_start3A_208 = tpu.memref_squeeze %dma_start3A_207 : memref<1x128xi32, #tpu.memory_space<vmem>> -> memref<128xi32, #tpu.memory_space<vmem>>
          %dma_start3A_209 = arith.constant 0 : i32
          %dma_start3A_210 = arith.constant 0 : i32
          %dma_start3A_211 = tpu.memref_slice %arg5[%dma_start3A_209, %dma_start3A_210] : memref<10000x64xf32, #tpu.memory_space<hbm>> -> memref<10000x64xf32, #tpu.memory_space<hbm>>
          tpu.enqueue_indirect_dma source(%dma_start3A_211 : memref<10000x64xf32, #tpu.memory_space<hbm>>) target(%arg10 : memref<128x64xf32, #tpu.memory_space<vmem>>) offsets(%dma_start3A_208 : memref<128xi32, #tpu.memory_space<vmem>>) semaphore(%arg15 : memref<!tpu.dma_semaphore, #tpu.memory_space<semaphore_mem>>)
        } else {
        }
      } else {
      }
      %dma_wait3A_144 = arith.constant 0 : i32
      %dma_wait3A_145 = arith.constant 0 : i32
      %dma_wait3A_146 = tpu.memref_slice %arg9[%dma_wait3A_144, %dma_wait3A_145] : memref<160x128xi32, #tpu.memory_space<vmem>> -> memref<1x128xi32, #tpu.memory_space<vmem>>
      %dma_wait3A_147 = tpu.memref_squeeze %dma_wait3A_146 : memref<1x128xi32, #tpu.memory_space<vmem>> -> memref<128xi32, #tpu.memory_space<vmem>>
      %dma_wait3A_148 = arith.constant 0 : i32
      %dma_wait3A_149 = arith.constant 0 : i32
      %dma_wait3A_150 = tpu.memref_slice %arg14[%dma_wait3A_148, %dma_wait3A_149] : memref<10112x64xf32, #tpu.memory_space<vmem_shared>> -> memref<10112x64xf32, #tpu.memory_space<vmem_shared>>
      tpu.wait_indirect_dma semaphore(%arg20 : memref<!tpu.dma_semaphore, #tpu.memory_space<semaphore_mem>>) src(%arg11 : memref<128x64xf32, #tpu.memory_space<vmem>>) dst(%dma_wait3A_150 : memref<10112x64xf32, #tpu.memory_space<vmem_shared>>)
      %add3A_151 = arith.constant 4 : i32
      %add3A_152 = arith.addi %add3A_69, %add3A_151 : i32
      %add3A_153 = arith.constant 1 : i32
      %add3A_154 = arith.addi %add3A_152, %add3A_153 : i32
      %lt3A_155 = arith.constant 160 : i32
      %lt3A_156 = arith.cmpi slt, %add3A_154, %lt3A_155 : i32
      %convert_element_type3A_157 = arith.extui %lt3A_156 : i1 to i32
      %cond3A_158 = arith.constant 0 : i32
      %cond3A_159 = arith.cmpi ne, %convert_element_type3A_157, %cond3A_158 : i32
      scf.if %cond3A_159 {
        %add3A_192 = arith.constant 4 : i32
        %add3A_193 = arith.addi %add3A_69, %add3A_192 : i32
        %add3A_194 = arith.constant 1 : i32
        %add3A_195 = arith.addi %add3A_193, %add3A_194 : i32
        %eq3A_196 = arith.constant 0 : i32
        %eq3A_197 = arith.cmpi eq, %arg0, %eq3A_196 : i32
        %convert_element_type3A_198 = arith.extui %eq3A_197 : i1 to i32
        %cond3A_199 = arith.constant 0 : i32
        %cond3A_200 = arith.cmpi ne, %convert_element_type3A_198, %cond3A_199 : i32
        scf.if %cond3A_200 {
          %dma_start3A_206 = arith.constant 0 : i32
          %dma_start3A_207 = tpu.memref_slice %arg8[%add3A_195, %dma_start3A_206] : memref<160x128xi32, #tpu.memory_space<vmem>> -> memref<1x128xi32, #tpu.memory_space<vmem>>
          %dma_start3A_208 = tpu.memref_squeeze %dma_start3A_207 : memref<1x128xi32, #tpu.memory_space<vmem>> -> memref<128xi32, #tpu.memory_space<vmem>>
          %dma_start3A_209 = arith.constant 0 : i32
          %dma_start3A_210 = arith.constant 0 : i32
          %dma_start3A_211 = tpu.memref_slice %arg4[%dma_start3A_209, %dma_start3A_210] : memref<10000x64xf32, #tpu.memory_space<hbm>> -> memref<10000x64xf32, #tpu.memory_space<hbm>>
          tpu.enqueue_indirect_dma source(%dma_start3A_211 : memref<10000x64xf32, #tpu.memory_space<hbm>>) target(%arg11 : memref<128x64xf32, #tpu.memory_space<vmem>>) offsets(%dma_start3A_208 : memref<128xi32, #tpu.memory_space<vmem>>) semaphore(%arg16 : memref<!tpu.dma_semaphore, #tpu.memory_space<semaphore_mem>>)
        } else {
        }
        %eq3A_201 = arith.constant 1 : i32
        %eq3A_202 = arith.cmpi eq, %arg0, %eq3A_201 : i32
        %convert_element_type3A_203 = arith.extui %eq3A_202 : i1 to i32
        %cond3A_204 = arith.constant 0 : i32
        %cond3A_205 = arith.cmpi ne, %convert_element_type3A_203, %cond3A_204 : i32
        scf.if %cond3A_205 {
          %dma_start3A_206 = arith.constant 0 : i32
          %dma_start3A_207 = tpu.memref_slice %arg8[%add3A_195, %dma_start3A_206] : memref<160x128xi32, #tpu.memory_space<vmem>> -> memref<1x128xi32, #tpu.memory_space<vmem>>
          %dma_start3A_208 = tpu.memref_squeeze %dma_start3A_207 : memref<1x128xi32, #tpu.memory_space<vmem>> -> memref<128xi32, #tpu.memory_space<vmem>>
          %dma_start3A_209 = arith.constant 0 : i32
          %dma_start3A_210 = arith.constant 0 : i32
          %dma_start3A_211 = tpu.memref_slice %arg5[%dma_start3A_209, %dma_start3A_210] : memref<10000x64xf32, #tpu.memory_space<hbm>> -> memref<10000x64xf32, #tpu.memory_space<hbm>>
          tpu.enqueue_indirect_dma source(%dma_start3A_211 : memref<10000x64xf32, #tpu.memory_space<hbm>>) target(%arg11 : memref<128x64xf32, #tpu.memory_space<vmem>>) offsets(%dma_start3A_208 : memref<128xi32, #tpu.memory_space<vmem>>) semaphore(%arg16 : memref<!tpu.dma_semaphore, #tpu.memory_space<semaphore_mem>>)
        } else {
        }
      } else {
      }
      %dma_wait3A_160 = arith.constant 0 : i32
      %dma_wait3A_161 = arith.constant 0 : i32
      %dma_wait3A_162 = tpu.memref_slice %arg9[%dma_wait3A_160, %dma_wait3A_161] : memref<160x128xi32, #tpu.memory_space<vmem>> -> memref<1x128xi32, #tpu.memory_space<vmem>>
      %dma_wait3A_163 = tpu.memref_squeeze %dma_wait3A_162 : memref<1x128xi32, #tpu.memory_space<vmem>> -> memref<128xi32, #tpu.memory_space<vmem>>
      %dma_wait3A_164 = arith.constant 0 : i32
      %dma_wait3A_165 = arith.constant 0 : i32
      %dma_wait3A_166 = tpu.memref_slice %arg14[%dma_wait3A_164, %dma_wait3A_165] : memref<10112x64xf32, #tpu.memory_space<vmem_shared>> -> memref<10112x64xf32, #tpu.memory_space<vmem_shared>>
      tpu.wait_indirect_dma semaphore(%arg21 : memref<!tpu.dma_semaphore, #tpu.memory_space<semaphore_mem>>) src(%arg12 : memref<128x64xf32, #tpu.memory_space<vmem>>) dst(%dma_wait3A_166 : memref<10112x64xf32, #tpu.memory_space<vmem_shared>>)
      %add3A_167 = arith.constant 4 : i32
      %add3A_168 = arith.addi %add3A_69, %add3A_167 : i32
      %add3A_169 = arith.constant 2 : i32
      %add3A_170 = arith.addi %add3A_168, %add3A_169 : i32
      %lt3A_171 = arith.constant 160 : i32
      %lt3A_172 = arith.cmpi slt, %add3A_170, %lt3A_171 : i32
      %convert_element_type3A_173 = arith.extui %lt3A_172 : i1 to i32
      %cond3A_174 = arith.constant 0 : i32
      %cond3A_175 = arith.cmpi ne, %convert_element_type3A_173, %cond3A_174 : i32
      scf.if %cond3A_175 {
        %add3A_192 = arith.constant 4 : i32
        %add3A_193 = arith.addi %add3A_69, %add3A_192 : i32
        %add3A_194 = arith.constant 2 : i32
        %add3A_195 = arith.addi %add3A_193, %add3A_194 : i32
        %eq3A_196 = arith.constant 0 : i32
        %eq3A_197 = arith.cmpi eq, %arg0, %eq3A_196 : i32
        %convert_element_type3A_198 = arith.extui %eq3A_197 : i1 to i32
        %cond3A_199 = arith.constant 0 : i32
        %cond3A_200 = arith.cmpi ne, %convert_element_type3A_198, %cond3A_199 : i32
        scf.if %cond3A_200 {
          %dma_start3A_206 = arith.constant 0 : i32
          %dma_start3A_207 = tpu.memref_slice %arg8[%add3A_195, %dma_start3A_206] : memref<160x128xi32, #tpu.memory_space<vmem>> -> memref<1x128xi32, #tpu.memory_space<vmem>>
          %dma_start3A_208 = tpu.memref_squeeze %dma_start3A_207 : memref<1x128xi32, #tpu.memory_space<vmem>> -> memref<128xi32, #tpu.memory_space<vmem>>
          %dma_start3A_209 = arith.constant 0 : i32
          %dma_start3A_210 = arith.constant 0 : i32
          %dma_start3A_211 = tpu.memref_slice %arg4[%dma_start3A_209, %dma_start3A_210] : memref<10000x64xf32, #tpu.memory_space<hbm>> -> memref<10000x64xf32, #tpu.memory_space<hbm>>
          tpu.enqueue_indirect_dma source(%dma_start3A_211 : memref<10000x64xf32, #tpu.memory_space<hbm>>) target(%arg12 : memref<128x64xf32, #tpu.memory_space<vmem>>) offsets(%dma_start3A_208 : memref<128xi32, #tpu.memory_space<vmem>>) semaphore(%arg17 : memref<!tpu.dma_semaphore, #tpu.memory_space<semaphore_mem>>)
        } else {
        }
        %eq3A_201 = arith.constant 1 : i32
        %eq3A_202 = arith.cmpi eq, %arg0, %eq3A_201 : i32
        %convert_element_type3A_203 = arith.extui %eq3A_202 : i1 to i32
        %cond3A_204 = arith.constant 0 : i32
        %cond3A_205 = arith.cmpi ne, %convert_element_type3A_203, %cond3A_204 : i32
        scf.if %cond3A_205 {
          %dma_start3A_206 = arith.constant 0 : i32
          %dma_start3A_207 = tpu.memref_slice %arg8[%add3A_195, %dma_start3A_206] : memref<160x128xi32, #tpu.memory_space<vmem>> -> memref<1x128xi32, #tpu.memory_space<vmem>>
          %dma_start3A_208 = tpu.memref_squeeze %dma_start3A_207 : memref<1x128xi32, #tpu.memory_space<vmem>> -> memref<128xi32, #tpu.memory_space<vmem>>
          %dma_start3A_209 = arith.constant 0 : i32
          %dma_start3A_210 = arith.constant 0 : i32
          %dma_start3A_211 = tpu.memref_slice %arg5[%dma_start3A_209, %dma_start3A_210] : memref<10000x64xf32, #tpu.memory_space<hbm>> -> memref<10000x64xf32, #tpu.memory_space<hbm>>
          tpu.enqueue_indirect_dma source(%dma_start3A_211 : memref<10000x64xf32, #tpu.memory_space<hbm>>) target(%arg12 : memref<128x64xf32, #tpu.memory_space<vmem>>) offsets(%dma_start3A_208 : memref<128xi32, #tpu.memory_space<vmem>>) semaphore(%arg17 : memref<!tpu.dma_semaphore, #tpu.memory_space<semaphore_mem>>)
        } else {
        }
      } else {
      }
      %dma_wait3A_176 = arith.constant 0 : i32
      %dma_wait3A_177 = arith.constant 0 : i32
      %dma_wait3A_178 = tpu.memref_slice %arg9[%dma_wait3A_176, %dma_wait3A_177] : memref<160x128xi32, #tpu.memory_space<vmem>> -> memref<1x128xi32, #tpu.memory_space<vmem>>
      %dma_wait3A_179 = tpu.memref_squeeze %dma_wait3A_178 : memref<1x128xi32, #tpu.memory_space<vmem>> -> memref<128xi32, #tpu.memory_space<vmem>>
      %dma_wait3A_180 = arith.constant 0 : i32
      %dma_wait3A_181 = arith.constant 0 : i32
      %dma_wait3A_182 = tpu.memref_slice %arg14[%dma_wait3A_180, %dma_wait3A_181] : memref<10112x64xf32, #tpu.memory_space<vmem_shared>> -> memref<10112x64xf32, #tpu.memory_space<vmem_shared>>
      tpu.wait_indirect_dma semaphore(%arg22 : memref<!tpu.dma_semaphore, #tpu.memory_space<semaphore_mem>>) src(%arg13 : memref<128x64xf32, #tpu.memory_space<vmem>>) dst(%dma_wait3A_182 : memref<10112x64xf32, #tpu.memory_space<vmem_shared>>)
      %add3A_183 = arith.constant 4 : i32
      %add3A_184 = arith.addi %add3A_69, %add3A_183 : i32
      %add3A_185 = arith.constant 3 : i32
      %add3A_186 = arith.addi %add3A_184, %add3A_185 : i32
      %lt3A_187 = arith.constant 160 : i32
      %lt3A_188 = arith.cmpi slt, %add3A_186, %lt3A_187 : i32
      %convert_element_type3A_189 = arith.extui %lt3A_188 : i1 to i32
      %cond3A_190 = arith.constant 0 : i32
      %cond3A_191 = arith.cmpi ne, %convert_element_type3A_189, %cond3A_190 : i32
      scf.if %cond3A_191 {
        %add3A_192 = arith.constant 4 : i32
        %add3A_193 = arith.addi %add3A_69, %add3A_192 : i32
        %add3A_194 = arith.constant 3 : i32
        %add3A_195 = arith.addi %add3A_193, %add3A_194 : i32
        %eq3A_196 = arith.constant 0 : i32
        %eq3A_197 = arith.cmpi eq, %arg0, %eq3A_196 : i32
        %convert_element_type3A_198 = arith.extui %eq3A_197 : i1 to i32
        %cond3A_199 = arith.constant 0 : i32
        %cond3A_200 = arith.cmpi ne, %convert_element_type3A_198, %cond3A_199 : i32
        scf.if %cond3A_200 {
          %dma_start3A_206 = arith.constant 0 : i32
          %dma_start3A_207 = tpu.memref_slice %arg8[%add3A_195, %dma_start3A_206] : memref<160x128xi32, #tpu.memory_space<vmem>> -> memref<1x128xi32, #tpu.memory_space<vmem>>
          %dma_start3A_208 = tpu.memref_squeeze %dma_start3A_207 : memref<1x128xi32, #tpu.memory_space<vmem>> -> memref<128xi32, #tpu.memory_space<vmem>>
          %dma_start3A_209 = arith.constant 0 : i32
          %dma_start3A_210 = arith.constant 0 : i32
          %dma_start3A_211 = tpu.memref_slice %arg4[%dma_start3A_209, %dma_start3A_210] : memref<10000x64xf32, #tpu.memory_space<hbm>> -> memref<10000x64xf32, #tpu.memory_space<hbm>>
          tpu.enqueue_indirect_dma source(%dma_start3A_211 : memref<10000x64xf32, #tpu.memory_space<hbm>>) target(%arg13 : memref<128x64xf32, #tpu.memory_space<vmem>>) offsets(%dma_start3A_208 : memref<128xi32, #tpu.memory_space<vmem>>) semaphore(%arg18 : memref<!tpu.dma_semaphore, #tpu.memory_space<semaphore_mem>>)
        } else {
        }
        %eq3A_201 = arith.constant 1 : i32
        %eq3A_202 = arith.cmpi eq, %arg0, %eq3A_201 : i32
        %convert_element_type3A_203 = arith.extui %eq3A_202 : i1 to i32
        %cond3A_204 = arith.constant 0 : i32
        %cond3A_205 = arith.cmpi ne, %convert_element_type3A_203, %cond3A_204 : i32
        scf.if %cond3A_205 {
          %dma_start3A_206 = arith.constant 0 : i32
          %dma_start3A_207 = tpu.memref_slice %arg8[%add3A_195, %dma_start3A_206] : memref<160x128xi32, #tpu.memory_space<vmem>> -> memref<1x128xi32, #tpu.memory_space<vmem>>
          %dma_start3A_208 = tpu.memref_squeeze %dma_start3A_207 : memref<1x128xi32, #tpu.memory_space<vmem>> -> memref<128xi32, #tpu.memory_space<vmem>>
          %dma_start3A_209 = arith.constant 0 : i32
          %dma_start3A_210 = arith.constant 0 : i32
          %dma_start3A_211 = tpu.memref_slice %arg5[%dma_start3A_209, %dma_start3A_210] : memref<10000x64xf32, #tpu.memory_space<hbm>> -> memref<10000x64xf32, #tpu.memory_space<hbm>>
          tpu.enqueue_indirect_dma source(%dma_start3A_211 : memref<10000x64xf32, #tpu.memory_space<hbm>>) target(%arg13 : memref<128x64xf32, #tpu.memory_space<vmem>>) offsets(%dma_start3A_208 : memref<128xi32, #tpu.memory_space<vmem>>) semaphore(%arg18 : memref<!tpu.dma_semaphore, #tpu.memory_space<semaphore_mem>>)
        } else {
        }
      } else {
      }
    }
    %scan3A_54 = arith.constant 40 : i32
    %barrier3A_55 = arith.constant 0 : index
    tpu.barrier barrier_id(%barrier3A_55)
    %eq3A_56 = arith.constant 0 : i32
    %eq3A_57 = arith.cmpi eq, %arg0, %eq3A_56 : i32
    %convert_element_type3A_58 = arith.extui %eq3A_57 : i1 to i32
    %cond3A_59 = arith.constant 0 : i32
    %cond3A_60 = arith.cmpi ne, %convert_element_type3A_58, %cond3A_59 : i32
    scf.if %cond3A_60 {
      %lt3A_66 = arith.constant 15 : i32
      %lt3A_67 = arith.cmpi slt, %arg1, %lt3A_66 : i32
      %convert_element_type3A_68 = arith.extui %lt3A_67 : i1 to i32
      %cond3A_69 = arith.constant 0 : i32
      %cond3A_70 = arith.cmpi ne, %convert_element_type3A_68, %cond3A_69 : i32
      scf.if %cond3A_70 {
        "tpu.region"() ({
          %run_scoped3A = tpu.sem_alloc : memref<!tpu.dma_semaphore, #tpu.memory_space<semaphore_mem>>
          %dma_start3A = arith.constant 0 : i32
          %dma_start3A_76 = tpu.memref_slice %arg6[%select_n3A, %dma_start3A] : memref<10000x64xf32, #tpu.memory_space<hbm>> -> memref<624x64xf32, #tpu.memory_space<hbm>>
          %dma_start3A_77 = arith.constant 0 : i32
          %dma_start3A_78 = tpu.memref_slice %arg14[%select_n3A, %dma_start3A_77] : memref<10112x64xf32, #tpu.memory_space<vmem_shared>> -> memref<624x64xf32, #tpu.memory_space<vmem_shared>>
          tpu.enqueue_dma source(%dma_start3A_78 : memref<624x64xf32, #tpu.memory_space<vmem_shared>>) target(%dma_start3A_76 : memref<624x64xf32, #tpu.memory_space<hbm>>) target_semaphore(%run_scoped3A : memref<!tpu.dma_semaphore, #tpu.memory_space<semaphore_mem>>)
          %dma_wait3A = arith.constant 0 : i32
          %dma_wait3A_79 = tpu.memref_slice %arg6[%select_n3A, %dma_wait3A] : memref<10000x64xf32, #tpu.memory_space<hbm>> -> memref<624x64xf32, #tpu.memory_space<hbm>>
          %dma_wait3A_80 = arith.constant 0 : i32
          %dma_wait3A_81 = tpu.memref_slice %arg14[%select_n3A, %dma_wait3A_80] : memref<10112x64xf32, #tpu.memory_space<vmem_shared>> -> memref<624x64xf32, #tpu.memory_space<vmem_shared>>
          tpu.wait_dma2 semaphore(%run_scoped3A : memref<!tpu.dma_semaphore, #tpu.memory_space<semaphore_mem>>) src(%dma_wait3A_81 : memref<624x64xf32, #tpu.memory_space<vmem_shared>>) dst(%dma_wait3A_79 : memref<624x64xf32, #tpu.memory_space<hbm>>)
          tpu.yield
        }) : () -> ()
      } else {
      }
      %eq3A_71 = arith.constant 15 : i32
      %eq3A_72 = arith.cmpi eq, %arg1, %eq3A_71 : i32
      %convert_element_type3A_73 = arith.extui %eq3A_72 : i1 to i32
      %cond3A_74 = arith.constant 0 : i32
      %cond3A_75 = arith.cmpi ne, %convert_element_type3A_73, %cond3A_74 : i32
      scf.if %cond3A_75 {
        "tpu.region"() ({
          %run_scoped3A = tpu.sem_alloc : memref<!tpu.dma_semaphore, #tpu.memory_space<semaphore_mem>>
          %dma_start3A = arith.constant 0 : i32
          %dma_start3A_76 = tpu.memref_slice %arg6[%select_n3A, %dma_start3A] : memref<10000x64xf32, #tpu.memory_space<hbm>> -> memref<640x64xf32, #tpu.memory_space<hbm>>
          %dma_start3A_77 = arith.constant 0 : i32
          %dma_start3A_78 = tpu.memref_slice %arg14[%select_n3A, %dma_start3A_77] : memref<10112x64xf32, #tpu.memory_space<vmem_shared>> -> memref<640x64xf32, #tpu.memory_space<vmem_shared>>
          tpu.enqueue_dma source(%dma_start3A_78 : memref<640x64xf32, #tpu.memory_space<vmem_shared>>) target(%dma_start3A_76 : memref<640x64xf32, #tpu.memory_space<hbm>>) target_semaphore(%run_scoped3A : memref<!tpu.dma_semaphore, #tpu.memory_space<semaphore_mem>>)
          %dma_wait3A = arith.constant 0 : i32
          %dma_wait3A_79 = tpu.memref_slice %arg6[%select_n3A, %dma_wait3A] : memref<10000x64xf32, #tpu.memory_space<hbm>> -> memref<640x64xf32, #tpu.memory_space<hbm>>
          %dma_wait3A_80 = arith.constant 0 : i32
          %dma_wait3A_81 = tpu.memref_slice %arg14[%select_n3A, %dma_wait3A_80] : memref<10112x64xf32, #tpu.memory_space<vmem_shared>> -> memref<640x64xf32, #tpu.memory_space<vmem_shared>>
          tpu.wait_dma2 semaphore(%run_scoped3A : memref<!tpu.dma_semaphore, #tpu.memory_space<semaphore_mem>>) src(%dma_wait3A_81 : memref<640x64xf32, #tpu.memory_space<vmem_shared>>) dst(%dma_wait3A_79 : memref<640x64xf32, #tpu.memory_space<hbm>>)
          tpu.yield
        }) : () -> ()
      } else {
      }
    } else {
    }
    %eq3A_61 = arith.constant 1 : i32
    %eq3A_62 = arith.cmpi eq, %arg0, %eq3A_61 : i32
    %convert_element_type3A_63 = arith.extui %eq3A_62 : i1 to i32
    %cond3A_64 = arith.constant 0 : i32
    %cond3A_65 = arith.cmpi ne, %convert_element_type3A_63, %cond3A_64 : i32
    scf.if %cond3A_65 {
      %lt3A_66 = arith.constant 15 : i32
      %lt3A_67 = arith.cmpi slt, %arg1, %lt3A_66 : i32
      %convert_element_type3A_68 = arith.extui %lt3A_67 : i1 to i32
      %cond3A_69 = arith.constant 0 : i32
      %cond3A_70 = arith.cmpi ne, %convert_element_type3A_68, %cond3A_69 : i32
      scf.if %cond3A_70 {
        "tpu.region"() ({
          %run_scoped3A = tpu.sem_alloc : memref<!tpu.dma_semaphore, #tpu.memory_space<semaphore_mem>>
          %dma_start3A = arith.constant 0 : i32
          %dma_start3A_76 = tpu.memref_slice %arg7[%select_n3A, %dma_start3A] : memref<10000x64xf32, #tpu.memory_space<hbm>> -> memref<624x64xf32, #tpu.memory_space<hbm>>
          %dma_start3A_77 = arith.constant 0 : i32
          %dma_start3A_78 = tpu.memref_slice %arg14[%select_n3A, %dma_start3A_77] : memref<10112x64xf32, #tpu.memory_space<vmem_shared>> -> memref<624x64xf32, #tpu.memory_space<vmem_shared>>
          tpu.enqueue_dma source(%dma_start3A_78 : memref<624x64xf32, #tpu.memory_space<vmem_shared>>) target(%dma_start3A_76 : memref<624x64xf32, #tpu.memory_space<hbm>>) target_semaphore(%run_scoped3A : memref<!tpu.dma_semaphore, #tpu.memory_space<semaphore_mem>>)
          %dma_wait3A = arith.constant 0 : i32
          %dma_wait3A_79 = tpu.memref_slice %arg7[%select_n3A, %dma_wait3A] : memref<10000x64xf32, #tpu.memory_space<hbm>> -> memref<624x64xf32, #tpu.memory_space<hbm>>
          %dma_wait3A_80 = arith.constant 0 : i32
          %dma_wait3A_81 = tpu.memref_slice %arg14[%select_n3A, %dma_wait3A_80] : memref<10112x64xf32, #tpu.memory_space<vmem_shared>> -> memref<624x64xf32, #tpu.memory_space<vmem_shared>>
          tpu.wait_dma2 semaphore(%run_scoped3A : memref<!tpu.dma_semaphore, #tpu.memory_space<semaphore_mem>>) src(%dma_wait3A_81 : memref<624x64xf32, #tpu.memory_space<vmem_shared>>) dst(%dma_wait3A_79 : memref<624x64xf32, #tpu.memory_space<hbm>>)
          tpu.yield
        }) : () -> ()
      } else {
      }
      %eq3A_71 = arith.constant 15 : i32
      %eq3A_72 = arith.cmpi eq, %arg1, %eq3A_71 : i32
      %convert_element_type3A_73 = arith.extui %eq3A_72 : i1 to i32
      %cond3A_74 = arith.constant 0 : i32
      %cond3A_75 = arith.cmpi ne, %convert_element_type3A_73, %cond3A_74 : i32
      scf.if %cond3A_75 {
        "tpu.region"() ({
          %run_scoped3A = tpu.sem_alloc : memref<!tpu.dma_semaphore, #tpu.memory_space<semaphore_mem>>
          %dma_start3A = arith.constant 0 : i32
          %dma_start3A_76 = tpu.memref_slice %arg7[%select_n3A, %dma_start3A] : memref<10000x64xf32, #tpu.memory_space<hbm>> -> memref<640x64xf32, #tpu.memory_space<hbm>>
          %dma_start3A_77 = arith.constant 0 : i32
          %dma_start3A_78 = tpu.memref_slice %arg14[%select_n3A, %dma_start3A_77] : memref<10112x64xf32, #tpu.memory_space<vmem_shared>> -> memref<640x64xf32, #tpu.memory_space<vmem_shared>>
          tpu.enqueue_dma source(%dma_start3A_78 : memref<640x64xf32, #tpu.memory_space<vmem_shared>>) target(%dma_start3A_76 : memref<640x64xf32, #tpu.memory_space<hbm>>) target_semaphore(%run_scoped3A : memref<!tpu.dma_semaphore, #tpu.memory_space<semaphore_mem>>)
          %dma_wait3A = arith.constant 0 : i32
          %dma_wait3A_79 = tpu.memref_slice %arg7[%select_n3A, %dma_wait3A] : memref<10000x64xf32, #tpu.memory_space<hbm>> -> memref<640x64xf32, #tpu.memory_space<hbm>>
          %dma_wait3A_80 = arith.constant 0 : i32
          %dma_wait3A_81 = tpu.memref_slice %arg14[%select_n3A, %dma_wait3A_80] : memref<10112x64xf32, #tpu.memory_space<vmem_shared>> -> memref<640x64xf32, #tpu.memory_space<vmem_shared>>
          tpu.wait_dma2 semaphore(%run_scoped3A : memref<!tpu.dma_semaphore, #tpu.memory_space<semaphore_mem>>) src(%dma_wait3A_81 : memref<640x64xf32, #tpu.memory_space<vmem_shared>>) dst(%dma_wait3A_79 : memref<640x64xf32, #tpu.memory_space<hbm>>)
          tpu.yield
        }) : () -> ()
      } else {
      }
    } else {
    }
    return
  }
}

#map = affine_map<(d0, d1) -> (0, 0)>
module attributes {stable_mosaic.version = 14 : i64} {
  func.func @_agg2(%arg0: i32, %arg1: i32, %arg2: memref<2560x128xi32, #tpu.memory_space<hbm>>, %arg3: memref<2560x128xi32, #tpu.memory_space<hbm>>, %arg4: memref<10000x64xf32, #tpu.memory_space<hbm>>, %arg5: memref<10000x64xf32, #tpu.memory_space<hbm>>, %arg6: memref<10000x64xf32, #tpu.memory_space<hbm>>, %arg7: memref<10000x64xf32, #tpu.memory_space<hbm>>, %arg8: memref<10000x64xf32, #tpu.memory_space<hbm>>, %arg9: memref<10000x64xf32, #tpu.memory_space<hbm>>, %arg10: memref<10000x64xf32, #tpu.memory_space<hbm>>, %arg11: memref<10000x64xf32, #tpu.memory_space<hbm>>, %arg12: memref<160x128xi32, #tpu.memory_space<vmem>>, %arg13: memref<160x128xi32, #tpu.memory_space<vmem>>, %arg14: memref<128x64xf32, #tpu.memory_space<vmem>>, %arg15: memref<128x64xf32, #tpu.memory_space<vmem>>, %arg16: memref<128x64xf32, #tpu.memory_space<vmem>>, %arg17: memref<128x64xf32, #tpu.memory_space<vmem>>, %arg18: memref<10112x64xf32, #tpu.memory_space<vmem_shared>>, %arg19: memref<!tpu.dma_semaphore, #tpu.memory_space<semaphore_mem>>, %arg20: memref<!tpu.dma_semaphore, #tpu.memory_space<semaphore_mem>>, %arg21: memref<!tpu.dma_semaphore, #tpu.memory_space<semaphore_mem>>, %arg22: memref<!tpu.dma_semaphore, #tpu.memory_space<semaphore_mem>>, %arg23: memref<!tpu.dma_semaphore, #tpu.memory_space<semaphore_mem>>, %arg24: memref<!tpu.dma_semaphore, #tpu.memory_space<semaphore_mem>>, %arg25: memref<!tpu.dma_semaphore, #tpu.memory_space<semaphore_mem>>, %arg26: memref<!tpu.dma_semaphore, #tpu.memory_space<semaphore_mem>>) attributes {dimension_semantics = [#tpu.dimension_semantics<core_parallel>, #tpu.dimension_semantics<subcore_parallel>], iteration_bounds = array<i64: 2, 16>, scalar_prefetch = 0 : i64, scratch_operands = 15 : i64, tpu.core_type = #tpu.core_type<sc_vector_subcore>, window_params = [{transform_indices = #map}, {transform_indices = #map}, {transform_indices = #map}, {transform_indices = #map}, {transform_indices = #map}, {transform_indices = #map}, {transform_indices = #map}, {transform_indices = #map}, {transform_indices = #map}, {transform_indices = #map}]} {
    %mul3A = arith.constant 160 : i32
    %mul3A_0 = arith.muli %arg1, %mul3A : i32
    "tpu.region"() ({
      %run_scoped3A = tpu.sem_alloc : memref<!tpu.dma_semaphore, #tpu.memory_space<semaphore_mem>>
      %dma_start3A = arith.constant 0 : i32
      %dma_start3A_139 = tpu.memref_slice %arg2[%mul3A_0, %dma_start3A] : memref<2560x128xi32, #tpu.memory_space<hbm>> -> memref<160x128xi32, #tpu.memory_space<hbm>>
      %dma_start3A_140 = arith.constant 0 : i32
      %dma_start3A_141 = tpu.memref_slice %arg2[%mul3A_0, %dma_start3A_140] : memref<2560x128xi32, #tpu.memory_space<hbm>> -> memref<160x128xi32, #tpu.memory_space<hbm>>
      tpu.enqueue_dma source(%dma_start3A_141 : memref<160x128xi32, #tpu.memory_space<hbm>>) target(%arg12 : memref<160x128xi32, #tpu.memory_space<vmem>>) target_semaphore(%run_scoped3A : memref<!tpu.dma_semaphore, #tpu.memory_space<semaphore_mem>>)
      %dma_wait3A = arith.constant 0 : i32
      %dma_wait3A_142 = tpu.memref_slice %arg2[%mul3A_0, %dma_wait3A] : memref<2560x128xi32, #tpu.memory_space<hbm>> -> memref<160x128xi32, #tpu.memory_space<hbm>>
      %dma_wait3A_143 = arith.constant 0 : i32
      %dma_wait3A_144 = tpu.memref_slice %arg2[%mul3A_0, %dma_wait3A_143] : memref<2560x128xi32, #tpu.memory_space<hbm>> -> memref<160x128xi32, #tpu.memory_space<hbm>>
      tpu.wait_dma2 semaphore(%run_scoped3A : memref<!tpu.dma_semaphore, #tpu.memory_space<semaphore_mem>>) src(%dma_wait3A_144 : memref<160x128xi32, #tpu.memory_space<hbm>>) dst(%arg12 : memref<160x128xi32, #tpu.memory_space<vmem>>)
      tpu.yield
    }) : () -> ()
    "tpu.region"() ({
      %run_scoped3A = tpu.sem_alloc : memref<!tpu.dma_semaphore, #tpu.memory_space<semaphore_mem>>
      %dma_start3A = arith.constant 0 : i32
      %dma_start3A_139 = tpu.memref_slice %arg3[%mul3A_0, %dma_start3A] : memref<2560x128xi32, #tpu.memory_space<hbm>> -> memref<160x128xi32, #tpu.memory_space<hbm>>
      %dma_start3A_140 = arith.constant 0 : i32
      %dma_start3A_141 = tpu.memref_slice %arg3[%mul3A_0, %dma_start3A_140] : memref<2560x128xi32, #tpu.memory_space<hbm>> -> memref<160x128xi32, #tpu.memory_space<hbm>>
      tpu.enqueue_dma source(%dma_start3A_141 : memref<160x128xi32, #tpu.memory_space<hbm>>) target(%arg13 : memref<160x128xi32, #tpu.memory_space<vmem>>) target_semaphore(%run_scoped3A : memref<!tpu.dma_semaphore, #tpu.memory_space<semaphore_mem>>)
      %dma_wait3A = arith.constant 0 : i32
      %dma_wait3A_142 = tpu.memref_slice %arg3[%mul3A_0, %dma_wait3A] : memref<2560x128xi32, #tpu.memory_space<hbm>> -> memref<160x128xi32, #tpu.memory_space<hbm>>
      %dma_wait3A_143 = arith.constant 0 : i32
      %dma_wait3A_144 = tpu.memref_slice %arg3[%mul3A_0, %dma_wait3A_143] : memref<2560x128xi32, #tpu.memory_space<hbm>> -> memref<160x128xi32, #tpu.memory_space<hbm>>
      tpu.wait_dma2 semaphore(%run_scoped3A : memref<!tpu.dma_semaphore, #tpu.memory_space<semaphore_mem>>) src(%dma_wait3A_144 : memref<160x128xi32, #tpu.memory_space<hbm>>) dst(%arg13 : memref<160x128xi32, #tpu.memory_space<vmem>>)
      tpu.yield
    }) : () -> ()
    %lt3A = arith.constant 15 : i32
    %lt3A_1 = arith.cmpi slt, %arg1, %lt3A : i32
    %mul3A_2 = arith.constant 624 : i32
    %mul3A_3 = arith.muli %arg1, %mul3A_2 : i32
    %jit3A = arith.constant 9360 : i32
    %select_n3A = arith.select %lt3A_1, %mul3A_3, %jit3A : i32
    %eq3A = arith.constant 0 : i32
    %eq3A_4 = arith.cmpi eq, %arg0, %eq3A : i32
    %convert_element_type3A = arith.extui %eq3A_4 : i1 to i32
    %cond3A = arith.constant 0 : i32
    %cond3A_5 = arith.cmpi ne, %convert_element_type3A, %cond3A : i32
    scf.if %cond3A_5 {
      %lt3A_139 = arith.constant 15 : i32
      %lt3A_140 = arith.cmpi slt, %arg1, %lt3A_139 : i32
      %convert_element_type3A_141 = arith.extui %lt3A_140 : i1 to i32
      %cond3A_142 = arith.constant 0 : i32
      %cond3A_143 = arith.cmpi ne, %convert_element_type3A_141, %cond3A_142 : i32
      scf.if %cond3A_143 {
        "tpu.region"() ({
          %run_scoped3A = tpu.sem_alloc : memref<!tpu.dma_semaphore, #tpu.memory_space<semaphore_mem>>
          %dma_start3A = arith.constant 0 : i32
          %dma_start3A_149 = tpu.memref_slice %arg18[%select_n3A, %dma_start3A] : memref<10112x64xf32, #tpu.memory_space<vmem_shared>> -> memref<624x64xf32, #tpu.memory_space<vmem_shared>>
          %dma_start3A_150 = arith.constant 0 : i32
          %dma_start3A_151 = tpu.memref_slice %arg4[%select_n3A, %dma_start3A_150] : memref<10000x64xf32, #tpu.memory_space<hbm>> -> memref<624x64xf32, #tpu.memory_space<hbm>>
          tpu.enqueue_dma source(%dma_start3A_151 : memref<624x64xf32, #tpu.memory_space<hbm>>) target(%dma_start3A_149 : memref<624x64xf32, #tpu.memory_space<vmem_shared>>) target_semaphore(%run_scoped3A : memref<!tpu.dma_semaphore, #tpu.memory_space<semaphore_mem>>)
          %dma_wait3A = arith.constant 0 : i32
          %dma_wait3A_152 = tpu.memref_slice %arg18[%select_n3A, %dma_wait3A] : memref<10112x64xf32, #tpu.memory_space<vmem_shared>> -> memref<624x64xf32, #tpu.memory_space<vmem_shared>>
          %dma_wait3A_153 = arith.constant 0 : i32
          %dma_wait3A_154 = tpu.memref_slice %arg4[%select_n3A, %dma_wait3A_153] : memref<10000x64xf32, #tpu.memory_space<hbm>> -> memref<624x64xf32, #tpu.memory_space<hbm>>
          tpu.wait_dma2 semaphore(%run_scoped3A : memref<!tpu.dma_semaphore, #tpu.memory_space<semaphore_mem>>) src(%dma_wait3A_154 : memref<624x64xf32, #tpu.memory_space<hbm>>) dst(%dma_wait3A_152 : memref<624x64xf32, #tpu.memory_space<vmem_shared>>)
          tpu.yield
        }) : () -> ()
      } else {
      }
      %eq3A_144 = arith.constant 15 : i32
      %eq3A_145 = arith.cmpi eq, %arg1, %eq3A_144 : i32
      %convert_element_type3A_146 = arith.extui %eq3A_145 : i1 to i32
      %cond3A_147 = arith.constant 0 : i32
      %cond3A_148 = arith.cmpi ne, %convert_element_type3A_146, %cond3A_147 : i32
      scf.if %cond3A_148 {
        "tpu.region"() ({
          %run_scoped3A = tpu.sem_alloc : memref<!tpu.dma_semaphore, #tpu.memory_space<semaphore_mem>>
          %dma_start3A = arith.constant 0 : i32
          %dma_start3A_149 = tpu.memref_slice %arg18[%select_n3A, %dma_start3A] : memref<10112x64xf32, #tpu.memory_space<vmem_shared>> -> memref<640x64xf32, #tpu.memory_space<vmem_shared>>
          %dma_start3A_150 = arith.constant 0 : i32
          %dma_start3A_151 = tpu.memref_slice %arg4[%select_n3A, %dma_start3A_150] : memref<10000x64xf32, #tpu.memory_space<hbm>> -> memref<640x64xf32, #tpu.memory_space<hbm>>
          tpu.enqueue_dma source(%dma_start3A_151 : memref<640x64xf32, #tpu.memory_space<hbm>>) target(%dma_start3A_149 : memref<640x64xf32, #tpu.memory_space<vmem_shared>>) target_semaphore(%run_scoped3A : memref<!tpu.dma_semaphore, #tpu.memory_space<semaphore_mem>>)
          %dma_wait3A = arith.constant 0 : i32
          %dma_wait3A_152 = tpu.memref_slice %arg18[%select_n3A, %dma_wait3A] : memref<10112x64xf32, #tpu.memory_space<vmem_shared>> -> memref<640x64xf32, #tpu.memory_space<vmem_shared>>
          %dma_wait3A_153 = arith.constant 0 : i32
          %dma_wait3A_154 = tpu.memref_slice %arg4[%select_n3A, %dma_wait3A_153] : memref<10000x64xf32, #tpu.memory_space<hbm>> -> memref<640x64xf32, #tpu.memory_space<hbm>>
          tpu.wait_dma2 semaphore(%run_scoped3A : memref<!tpu.dma_semaphore, #tpu.memory_space<semaphore_mem>>) src(%dma_wait3A_154 : memref<640x64xf32, #tpu.memory_space<hbm>>) dst(%dma_wait3A_152 : memref<640x64xf32, #tpu.memory_space<vmem_shared>>)
          tpu.yield
        }) : () -> ()
      } else {
      }
    } else {
    }
    %eq3A_6 = arith.constant 1 : i32
    %eq3A_7 = arith.cmpi eq, %arg0, %eq3A_6 : i32
    %convert_element_type3A_8 = arith.extui %eq3A_7 : i1 to i32
    %cond3A_9 = arith.constant 0 : i32
    %cond3A_10 = arith.cmpi ne, %convert_element_type3A_8, %cond3A_9 : i32
    scf.if %cond3A_10 {
      %lt3A_139 = arith.constant 15 : i32
      %lt3A_140 = arith.cmpi slt, %arg1, %lt3A_139 : i32
      %convert_element_type3A_141 = arith.extui %lt3A_140 : i1 to i32
      %cond3A_142 = arith.constant 0 : i32
      %cond3A_143 = arith.cmpi ne, %convert_element_type3A_141, %cond3A_142 : i32
      scf.if %cond3A_143 {
        "tpu.region"() ({
          %run_scoped3A = tpu.sem_alloc : memref<!tpu.dma_semaphore, #tpu.memory_space<semaphore_mem>>
          %dma_start3A = arith.constant 0 : i32
          %dma_start3A_149 = tpu.memref_slice %arg18[%select_n3A, %dma_start3A] : memref<10112x64xf32, #tpu.memory_space<vmem_shared>> -> memref<624x64xf32, #tpu.memory_space<vmem_shared>>
          %dma_start3A_150 = arith.constant 0 : i32
          %dma_start3A_151 = tpu.memref_slice %arg5[%select_n3A, %dma_start3A_150] : memref<10000x64xf32, #tpu.memory_space<hbm>> -> memref<624x64xf32, #tpu.memory_space<hbm>>
          tpu.enqueue_dma source(%dma_start3A_151 : memref<624x64xf32, #tpu.memory_space<hbm>>) target(%dma_start3A_149 : memref<624x64xf32, #tpu.memory_space<vmem_shared>>) target_semaphore(%run_scoped3A : memref<!tpu.dma_semaphore, #tpu.memory_space<semaphore_mem>>)
          %dma_wait3A = arith.constant 0 : i32
          %dma_wait3A_152 = tpu.memref_slice %arg18[%select_n3A, %dma_wait3A] : memref<10112x64xf32, #tpu.memory_space<vmem_shared>> -> memref<624x64xf32, #tpu.memory_space<vmem_shared>>
          %dma_wait3A_153 = arith.constant 0 : i32
          %dma_wait3A_154 = tpu.memref_slice %arg5[%select_n3A, %dma_wait3A_153] : memref<10000x64xf32, #tpu.memory_space<hbm>> -> memref<624x64xf32, #tpu.memory_space<hbm>>
          tpu.wait_dma2 semaphore(%run_scoped3A : memref<!tpu.dma_semaphore, #tpu.memory_space<semaphore_mem>>) src(%dma_wait3A_154 : memref<624x64xf32, #tpu.memory_space<hbm>>) dst(%dma_wait3A_152 : memref<624x64xf32, #tpu.memory_space<vmem_shared>>)
          tpu.yield
        }) : () -> ()
      } else {
      }
      %eq3A_144 = arith.constant 15 : i32
      %eq3A_145 = arith.cmpi eq, %arg1, %eq3A_144 : i32
      %convert_element_type3A_146 = arith.extui %eq3A_145 : i1 to i32
      %cond3A_147 = arith.constant 0 : i32
      %cond3A_148 = arith.cmpi ne, %convert_element_type3A_146, %cond3A_147 : i32
      scf.if %cond3A_148 {
        "tpu.region"() ({
          %run_scoped3A = tpu.sem_alloc : memref<!tpu.dma_semaphore, #tpu.memory_space<semaphore_mem>>
          %dma_start3A = arith.constant 0 : i32
          %dma_start3A_149 = tpu.memref_slice %arg18[%select_n3A, %dma_start3A] : memref<10112x64xf32, #tpu.memory_space<vmem_shared>> -> memref<640x64xf32, #tpu.memory_space<vmem_shared>>
          %dma_start3A_150 = arith.constant 0 : i32
          %dma_start3A_151 = tpu.memref_slice %arg5[%select_n3A, %dma_start3A_150] : memref<10000x64xf32, #tpu.memory_space<hbm>> -> memref<640x64xf32, #tpu.memory_space<hbm>>
          tpu.enqueue_dma source(%dma_start3A_151 : memref<640x64xf32, #tpu.memory_space<hbm>>) target(%dma_start3A_149 : memref<640x64xf32, #tpu.memory_space<vmem_shared>>) target_semaphore(%run_scoped3A : memref<!tpu.dma_semaphore, #tpu.memory_space<semaphore_mem>>)
          %dma_wait3A = arith.constant 0 : i32
          %dma_wait3A_152 = tpu.memref_slice %arg18[%select_n3A, %dma_wait3A] : memref<10112x64xf32, #tpu.memory_space<vmem_shared>> -> memref<640x64xf32, #tpu.memory_space<vmem_shared>>
          %dma_wait3A_153 = arith.constant 0 : i32
          %dma_wait3A_154 = tpu.memref_slice %arg5[%select_n3A, %dma_wait3A_153] : memref<10000x64xf32, #tpu.memory_space<hbm>> -> memref<640x64xf32, #tpu.memory_space<hbm>>
          tpu.wait_dma2 semaphore(%run_scoped3A : memref<!tpu.dma_semaphore, #tpu.memory_space<semaphore_mem>>) src(%dma_wait3A_154 : memref<640x64xf32, #tpu.memory_space<hbm>>) dst(%dma_wait3A_152 : memref<640x64xf32, #tpu.memory_space<vmem_shared>>)
          tpu.yield
        }) : () -> ()
      } else {
      }
    } else {
    }
    %barrier3A = arith.constant 0 : index
    tpu.barrier barrier_id(%barrier3A)
    %eq3A_11 = arith.constant 0 : i32
    %eq3A_12 = arith.cmpi eq, %arg0, %eq3A_11 : i32
    %convert_element_type3A_13 = arith.extui %eq3A_12 : i1 to i32
    %cond3A_14 = arith.constant 0 : i32
    %cond3A_15 = arith.cmpi ne, %convert_element_type3A_13, %cond3A_14 : i32
    scf.if %cond3A_15 {
      %dma_start3A = arith.constant 0 : i32
      %dma_start3A_139 = arith.constant 0 : i32
      %dma_start3A_140 = tpu.memref_slice %arg12[%dma_start3A, %dma_start3A_139] : memref<160x128xi32, #tpu.memory_space<vmem>> -> memref<1x128xi32, #tpu.memory_space<vmem>>
      %dma_start3A_141 = tpu.memref_squeeze %dma_start3A_140 : memref<1x128xi32, #tpu.memory_space<vmem>> -> memref<128xi32, #tpu.memory_space<vmem>>
      %dma_start3A_142 = arith.constant 0 : i32
      %dma_start3A_143 = arith.constant 0 : i32
      %dma_start3A_144 = tpu.memref_slice %arg4[%dma_start3A_142, %dma_start3A_143] : memref<10000x64xf32, #tpu.memory_space<hbm>> -> memref<10000x64xf32, #tpu.memory_space<hbm>>
      tpu.enqueue_indirect_dma source(%dma_start3A_144 : memref<10000x64xf32, #tpu.memory_space<hbm>>) target(%arg14 : memref<128x64xf32, #tpu.memory_space<vmem>>) offsets(%dma_start3A_141 : memref<128xi32, #tpu.memory_space<vmem>>) semaphore(%arg19 : memref<!tpu.dma_semaphore, #tpu.memory_space<semaphore_mem>>)
    } else {
    }
    %eq3A_16 = arith.constant 1 : i32
    %eq3A_17 = arith.cmpi eq, %arg0, %eq3A_16 : i32
    %convert_element_type3A_18 = arith.extui %eq3A_17 : i1 to i32
    %cond3A_19 = arith.constant 0 : i32
    %cond3A_20 = arith.cmpi ne, %convert_element_type3A_18, %cond3A_19 : i32
    scf.if %cond3A_20 {
      %dma_start3A = arith.constant 0 : i32
      %dma_start3A_139 = arith.constant 0 : i32
      %dma_start3A_140 = tpu.memref_slice %arg12[%dma_start3A, %dma_start3A_139] : memref<160x128xi32, #tpu.memory_space<vmem>> -> memref<1x128xi32, #tpu.memory_space<vmem>>
      %dma_start3A_141 = tpu.memref_squeeze %dma_start3A_140 : memref<1x128xi32, #tpu.memory_space<vmem>> -> memref<128xi32, #tpu.memory_space<vmem>>
      %dma_start3A_142 = arith.constant 0 : i32
      %dma_start3A_143 = arith.constant 0 : i32
      %dma_start3A_144 = tpu.memref_slice %arg5[%dma_start3A_142, %dma_start3A_143] : memref<10000x64xf32, #tpu.memory_space<hbm>> -> memref<10000x64xf32, #tpu.memory_space<hbm>>
      tpu.enqueue_indirect_dma source(%dma_start3A_144 : memref<10000x64xf32, #tpu.memory_space<hbm>>) target(%arg14 : memref<128x64xf32, #tpu.memory_space<vmem>>) offsets(%dma_start3A_141 : memref<128xi32, #tpu.memory_space<vmem>>) semaphore(%arg19 : memref<!tpu.dma_semaphore, #tpu.memory_space<semaphore_mem>>)
    } else {
    }
    %eq3A_21 = arith.constant 0 : i32
    %eq3A_22 = arith.cmpi eq, %arg0, %eq3A_21 : i32
    %convert_element_type3A_23 = arith.extui %eq3A_22 : i1 to i32
    %cond3A_24 = arith.constant 0 : i32
    %cond3A_25 = arith.cmpi ne, %convert_element_type3A_23, %cond3A_24 : i32
    scf.if %cond3A_25 {
      %dma_start3A = arith.constant 1 : i32
      %dma_start3A_139 = arith.constant 0 : i32
      %dma_start3A_140 = tpu.memref_slice %arg12[%dma_start3A, %dma_start3A_139] : memref<160x128xi32, #tpu.memory_space<vmem>> -> memref<1x128xi32, #tpu.memory_space<vmem>>
      %dma_start3A_141 = tpu.memref_squeeze %dma_start3A_140 : memref<1x128xi32, #tpu.memory_space<vmem>> -> memref<128xi32, #tpu.memory_space<vmem>>
      %dma_start3A_142 = arith.constant 0 : i32
      %dma_start3A_143 = arith.constant 0 : i32
      %dma_start3A_144 = tpu.memref_slice %arg4[%dma_start3A_142, %dma_start3A_143] : memref<10000x64xf32, #tpu.memory_space<hbm>> -> memref<10000x64xf32, #tpu.memory_space<hbm>>
      tpu.enqueue_indirect_dma source(%dma_start3A_144 : memref<10000x64xf32, #tpu.memory_space<hbm>>) target(%arg15 : memref<128x64xf32, #tpu.memory_space<vmem>>) offsets(%dma_start3A_141 : memref<128xi32, #tpu.memory_space<vmem>>) semaphore(%arg20 : memref<!tpu.dma_semaphore, #tpu.memory_space<semaphore_mem>>)
    } else {
    }
    %eq3A_26 = arith.constant 1 : i32
    %eq3A_27 = arith.cmpi eq, %arg0, %eq3A_26 : i32
    %convert_element_type3A_28 = arith.extui %eq3A_27 : i1 to i32
    %cond3A_29 = arith.constant 0 : i32
    %cond3A_30 = arith.cmpi ne, %convert_element_type3A_28, %cond3A_29 : i32
    scf.if %cond3A_30 {
      %dma_start3A = arith.constant 1 : i32
      %dma_start3A_139 = arith.constant 0 : i32
      %dma_start3A_140 = tpu.memref_slice %arg12[%dma_start3A, %dma_start3A_139] : memref<160x128xi32, #tpu.memory_space<vmem>> -> memref<1x128xi32, #tpu.memory_space<vmem>>
      %dma_start3A_141 = tpu.memref_squeeze %dma_start3A_140 : memref<1x128xi32, #tpu.memory_space<vmem>> -> memref<128xi32, #tpu.memory_space<vmem>>
      %dma_start3A_142 = arith.constant 0 : i32
      %dma_start3A_143 = arith.constant 0 : i32
      %dma_start3A_144 = tpu.memref_slice %arg5[%dma_start3A_142, %dma_start3A_143] : memref<10000x64xf32, #tpu.memory_space<hbm>> -> memref<10000x64xf32, #tpu.memory_space<hbm>>
      tpu.enqueue_indirect_dma source(%dma_start3A_144 : memref<10000x64xf32, #tpu.memory_space<hbm>>) target(%arg15 : memref<128x64xf32, #tpu.memory_space<vmem>>) offsets(%dma_start3A_141 : memref<128xi32, #tpu.memory_space<vmem>>) semaphore(%arg20 : memref<!tpu.dma_semaphore, #tpu.memory_space<semaphore_mem>>)
    } else {
    }
    %eq3A_31 = arith.constant 0 : i32
    %eq3A_32 = arith.cmpi eq, %arg0, %eq3A_31 : i32
    %convert_element_type3A_33 = arith.extui %eq3A_32 : i1 to i32
    %cond3A_34 = arith.constant 0 : i32
    %cond3A_35 = arith.cmpi ne, %convert_element_type3A_33, %cond3A_34 : i32
    scf.if %cond3A_35 {
      %dma_start3A = arith.constant 2 : i32
      %dma_start3A_139 = arith.constant 0 : i32
      %dma_start3A_140 = tpu.memref_slice %arg12[%dma_start3A, %dma_start3A_139] : memref<160x128xi32, #tpu.memory_space<vmem>> -> memref<1x128xi32, #tpu.memory_space<vmem>>
      %dma_start3A_141 = tpu.memref_squeeze %dma_start3A_140 : memref<1x128xi32, #tpu.memory_space<vmem>> -> memref<128xi32, #tpu.memory_space<vmem>>
      %dma_start3A_142 = arith.constant 0 : i32
      %dma_start3A_143 = arith.constant 0 : i32
      %dma_start3A_144 = tpu.memref_slice %arg4[%dma_start3A_142, %dma_start3A_143] : memref<10000x64xf32, #tpu.memory_space<hbm>> -> memref<10000x64xf32, #tpu.memory_space<hbm>>
      tpu.enqueue_indirect_dma source(%dma_start3A_144 : memref<10000x64xf32, #tpu.memory_space<hbm>>) target(%arg16 : memref<128x64xf32, #tpu.memory_space<vmem>>) offsets(%dma_start3A_141 : memref<128xi32, #tpu.memory_space<vmem>>) semaphore(%arg21 : memref<!tpu.dma_semaphore, #tpu.memory_space<semaphore_mem>>)
    } else {
    }
    %eq3A_36 = arith.constant 1 : i32
    %eq3A_37 = arith.cmpi eq, %arg0, %eq3A_36 : i32
    %convert_element_type3A_38 = arith.extui %eq3A_37 : i1 to i32
    %cond3A_39 = arith.constant 0 : i32
    %cond3A_40 = arith.cmpi ne, %convert_element_type3A_38, %cond3A_39 : i32
    scf.if %cond3A_40 {
      %dma_start3A = arith.constant 2 : i32
      %dma_start3A_139 = arith.constant 0 : i32
      %dma_start3A_140 = tpu.memref_slice %arg12[%dma_start3A, %dma_start3A_139] : memref<160x128xi32, #tpu.memory_space<vmem>> -> memref<1x128xi32, #tpu.memory_space<vmem>>
      %dma_start3A_141 = tpu.memref_squeeze %dma_start3A_140 : memref<1x128xi32, #tpu.memory_space<vmem>> -> memref<128xi32, #tpu.memory_space<vmem>>
      %dma_start3A_142 = arith.constant 0 : i32
      %dma_start3A_143 = arith.constant 0 : i32
      %dma_start3A_144 = tpu.memref_slice %arg5[%dma_start3A_142, %dma_start3A_143] : memref<10000x64xf32, #tpu.memory_space<hbm>> -> memref<10000x64xf32, #tpu.memory_space<hbm>>
      tpu.enqueue_indirect_dma source(%dma_start3A_144 : memref<10000x64xf32, #tpu.memory_space<hbm>>) target(%arg16 : memref<128x64xf32, #tpu.memory_space<vmem>>) offsets(%dma_start3A_141 : memref<128xi32, #tpu.memory_space<vmem>>) semaphore(%arg21 : memref<!tpu.dma_semaphore, #tpu.memory_space<semaphore_mem>>)
    } else {
    }
    %eq3A_41 = arith.constant 0 : i32
    %eq3A_42 = arith.cmpi eq, %arg0, %eq3A_41 : i32
    %convert_element_type3A_43 = arith.extui %eq3A_42 : i1 to i32
    %cond3A_44 = arith.constant 0 : i32
    %cond3A_45 = arith.cmpi ne, %convert_element_type3A_43, %cond3A_44 : i32
    scf.if %cond3A_45 {
      %dma_start3A = arith.constant 3 : i32
      %dma_start3A_139 = arith.constant 0 : i32
      %dma_start3A_140 = tpu.memref_slice %arg12[%dma_start3A, %dma_start3A_139] : memref<160x128xi32, #tpu.memory_space<vmem>> -> memref<1x128xi32, #tpu.memory_space<vmem>>
      %dma_start3A_141 = tpu.memref_squeeze %dma_start3A_140 : memref<1x128xi32, #tpu.memory_space<vmem>> -> memref<128xi32, #tpu.memory_space<vmem>>
      %dma_start3A_142 = arith.constant 0 : i32
      %dma_start3A_143 = arith.constant 0 : i32
      %dma_start3A_144 = tpu.memref_slice %arg4[%dma_start3A_142, %dma_start3A_143] : memref<10000x64xf32, #tpu.memory_space<hbm>> -> memref<10000x64xf32, #tpu.memory_space<hbm>>
      tpu.enqueue_indirect_dma source(%dma_start3A_144 : memref<10000x64xf32, #tpu.memory_space<hbm>>) target(%arg17 : memref<128x64xf32, #tpu.memory_space<vmem>>) offsets(%dma_start3A_141 : memref<128xi32, #tpu.memory_space<vmem>>) semaphore(%arg22 : memref<!tpu.dma_semaphore, #tpu.memory_space<semaphore_mem>>)
    } else {
    }
    %eq3A_46 = arith.constant 1 : i32
    %eq3A_47 = arith.cmpi eq, %arg0, %eq3A_46 : i32
    %convert_element_type3A_48 = arith.extui %eq3A_47 : i1 to i32
    %cond3A_49 = arith.constant 0 : i32
    %cond3A_50 = arith.cmpi ne, %convert_element_type3A_48, %cond3A_49 : i32
    scf.if %cond3A_50 {
      %dma_start3A = arith.constant 3 : i32
      %dma_start3A_139 = arith.constant 0 : i32
      %dma_start3A_140 = tpu.memref_slice %arg12[%dma_start3A, %dma_start3A_139] : memref<160x128xi32, #tpu.memory_space<vmem>> -> memref<1x128xi32, #tpu.memory_space<vmem>>
      %dma_start3A_141 = tpu.memref_squeeze %dma_start3A_140 : memref<1x128xi32, #tpu.memory_space<vmem>> -> memref<128xi32, #tpu.memory_space<vmem>>
      %dma_start3A_142 = arith.constant 0 : i32
      %dma_start3A_143 = arith.constant 0 : i32
      %dma_start3A_144 = tpu.memref_slice %arg5[%dma_start3A_142, %dma_start3A_143] : memref<10000x64xf32, #tpu.memory_space<hbm>> -> memref<10000x64xf32, #tpu.memory_space<hbm>>
      tpu.enqueue_indirect_dma source(%dma_start3A_144 : memref<10000x64xf32, #tpu.memory_space<hbm>>) target(%arg17 : memref<128x64xf32, #tpu.memory_space<vmem>>) offsets(%dma_start3A_141 : memref<128xi32, #tpu.memory_space<vmem>>) semaphore(%arg22 : memref<!tpu.dma_semaphore, #tpu.memory_space<semaphore_mem>>)
    } else {
    }
    %scan3A = arith.constant 0 : i32
    %scan3A_51 = arith.constant 40 : i32
    %scan3A_52 = arith.addi %scan3A, %scan3A_51 : i32
    %scan3A_53 = arith.constant 1 : i32
    scf.for %scan3A_139 = %scan3A to %scan3A_52 step %scan3A_53  : i32 {
      %mul3A_140 = arith.constant 4 : i32
      %mul3A_141 = arith.muli %scan3A_139, %mul3A_140 : i32
      %add3A = arith.constant 0 : i32
      %add3A_142 = arith.addi %add3A, %mul3A_141 : i32
      %dma_wait3A = arith.constant 0 : i32
      %dma_wait3A_143 = arith.constant 0 : i32
      %dma_wait3A_144 = tpu.memref_slice %arg12[%dma_wait3A, %dma_wait3A_143] : memref<160x128xi32, #tpu.memory_space<vmem>> -> memref<1x128xi32, #tpu.memory_space<vmem>>
      %dma_wait3A_145 = tpu.memref_squeeze %dma_wait3A_144 : memref<1x128xi32, #tpu.memory_space<vmem>> -> memref<128xi32, #tpu.memory_space<vmem>>
      %dma_wait3A_146 = arith.constant 0 : i32
      %dma_wait3A_147 = arith.constant 0 : i32
      %dma_wait3A_148 = tpu.memref_slice %arg4[%dma_wait3A_146, %dma_wait3A_147] : memref<10000x64xf32, #tpu.memory_space<hbm>> -> memref<10000x64xf32, #tpu.memory_space<hbm>>
      tpu.wait_indirect_dma semaphore(%arg19 : memref<!tpu.dma_semaphore, #tpu.memory_space<semaphore_mem>>) src(%dma_wait3A_148 : memref<10000x64xf32, #tpu.memory_space<hbm>>) dst(%arg14 : memref<128x64xf32, #tpu.memory_space<vmem>>)
      %add3A_149 = arith.constant 0 : i32
      %add3A_150 = arith.addi %add3A_142, %add3A_149 : i32
      %dma_start3A = arith.constant 0 : i32
      %dma_start3A_151 = tpu.memref_slice %arg13[%add3A_150, %dma_start3A] : memref<160x128xi32, #tpu.memory_space<vmem>> -> memref<1x128xi32, #tpu.memory_space<vmem>>
      %dma_start3A_152 = tpu.memref_squeeze %dma_start3A_151 : memref<1x128xi32, #tpu.memory_space<vmem>> -> memref<128xi32, #tpu.memory_space<vmem>>
      %dma_start3A_153 = arith.constant 0 : i32
      %dma_start3A_154 = arith.constant 0 : i32
      %dma_start3A_155 = tpu.memref_slice %arg18[%dma_start3A_153, %dma_start3A_154] : memref<10112x64xf32, #tpu.memory_space<vmem_shared>> -> memref<10112x64xf32, #tpu.memory_space<vmem_shared>>
      tpu.enqueue_indirect_dma source(%arg14 : memref<128x64xf32, #tpu.memory_space<vmem>>) target(%dma_start3A_155 : memref<10112x64xf32, #tpu.memory_space<vmem_shared>>) offsets(%dma_start3A_152 : memref<128xi32, #tpu.memory_space<vmem>>) semaphore(%arg23 : memref<!tpu.dma_semaphore, #tpu.memory_space<semaphore_mem>>) {add = true}
      %dma_wait3A_156 = arith.constant 0 : i32
      %dma_wait3A_157 = arith.constant 0 : i32
      %dma_wait3A_158 = tpu.memref_slice %arg12[%dma_wait3A_156, %dma_wait3A_157] : memref<160x128xi32, #tpu.memory_space<vmem>> -> memref<1x128xi32, #tpu.memory_space<vmem>>
      %dma_wait3A_159 = tpu.memref_squeeze %dma_wait3A_158 : memref<1x128xi32, #tpu.memory_space<vmem>> -> memref<128xi32, #tpu.memory_space<vmem>>
      %dma_wait3A_160 = arith.constant 0 : i32
      %dma_wait3A_161 = arith.constant 0 : i32
      %dma_wait3A_162 = tpu.memref_slice %arg4[%dma_wait3A_160, %dma_wait3A_161] : memref<10000x64xf32, #tpu.memory_space<hbm>> -> memref<10000x64xf32, #tpu.memory_space<hbm>>
      tpu.wait_indirect_dma semaphore(%arg20 : memref<!tpu.dma_semaphore, #tpu.memory_space<semaphore_mem>>) src(%dma_wait3A_162 : memref<10000x64xf32, #tpu.memory_space<hbm>>) dst(%arg15 : memref<128x64xf32, #tpu.memory_space<vmem>>)
      %add3A_163 = arith.constant 1 : i32
      %add3A_164 = arith.addi %add3A_142, %add3A_163 : i32
      %dma_start3A_165 = arith.constant 0 : i32
      %dma_start3A_166 = tpu.memref_slice %arg13[%add3A_164, %dma_start3A_165] : memref<160x128xi32, #tpu.memory_space<vmem>> -> memref<1x128xi32, #tpu.memory_space<vmem>>
      %dma_start3A_167 = tpu.memref_squeeze %dma_start3A_166 : memref<1x128xi32, #tpu.memory_space<vmem>> -> memref<128xi32, #tpu.memory_space<vmem>>
      %dma_start3A_168 = arith.constant 0 : i32
      %dma_start3A_169 = arith.constant 0 : i32
      %dma_start3A_170 = tpu.memref_slice %arg18[%dma_start3A_168, %dma_start3A_169] : memref<10112x64xf32, #tpu.memory_space<vmem_shared>> -> memref<10112x64xf32, #tpu.memory_space<vmem_shared>>
      tpu.enqueue_indirect_dma source(%arg15 : memref<128x64xf32, #tpu.memory_space<vmem>>) target(%dma_start3A_170 : memref<10112x64xf32, #tpu.memory_space<vmem_shared>>) offsets(%dma_start3A_167 : memref<128xi32, #tpu.memory_space<vmem>>) semaphore(%arg24 : memref<!tpu.dma_semaphore, #tpu.memory_space<semaphore_mem>>) {add = true}
      %dma_wait3A_171 = arith.constant 0 : i32
      %dma_wait3A_172 = arith.constant 0 : i32
      %dma_wait3A_173 = tpu.memref_slice %arg12[%dma_wait3A_171, %dma_wait3A_172] : memref<160x128xi32, #tpu.memory_space<vmem>> -> memref<1x128xi32, #tpu.memory_space<vmem>>
      %dma_wait3A_174 = tpu.memref_squeeze %dma_wait3A_173 : memref<1x128xi32, #tpu.memory_space<vmem>> -> memref<128xi32, #tpu.memory_space<vmem>>
      %dma_wait3A_175 = arith.constant 0 : i32
      %dma_wait3A_176 = arith.constant 0 : i32
      %dma_wait3A_177 = tpu.memref_slice %arg4[%dma_wait3A_175, %dma_wait3A_176] : memref<10000x64xf32, #tpu.memory_space<hbm>> -> memref<10000x64xf32, #tpu.memory_space<hbm>>
      tpu.wait_indirect_dma semaphore(%arg21 : memref<!tpu.dma_semaphore, #tpu.memory_space<semaphore_mem>>) src(%dma_wait3A_177 : memref<10000x64xf32, #tpu.memory_space<hbm>>) dst(%arg16 : memref<128x64xf32, #tpu.memory_space<vmem>>)
      %add3A_178 = arith.constant 2 : i32
      %add3A_179 = arith.addi %add3A_142, %add3A_178 : i32
      %dma_start3A_180 = arith.constant 0 : i32
      %dma_start3A_181 = tpu.memref_slice %arg13[%add3A_179, %dma_start3A_180] : memref<160x128xi32, #tpu.memory_space<vmem>> -> memref<1x128xi32, #tpu.memory_space<vmem>>
      %dma_start3A_182 = tpu.memref_squeeze %dma_start3A_181 : memref<1x128xi32, #tpu.memory_space<vmem>> -> memref<128xi32, #tpu.memory_space<vmem>>
      %dma_start3A_183 = arith.constant 0 : i32
      %dma_start3A_184 = arith.constant 0 : i32
      %dma_start3A_185 = tpu.memref_slice %arg18[%dma_start3A_183, %dma_start3A_184] : memref<10112x64xf32, #tpu.memory_space<vmem_shared>> -> memref<10112x64xf32, #tpu.memory_space<vmem_shared>>
      tpu.enqueue_indirect_dma source(%arg16 : memref<128x64xf32, #tpu.memory_space<vmem>>) target(%dma_start3A_185 : memref<10112x64xf32, #tpu.memory_space<vmem_shared>>) offsets(%dma_start3A_182 : memref<128xi32, #tpu.memory_space<vmem>>) semaphore(%arg25 : memref<!tpu.dma_semaphore, #tpu.memory_space<semaphore_mem>>) {add = true}
      %dma_wait3A_186 = arith.constant 0 : i32
      %dma_wait3A_187 = arith.constant 0 : i32
      %dma_wait3A_188 = tpu.memref_slice %arg12[%dma_wait3A_186, %dma_wait3A_187] : memref<160x128xi32, #tpu.memory_space<vmem>> -> memref<1x128xi32, #tpu.memory_space<vmem>>
      %dma_wait3A_189 = tpu.memref_squeeze %dma_wait3A_188 : memref<1x128xi32, #tpu.memory_space<vmem>> -> memref<128xi32, #tpu.memory_space<vmem>>
      %dma_wait3A_190 = arith.constant 0 : i32
      %dma_wait3A_191 = arith.constant 0 : i32
      %dma_wait3A_192 = tpu.memref_slice %arg4[%dma_wait3A_190, %dma_wait3A_191] : memref<10000x64xf32, #tpu.memory_space<hbm>> -> memref<10000x64xf32, #tpu.memory_space<hbm>>
      tpu.wait_indirect_dma semaphore(%arg22 : memref<!tpu.dma_semaphore, #tpu.memory_space<semaphore_mem>>) src(%dma_wait3A_192 : memref<10000x64xf32, #tpu.memory_space<hbm>>) dst(%arg17 : memref<128x64xf32, #tpu.memory_space<vmem>>)
      %add3A_193 = arith.constant 3 : i32
      %add3A_194 = arith.addi %add3A_142, %add3A_193 : i32
      %dma_start3A_195 = arith.constant 0 : i32
      %dma_start3A_196 = tpu.memref_slice %arg13[%add3A_194, %dma_start3A_195] : memref<160x128xi32, #tpu.memory_space<vmem>> -> memref<1x128xi32, #tpu.memory_space<vmem>>
      %dma_start3A_197 = tpu.memref_squeeze %dma_start3A_196 : memref<1x128xi32, #tpu.memory_space<vmem>> -> memref<128xi32, #tpu.memory_space<vmem>>
      %dma_start3A_198 = arith.constant 0 : i32
      %dma_start3A_199 = arith.constant 0 : i32
      %dma_start3A_200 = tpu.memref_slice %arg18[%dma_start3A_198, %dma_start3A_199] : memref<10112x64xf32, #tpu.memory_space<vmem_shared>> -> memref<10112x64xf32, #tpu.memory_space<vmem_shared>>
      tpu.enqueue_indirect_dma source(%arg17 : memref<128x64xf32, #tpu.memory_space<vmem>>) target(%dma_start3A_200 : memref<10112x64xf32, #tpu.memory_space<vmem_shared>>) offsets(%dma_start3A_197 : memref<128xi32, #tpu.memory_space<vmem>>) semaphore(%arg26 : memref<!tpu.dma_semaphore, #tpu.memory_space<semaphore_mem>>) {add = true}
      %dma_wait3A_201 = arith.constant 0 : i32
      %dma_wait3A_202 = arith.constant 0 : i32
      %dma_wait3A_203 = tpu.memref_slice %arg13[%dma_wait3A_201, %dma_wait3A_202] : memref<160x128xi32, #tpu.memory_space<vmem>> -> memref<1x128xi32, #tpu.memory_space<vmem>>
      %dma_wait3A_204 = tpu.memref_squeeze %dma_wait3A_203 : memref<1x128xi32, #tpu.memory_space<vmem>> -> memref<128xi32, #tpu.memory_space<vmem>>
      %dma_wait3A_205 = arith.constant 0 : i32
      %dma_wait3A_206 = arith.constant 0 : i32
      %dma_wait3A_207 = tpu.memref_slice %arg18[%dma_wait3A_205, %dma_wait3A_206] : memref<10112x64xf32, #tpu.memory_space<vmem_shared>> -> memref<10112x64xf32, #tpu.memory_space<vmem_shared>>
      tpu.wait_indirect_dma semaphore(%arg23 : memref<!tpu.dma_semaphore, #tpu.memory_space<semaphore_mem>>) src(%arg14 : memref<128x64xf32, #tpu.memory_space<vmem>>) dst(%dma_wait3A_207 : memref<10112x64xf32, #tpu.memory_space<vmem_shared>>)
      %add3A_208 = arith.constant 4 : i32
      %add3A_209 = arith.addi %add3A_142, %add3A_208 : i32
      %add3A_210 = arith.constant 0 : i32
      %add3A_211 = arith.addi %add3A_209, %add3A_210 : i32
      %lt3A_212 = arith.constant 160 : i32
      %lt3A_213 = arith.cmpi slt, %add3A_211, %lt3A_212 : i32
      %convert_element_type3A_214 = arith.extui %lt3A_213 : i1 to i32
      %cond3A_215 = arith.constant 0 : i32
      %cond3A_216 = arith.cmpi ne, %convert_element_type3A_214, %cond3A_215 : i32
      scf.if %cond3A_216 {
        %add3A_265 = arith.constant 4 : i32
        %add3A_266 = arith.addi %add3A_142, %add3A_265 : i32
        %add3A_267 = arith.constant 0 : i32
        %add3A_268 = arith.addi %add3A_266, %add3A_267 : i32
        %eq3A_269 = arith.constant 0 : i32
        %eq3A_270 = arith.cmpi eq, %arg0, %eq3A_269 : i32
        %convert_element_type3A_271 = arith.extui %eq3A_270 : i1 to i32
        %cond3A_272 = arith.constant 0 : i32
        %cond3A_273 = arith.cmpi ne, %convert_element_type3A_271, %cond3A_272 : i32
        scf.if %cond3A_273 {
          %dma_start3A_279 = arith.constant 0 : i32
          %dma_start3A_280 = tpu.memref_slice %arg12[%add3A_268, %dma_start3A_279] : memref<160x128xi32, #tpu.memory_space<vmem>> -> memref<1x128xi32, #tpu.memory_space<vmem>>
          %dma_start3A_281 = tpu.memref_squeeze %dma_start3A_280 : memref<1x128xi32, #tpu.memory_space<vmem>> -> memref<128xi32, #tpu.memory_space<vmem>>
          %dma_start3A_282 = arith.constant 0 : i32
          %dma_start3A_283 = arith.constant 0 : i32
          %dma_start3A_284 = tpu.memref_slice %arg4[%dma_start3A_282, %dma_start3A_283] : memref<10000x64xf32, #tpu.memory_space<hbm>> -> memref<10000x64xf32, #tpu.memory_space<hbm>>
          tpu.enqueue_indirect_dma source(%dma_start3A_284 : memref<10000x64xf32, #tpu.memory_space<hbm>>) target(%arg14 : memref<128x64xf32, #tpu.memory_space<vmem>>) offsets(%dma_start3A_281 : memref<128xi32, #tpu.memory_space<vmem>>) semaphore(%arg19 : memref<!tpu.dma_semaphore, #tpu.memory_space<semaphore_mem>>)
        } else {
        }
        %eq3A_274 = arith.constant 1 : i32
        %eq3A_275 = arith.cmpi eq, %arg0, %eq3A_274 : i32
        %convert_element_type3A_276 = arith.extui %eq3A_275 : i1 to i32
        %cond3A_277 = arith.constant 0 : i32
        %cond3A_278 = arith.cmpi ne, %convert_element_type3A_276, %cond3A_277 : i32
        scf.if %cond3A_278 {
          %dma_start3A_279 = arith.constant 0 : i32
          %dma_start3A_280 = tpu.memref_slice %arg12[%add3A_268, %dma_start3A_279] : memref<160x128xi32, #tpu.memory_space<vmem>> -> memref<1x128xi32, #tpu.memory_space<vmem>>
          %dma_start3A_281 = tpu.memref_squeeze %dma_start3A_280 : memref<1x128xi32, #tpu.memory_space<vmem>> -> memref<128xi32, #tpu.memory_space<vmem>>
          %dma_start3A_282 = arith.constant 0 : i32
          %dma_start3A_283 = arith.constant 0 : i32
          %dma_start3A_284 = tpu.memref_slice %arg5[%dma_start3A_282, %dma_start3A_283] : memref<10000x64xf32, #tpu.memory_space<hbm>> -> memref<10000x64xf32, #tpu.memory_space<hbm>>
          tpu.enqueue_indirect_dma source(%dma_start3A_284 : memref<10000x64xf32, #tpu.memory_space<hbm>>) target(%arg14 : memref<128x64xf32, #tpu.memory_space<vmem>>) offsets(%dma_start3A_281 : memref<128xi32, #tpu.memory_space<vmem>>) semaphore(%arg19 : memref<!tpu.dma_semaphore, #tpu.memory_space<semaphore_mem>>)
        } else {
        }
      } else {
      }
      %dma_wait3A_217 = arith.constant 0 : i32
      %dma_wait3A_218 = arith.constant 0 : i32
      %dma_wait3A_219 = tpu.memref_slice %arg13[%dma_wait3A_217, %dma_wait3A_218] : memref<160x128xi32, #tpu.memory_space<vmem>> -> memref<1x128xi32, #tpu.memory_space<vmem>>
      %dma_wait3A_220 = tpu.memref_squeeze %dma_wait3A_219 : memref<1x128xi32, #tpu.memory_space<vmem>> -> memref<128xi32, #tpu.memory_space<vmem>>
      %dma_wait3A_221 = arith.constant 0 : i32
      %dma_wait3A_222 = arith.constant 0 : i32
      %dma_wait3A_223 = tpu.memref_slice %arg18[%dma_wait3A_221, %dma_wait3A_222] : memref<10112x64xf32, #tpu.memory_space<vmem_shared>> -> memref<10112x64xf32, #tpu.memory_space<vmem_shared>>
      tpu.wait_indirect_dma semaphore(%arg24 : memref<!tpu.dma_semaphore, #tpu.memory_space<semaphore_mem>>) src(%arg15 : memref<128x64xf32, #tpu.memory_space<vmem>>) dst(%dma_wait3A_223 : memref<10112x64xf32, #tpu.memory_space<vmem_shared>>)
      %add3A_224 = arith.constant 4 : i32
      %add3A_225 = arith.addi %add3A_142, %add3A_224 : i32
      %add3A_226 = arith.constant 1 : i32
      %add3A_227 = arith.addi %add3A_225, %add3A_226 : i32
      %lt3A_228 = arith.constant 160 : i32
      %lt3A_229 = arith.cmpi slt, %add3A_227, %lt3A_228 : i32
      %convert_element_type3A_230 = arith.extui %lt3A_229 : i1 to i32
      %cond3A_231 = arith.constant 0 : i32
      %cond3A_232 = arith.cmpi ne, %convert_element_type3A_230, %cond3A_231 : i32
      scf.if %cond3A_232 {
        %add3A_265 = arith.constant 4 : i32
        %add3A_266 = arith.addi %add3A_142, %add3A_265 : i32
        %add3A_267 = arith.constant 1 : i32
        %add3A_268 = arith.addi %add3A_266, %add3A_267 : i32
        %eq3A_269 = arith.constant 0 : i32
        %eq3A_270 = arith.cmpi eq, %arg0, %eq3A_269 : i32
        %convert_element_type3A_271 = arith.extui %eq3A_270 : i1 to i32
        %cond3A_272 = arith.constant 0 : i32
        %cond3A_273 = arith.cmpi ne, %convert_element_type3A_271, %cond3A_272 : i32
        scf.if %cond3A_273 {
          %dma_start3A_279 = arith.constant 0 : i32
          %dma_start3A_280 = tpu.memref_slice %arg12[%add3A_268, %dma_start3A_279] : memref<160x128xi32, #tpu.memory_space<vmem>> -> memref<1x128xi32, #tpu.memory_space<vmem>>
          %dma_start3A_281 = tpu.memref_squeeze %dma_start3A_280 : memref<1x128xi32, #tpu.memory_space<vmem>> -> memref<128xi32, #tpu.memory_space<vmem>>
          %dma_start3A_282 = arith.constant 0 : i32
          %dma_start3A_283 = arith.constant 0 : i32
          %dma_start3A_284 = tpu.memref_slice %arg4[%dma_start3A_282, %dma_start3A_283] : memref<10000x64xf32, #tpu.memory_space<hbm>> -> memref<10000x64xf32, #tpu.memory_space<hbm>>
          tpu.enqueue_indirect_dma source(%dma_start3A_284 : memref<10000x64xf32, #tpu.memory_space<hbm>>) target(%arg15 : memref<128x64xf32, #tpu.memory_space<vmem>>) offsets(%dma_start3A_281 : memref<128xi32, #tpu.memory_space<vmem>>) semaphore(%arg20 : memref<!tpu.dma_semaphore, #tpu.memory_space<semaphore_mem>>)
        } else {
        }
        %eq3A_274 = arith.constant 1 : i32
        %eq3A_275 = arith.cmpi eq, %arg0, %eq3A_274 : i32
        %convert_element_type3A_276 = arith.extui %eq3A_275 : i1 to i32
        %cond3A_277 = arith.constant 0 : i32
        %cond3A_278 = arith.cmpi ne, %convert_element_type3A_276, %cond3A_277 : i32
        scf.if %cond3A_278 {
          %dma_start3A_279 = arith.constant 0 : i32
          %dma_start3A_280 = tpu.memref_slice %arg12[%add3A_268, %dma_start3A_279] : memref<160x128xi32, #tpu.memory_space<vmem>> -> memref<1x128xi32, #tpu.memory_space<vmem>>
          %dma_start3A_281 = tpu.memref_squeeze %dma_start3A_280 : memref<1x128xi32, #tpu.memory_space<vmem>> -> memref<128xi32, #tpu.memory_space<vmem>>
          %dma_start3A_282 = arith.constant 0 : i32
          %dma_start3A_283 = arith.constant 0 : i32
          %dma_start3A_284 = tpu.memref_slice %arg5[%dma_start3A_282, %dma_start3A_283] : memref<10000x64xf32, #tpu.memory_space<hbm>> -> memref<10000x64xf32, #tpu.memory_space<hbm>>
          tpu.enqueue_indirect_dma source(%dma_start3A_284 : memref<10000x64xf32, #tpu.memory_space<hbm>>) target(%arg15 : memref<128x64xf32, #tpu.memory_space<vmem>>) offsets(%dma_start3A_281 : memref<128xi32, #tpu.memory_space<vmem>>) semaphore(%arg20 : memref<!tpu.dma_semaphore, #tpu.memory_space<semaphore_mem>>)
        } else {
        }
      } else {
      }
      %dma_wait3A_233 = arith.constant 0 : i32
      %dma_wait3A_234 = arith.constant 0 : i32
      %dma_wait3A_235 = tpu.memref_slice %arg13[%dma_wait3A_233, %dma_wait3A_234] : memref<160x128xi32, #tpu.memory_space<vmem>> -> memref<1x128xi32, #tpu.memory_space<vmem>>
      %dma_wait3A_236 = tpu.memref_squeeze %dma_wait3A_235 : memref<1x128xi32, #tpu.memory_space<vmem>> -> memref<128xi32, #tpu.memory_space<vmem>>
      %dma_wait3A_237 = arith.constant 0 : i32
      %dma_wait3A_238 = arith.constant 0 : i32
      %dma_wait3A_239 = tpu.memref_slice %arg18[%dma_wait3A_237, %dma_wait3A_238] : memref<10112x64xf32, #tpu.memory_space<vmem_shared>> -> memref<10112x64xf32, #tpu.memory_space<vmem_shared>>
      tpu.wait_indirect_dma semaphore(%arg25 : memref<!tpu.dma_semaphore, #tpu.memory_space<semaphore_mem>>) src(%arg16 : memref<128x64xf32, #tpu.memory_space<vmem>>) dst(%dma_wait3A_239 : memref<10112x64xf32, #tpu.memory_space<vmem_shared>>)
      %add3A_240 = arith.constant 4 : i32
      %add3A_241 = arith.addi %add3A_142, %add3A_240 : i32
      %add3A_242 = arith.constant 2 : i32
      %add3A_243 = arith.addi %add3A_241, %add3A_242 : i32
      %lt3A_244 = arith.constant 160 : i32
      %lt3A_245 = arith.cmpi slt, %add3A_243, %lt3A_244 : i32
      %convert_element_type3A_246 = arith.extui %lt3A_245 : i1 to i32
      %cond3A_247 = arith.constant 0 : i32
      %cond3A_248 = arith.cmpi ne, %convert_element_type3A_246, %cond3A_247 : i32
      scf.if %cond3A_248 {
        %add3A_265 = arith.constant 4 : i32
        %add3A_266 = arith.addi %add3A_142, %add3A_265 : i32
        %add3A_267 = arith.constant 2 : i32
        %add3A_268 = arith.addi %add3A_266, %add3A_267 : i32
        %eq3A_269 = arith.constant 0 : i32
        %eq3A_270 = arith.cmpi eq, %arg0, %eq3A_269 : i32
        %convert_element_type3A_271 = arith.extui %eq3A_270 : i1 to i32
        %cond3A_272 = arith.constant 0 : i32
        %cond3A_273 = arith.cmpi ne, %convert_element_type3A_271, %cond3A_272 : i32
        scf.if %cond3A_273 {
          %dma_start3A_279 = arith.constant 0 : i32
          %dma_start3A_280 = tpu.memref_slice %arg12[%add3A_268, %dma_start3A_279] : memref<160x128xi32, #tpu.memory_space<vmem>> -> memref<1x128xi32, #tpu.memory_space<vmem>>
          %dma_start3A_281 = tpu.memref_squeeze %dma_start3A_280 : memref<1x128xi32, #tpu.memory_space<vmem>> -> memref<128xi32, #tpu.memory_space<vmem>>
          %dma_start3A_282 = arith.constant 0 : i32
          %dma_start3A_283 = arith.constant 0 : i32
          %dma_start3A_284 = tpu.memref_slice %arg4[%dma_start3A_282, %dma_start3A_283] : memref<10000x64xf32, #tpu.memory_space<hbm>> -> memref<10000x64xf32, #tpu.memory_space<hbm>>
          tpu.enqueue_indirect_dma source(%dma_start3A_284 : memref<10000x64xf32, #tpu.memory_space<hbm>>) target(%arg16 : memref<128x64xf32, #tpu.memory_space<vmem>>) offsets(%dma_start3A_281 : memref<128xi32, #tpu.memory_space<vmem>>) semaphore(%arg21 : memref<!tpu.dma_semaphore, #tpu.memory_space<semaphore_mem>>)
        } else {
        }
        %eq3A_274 = arith.constant 1 : i32
        %eq3A_275 = arith.cmpi eq, %arg0, %eq3A_274 : i32
        %convert_element_type3A_276 = arith.extui %eq3A_275 : i1 to i32
        %cond3A_277 = arith.constant 0 : i32
        %cond3A_278 = arith.cmpi ne, %convert_element_type3A_276, %cond3A_277 : i32
        scf.if %cond3A_278 {
          %dma_start3A_279 = arith.constant 0 : i32
          %dma_start3A_280 = tpu.memref_slice %arg12[%add3A_268, %dma_start3A_279] : memref<160x128xi32, #tpu.memory_space<vmem>> -> memref<1x128xi32, #tpu.memory_space<vmem>>
          %dma_start3A_281 = tpu.memref_squeeze %dma_start3A_280 : memref<1x128xi32, #tpu.memory_space<vmem>> -> memref<128xi32, #tpu.memory_space<vmem>>
          %dma_start3A_282 = arith.constant 0 : i32
          %dma_start3A_283 = arith.constant 0 : i32
          %dma_start3A_284 = tpu.memref_slice %arg5[%dma_start3A_282, %dma_start3A_283] : memref<10000x64xf32, #tpu.memory_space<hbm>> -> memref<10000x64xf32, #tpu.memory_space<hbm>>
          tpu.enqueue_indirect_dma source(%dma_start3A_284 : memref<10000x64xf32, #tpu.memory_space<hbm>>) target(%arg16 : memref<128x64xf32, #tpu.memory_space<vmem>>) offsets(%dma_start3A_281 : memref<128xi32, #tpu.memory_space<vmem>>) semaphore(%arg21 : memref<!tpu.dma_semaphore, #tpu.memory_space<semaphore_mem>>)
        } else {
        }
      } else {
      }
      %dma_wait3A_249 = arith.constant 0 : i32
      %dma_wait3A_250 = arith.constant 0 : i32
      %dma_wait3A_251 = tpu.memref_slice %arg13[%dma_wait3A_249, %dma_wait3A_250] : memref<160x128xi32, #tpu.memory_space<vmem>> -> memref<1x128xi32, #tpu.memory_space<vmem>>
      %dma_wait3A_252 = tpu.memref_squeeze %dma_wait3A_251 : memref<1x128xi32, #tpu.memory_space<vmem>> -> memref<128xi32, #tpu.memory_space<vmem>>
      %dma_wait3A_253 = arith.constant 0 : i32
      %dma_wait3A_254 = arith.constant 0 : i32
      %dma_wait3A_255 = tpu.memref_slice %arg18[%dma_wait3A_253, %dma_wait3A_254] : memref<10112x64xf32, #tpu.memory_space<vmem_shared>> -> memref<10112x64xf32, #tpu.memory_space<vmem_shared>>
      tpu.wait_indirect_dma semaphore(%arg26 : memref<!tpu.dma_semaphore, #tpu.memory_space<semaphore_mem>>) src(%arg17 : memref<128x64xf32, #tpu.memory_space<vmem>>) dst(%dma_wait3A_255 : memref<10112x64xf32, #tpu.memory_space<vmem_shared>>)
      %add3A_256 = arith.constant 4 : i32
      %add3A_257 = arith.addi %add3A_142, %add3A_256 : i32
      %add3A_258 = arith.constant 3 : i32
      %add3A_259 = arith.addi %add3A_257, %add3A_258 : i32
      %lt3A_260 = arith.constant 160 : i32
      %lt3A_261 = arith.cmpi slt, %add3A_259, %lt3A_260 : i32
      %convert_element_type3A_262 = arith.extui %lt3A_261 : i1 to i32
      %cond3A_263 = arith.constant 0 : i32
      %cond3A_264 = arith.cmpi ne, %convert_element_type3A_262, %cond3A_263 : i32
      scf.if %cond3A_264 {
        %add3A_265 = arith.constant 4 : i32
        %add3A_266 = arith.addi %add3A_142, %add3A_265 : i32
        %add3A_267 = arith.constant 3 : i32
        %add3A_268 = arith.addi %add3A_266, %add3A_267 : i32
        %eq3A_269 = arith.constant 0 : i32
        %eq3A_270 = arith.cmpi eq, %arg0, %eq3A_269 : i32
        %convert_element_type3A_271 = arith.extui %eq3A_270 : i1 to i32
        %cond3A_272 = arith.constant 0 : i32
        %cond3A_273 = arith.cmpi ne, %convert_element_type3A_271, %cond3A_272 : i32
        scf.if %cond3A_273 {
          %dma_start3A_279 = arith.constant 0 : i32
          %dma_start3A_280 = tpu.memref_slice %arg12[%add3A_268, %dma_start3A_279] : memref<160x128xi32, #tpu.memory_space<vmem>> -> memref<1x128xi32, #tpu.memory_space<vmem>>
          %dma_start3A_281 = tpu.memref_squeeze %dma_start3A_280 : memref<1x128xi32, #tpu.memory_space<vmem>> -> memref<128xi32, #tpu.memory_space<vmem>>
          %dma_start3A_282 = arith.constant 0 : i32
          %dma_start3A_283 = arith.constant 0 : i32
          %dma_start3A_284 = tpu.memref_slice %arg4[%dma_start3A_282, %dma_start3A_283] : memref<10000x64xf32, #tpu.memory_space<hbm>> -> memref<10000x64xf32, #tpu.memory_space<hbm>>
          tpu.enqueue_indirect_dma source(%dma_start3A_284 : memref<10000x64xf32, #tpu.memory_space<hbm>>) target(%arg17 : memref<128x64xf32, #tpu.memory_space<vmem>>) offsets(%dma_start3A_281 : memref<128xi32, #tpu.memory_space<vmem>>) semaphore(%arg22 : memref<!tpu.dma_semaphore, #tpu.memory_space<semaphore_mem>>)
        } else {
        }
        %eq3A_274 = arith.constant 1 : i32
        %eq3A_275 = arith.cmpi eq, %arg0, %eq3A_274 : i32
        %convert_element_type3A_276 = arith.extui %eq3A_275 : i1 to i32
        %cond3A_277 = arith.constant 0 : i32
        %cond3A_278 = arith.cmpi ne, %convert_element_type3A_276, %cond3A_277 : i32
        scf.if %cond3A_278 {
          %dma_start3A_279 = arith.constant 0 : i32
          %dma_start3A_280 = tpu.memref_slice %arg12[%add3A_268, %dma_start3A_279] : memref<160x128xi32, #tpu.memory_space<vmem>> -> memref<1x128xi32, #tpu.memory_space<vmem>>
          %dma_start3A_281 = tpu.memref_squeeze %dma_start3A_280 : memref<1x128xi32, #tpu.memory_space<vmem>> -> memref<128xi32, #tpu.memory_space<vmem>>
          %dma_start3A_282 = arith.constant 0 : i32
          %dma_start3A_283 = arith.constant 0 : i32
          %dma_start3A_284 = tpu.memref_slice %arg5[%dma_start3A_282, %dma_start3A_283] : memref<10000x64xf32, #tpu.memory_space<hbm>> -> memref<10000x64xf32, #tpu.memory_space<hbm>>
          tpu.enqueue_indirect_dma source(%dma_start3A_284 : memref<10000x64xf32, #tpu.memory_space<hbm>>) target(%arg17 : memref<128x64xf32, #tpu.memory_space<vmem>>) offsets(%dma_start3A_281 : memref<128xi32, #tpu.memory_space<vmem>>) semaphore(%arg22 : memref<!tpu.dma_semaphore, #tpu.memory_space<semaphore_mem>>)
        } else {
        }
      } else {
      }
    }
    %scan3A_54 = arith.constant 40 : i32
    %barrier3A_55 = arith.constant 0 : index
    tpu.barrier barrier_id(%barrier3A_55)
    %eq3A_56 = arith.constant 0 : i32
    %eq3A_57 = arith.cmpi eq, %arg0, %eq3A_56 : i32
    %convert_element_type3A_58 = arith.extui %eq3A_57 : i1 to i32
    %cond3A_59 = arith.constant 0 : i32
    %cond3A_60 = arith.cmpi ne, %convert_element_type3A_58, %cond3A_59 : i32
    scf.if %cond3A_60 {
      %lt3A_139 = arith.constant 15 : i32
      %lt3A_140 = arith.cmpi slt, %arg1, %lt3A_139 : i32
      %convert_element_type3A_141 = arith.extui %lt3A_140 : i1 to i32
      %cond3A_142 = arith.constant 0 : i32
      %cond3A_143 = arith.cmpi ne, %convert_element_type3A_141, %cond3A_142 : i32
      scf.if %cond3A_143 {
        "tpu.region"() ({
          %run_scoped3A = tpu.sem_alloc : memref<!tpu.dma_semaphore, #tpu.memory_space<semaphore_mem>>
          %dma_start3A = arith.constant 0 : i32
          %dma_start3A_149 = tpu.memref_slice %arg8[%select_n3A, %dma_start3A] : memref<10000x64xf32, #tpu.memory_space<hbm>> -> memref<624x64xf32, #tpu.memory_space<hbm>>
          %dma_start3A_150 = arith.constant 0 : i32
          %dma_start3A_151 = tpu.memref_slice %arg18[%select_n3A, %dma_start3A_150] : memref<10112x64xf32, #tpu.memory_space<vmem_shared>> -> memref<624x64xf32, #tpu.memory_space<vmem_shared>>
          tpu.enqueue_dma source(%dma_start3A_151 : memref<624x64xf32, #tpu.memory_space<vmem_shared>>) target(%dma_start3A_149 : memref<624x64xf32, #tpu.memory_space<hbm>>) target_semaphore(%run_scoped3A : memref<!tpu.dma_semaphore, #tpu.memory_space<semaphore_mem>>)
          %dma_wait3A = arith.constant 0 : i32
          %dma_wait3A_152 = tpu.memref_slice %arg8[%select_n3A, %dma_wait3A] : memref<10000x64xf32, #tpu.memory_space<hbm>> -> memref<624x64xf32, #tpu.memory_space<hbm>>
          %dma_wait3A_153 = arith.constant 0 : i32
          %dma_wait3A_154 = tpu.memref_slice %arg18[%select_n3A, %dma_wait3A_153] : memref<10112x64xf32, #tpu.memory_space<vmem_shared>> -> memref<624x64xf32, #tpu.memory_space<vmem_shared>>
          tpu.wait_dma2 semaphore(%run_scoped3A : memref<!tpu.dma_semaphore, #tpu.memory_space<semaphore_mem>>) src(%dma_wait3A_154 : memref<624x64xf32, #tpu.memory_space<vmem_shared>>) dst(%dma_wait3A_152 : memref<624x64xf32, #tpu.memory_space<hbm>>)
          tpu.yield
        }) : () -> ()
      } else {
      }
      %eq3A_144 = arith.constant 15 : i32
      %eq3A_145 = arith.cmpi eq, %arg1, %eq3A_144 : i32
      %convert_element_type3A_146 = arith.extui %eq3A_145 : i1 to i32
      %cond3A_147 = arith.constant 0 : i32
      %cond3A_148 = arith.cmpi ne, %convert_element_type3A_146, %cond3A_147 : i32
      scf.if %cond3A_148 {
        "tpu.region"() ({
          %run_scoped3A = tpu.sem_alloc : memref<!tpu.dma_semaphore, #tpu.memory_space<semaphore_mem>>
          %dma_start3A = arith.constant 0 : i32
          %dma_start3A_149 = tpu.memref_slice %arg8[%select_n3A, %dma_start3A] : memref<10000x64xf32, #tpu.memory_space<hbm>> -> memref<640x64xf32, #tpu.memory_space<hbm>>
          %dma_start3A_150 = arith.constant 0 : i32
          %dma_start3A_151 = tpu.memref_slice %arg18[%select_n3A, %dma_start3A_150] : memref<10112x64xf32, #tpu.memory_space<vmem_shared>> -> memref<640x64xf32, #tpu.memory_space<vmem_shared>>
          tpu.enqueue_dma source(%dma_start3A_151 : memref<640x64xf32, #tpu.memory_space<vmem_shared>>) target(%dma_start3A_149 : memref<640x64xf32, #tpu.memory_space<hbm>>) target_semaphore(%run_scoped3A : memref<!tpu.dma_semaphore, #tpu.memory_space<semaphore_mem>>)
          %dma_wait3A = arith.constant 0 : i32
          %dma_wait3A_152 = tpu.memref_slice %arg8[%select_n3A, %dma_wait3A] : memref<10000x64xf32, #tpu.memory_space<hbm>> -> memref<640x64xf32, #tpu.memory_space<hbm>>
          %dma_wait3A_153 = arith.constant 0 : i32
          %dma_wait3A_154 = tpu.memref_slice %arg18[%select_n3A, %dma_wait3A_153] : memref<10112x64xf32, #tpu.memory_space<vmem_shared>> -> memref<640x64xf32, #tpu.memory_space<vmem_shared>>
          tpu.wait_dma2 semaphore(%run_scoped3A : memref<!tpu.dma_semaphore, #tpu.memory_space<semaphore_mem>>) src(%dma_wait3A_154 : memref<640x64xf32, #tpu.memory_space<vmem_shared>>) dst(%dma_wait3A_152 : memref<640x64xf32, #tpu.memory_space<hbm>>)
          tpu.yield
        }) : () -> ()
      } else {
      }
    } else {
    }
    %eq3A_61 = arith.constant 1 : i32
    %eq3A_62 = arith.cmpi eq, %arg0, %eq3A_61 : i32
    %convert_element_type3A_63 = arith.extui %eq3A_62 : i1 to i32
    %cond3A_64 = arith.constant 0 : i32
    %cond3A_65 = arith.cmpi ne, %convert_element_type3A_63, %cond3A_64 : i32
    scf.if %cond3A_65 {
      %lt3A_139 = arith.constant 15 : i32
      %lt3A_140 = arith.cmpi slt, %arg1, %lt3A_139 : i32
      %convert_element_type3A_141 = arith.extui %lt3A_140 : i1 to i32
      %cond3A_142 = arith.constant 0 : i32
      %cond3A_143 = arith.cmpi ne, %convert_element_type3A_141, %cond3A_142 : i32
      scf.if %cond3A_143 {
        "tpu.region"() ({
          %run_scoped3A = tpu.sem_alloc : memref<!tpu.dma_semaphore, #tpu.memory_space<semaphore_mem>>
          %dma_start3A = arith.constant 0 : i32
          %dma_start3A_149 = tpu.memref_slice %arg9[%select_n3A, %dma_start3A] : memref<10000x64xf32, #tpu.memory_space<hbm>> -> memref<624x64xf32, #tpu.memory_space<hbm>>
          %dma_start3A_150 = arith.constant 0 : i32
          %dma_start3A_151 = tpu.memref_slice %arg18[%select_n3A, %dma_start3A_150] : memref<10112x64xf32, #tpu.memory_space<vmem_shared>> -> memref<624x64xf32, #tpu.memory_space<vmem_shared>>
          tpu.enqueue_dma source(%dma_start3A_151 : memref<624x64xf32, #tpu.memory_space<vmem_shared>>) target(%dma_start3A_149 : memref<624x64xf32, #tpu.memory_space<hbm>>) target_semaphore(%run_scoped3A : memref<!tpu.dma_semaphore, #tpu.memory_space<semaphore_mem>>)
          %dma_wait3A = arith.constant 0 : i32
          %dma_wait3A_152 = tpu.memref_slice %arg9[%select_n3A, %dma_wait3A] : memref<10000x64xf32, #tpu.memory_space<hbm>> -> memref<624x64xf32, #tpu.memory_space<hbm>>
          %dma_wait3A_153 = arith.constant 0 : i32
          %dma_wait3A_154 = tpu.memref_slice %arg18[%select_n3A, %dma_wait3A_153] : memref<10112x64xf32, #tpu.memory_space<vmem_shared>> -> memref<624x64xf32, #tpu.memory_space<vmem_shared>>
          tpu.wait_dma2 semaphore(%run_scoped3A : memref<!tpu.dma_semaphore, #tpu.memory_space<semaphore_mem>>) src(%dma_wait3A_154 : memref<624x64xf32, #tpu.memory_space<vmem_shared>>) dst(%dma_wait3A_152 : memref<624x64xf32, #tpu.memory_space<hbm>>)
          tpu.yield
        }) : () -> ()
      } else {
      }
      %eq3A_144 = arith.constant 15 : i32
      %eq3A_145 = arith.cmpi eq, %arg1, %eq3A_144 : i32
      %convert_element_type3A_146 = arith.extui %eq3A_145 : i1 to i32
      %cond3A_147 = arith.constant 0 : i32
      %cond3A_148 = arith.cmpi ne, %convert_element_type3A_146, %cond3A_147 : i32
      scf.if %cond3A_148 {
        "tpu.region"() ({
          %run_scoped3A = tpu.sem_alloc : memref<!tpu.dma_semaphore, #tpu.memory_space<semaphore_mem>>
          %dma_start3A = arith.constant 0 : i32
          %dma_start3A_149 = tpu.memref_slice %arg9[%select_n3A, %dma_start3A] : memref<10000x64xf32, #tpu.memory_space<hbm>> -> memref<640x64xf32, #tpu.memory_space<hbm>>
          %dma_start3A_150 = arith.constant 0 : i32
          %dma_start3A_151 = tpu.memref_slice %arg18[%select_n3A, %dma_start3A_150] : memref<10112x64xf32, #tpu.memory_space<vmem_shared>> -> memref<640x64xf32, #tpu.memory_space<vmem_shared>>
          tpu.enqueue_dma source(%dma_start3A_151 : memref<640x64xf32, #tpu.memory_space<vmem_shared>>) target(%dma_start3A_149 : memref<640x64xf32, #tpu.memory_space<hbm>>) target_semaphore(%run_scoped3A : memref<!tpu.dma_semaphore, #tpu.memory_space<semaphore_mem>>)
          %dma_wait3A = arith.constant 0 : i32
          %dma_wait3A_152 = tpu.memref_slice %arg9[%select_n3A, %dma_wait3A] : memref<10000x64xf32, #tpu.memory_space<hbm>> -> memref<640x64xf32, #tpu.memory_space<hbm>>
          %dma_wait3A_153 = arith.constant 0 : i32
          %dma_wait3A_154 = tpu.memref_slice %arg18[%select_n3A, %dma_wait3A_153] : memref<10112x64xf32, #tpu.memory_space<vmem_shared>> -> memref<640x64xf32, #tpu.memory_space<vmem_shared>>
          tpu.wait_dma2 semaphore(%run_scoped3A : memref<!tpu.dma_semaphore, #tpu.memory_space<semaphore_mem>>) src(%dma_wait3A_154 : memref<640x64xf32, #tpu.memory_space<vmem_shared>>) dst(%dma_wait3A_152 : memref<640x64xf32, #tpu.memory_space<hbm>>)
          tpu.yield
        }) : () -> ()
      } else {
      }
    } else {
    }
    %lt3A_66 = arith.constant 15 : i32
    %lt3A_67 = arith.cmpi slt, %arg1, %lt3A_66 : i32
    %mul3A_68 = arith.constant 624 : i32
    %mul3A_69 = arith.muli %arg1, %mul3A_68 : i32
    %jit3A_70 = arith.constant 9360 : i32
    %select_n3A_71 = arith.select %lt3A_67, %mul3A_69, %jit3A_70 : i32
    %eq3A_72 = arith.constant 0 : i32
    %eq3A_73 = arith.cmpi eq, %arg0, %eq3A_72 : i32
    %convert_element_type3A_74 = arith.extui %eq3A_73 : i1 to i32
    %cond3A_75 = arith.constant 0 : i32
    %cond3A_76 = arith.cmpi ne, %convert_element_type3A_74, %cond3A_75 : i32
    scf.if %cond3A_76 {
      %lt3A_139 = arith.constant 15 : i32
      %lt3A_140 = arith.cmpi slt, %arg1, %lt3A_139 : i32
      %convert_element_type3A_141 = arith.extui %lt3A_140 : i1 to i32
      %cond3A_142 = arith.constant 0 : i32
      %cond3A_143 = arith.cmpi ne, %convert_element_type3A_141, %cond3A_142 : i32
      scf.if %cond3A_143 {
        "tpu.region"() ({
          %run_scoped3A = tpu.sem_alloc : memref<!tpu.dma_semaphore, #tpu.memory_space<semaphore_mem>>
          %dma_start3A = arith.constant 0 : i32
          %dma_start3A_149 = tpu.memref_slice %arg18[%select_n3A_71, %dma_start3A] : memref<10112x64xf32, #tpu.memory_space<vmem_shared>> -> memref<624x64xf32, #tpu.memory_space<vmem_shared>>
          %dma_start3A_150 = arith.constant 0 : i32
          %dma_start3A_151 = tpu.memref_slice %arg6[%select_n3A_71, %dma_start3A_150] : memref<10000x64xf32, #tpu.memory_space<hbm>> -> memref<624x64xf32, #tpu.memory_space<hbm>>
          tpu.enqueue_dma source(%dma_start3A_151 : memref<624x64xf32, #tpu.memory_space<hbm>>) target(%dma_start3A_149 : memref<624x64xf32, #tpu.memory_space<vmem_shared>>) target_semaphore(%run_scoped3A : memref<!tpu.dma_semaphore, #tpu.memory_space<semaphore_mem>>)
          %dma_wait3A = arith.constant 0 : i32
          %dma_wait3A_152 = tpu.memref_slice %arg18[%select_n3A_71, %dma_wait3A] : memref<10112x64xf32, #tpu.memory_space<vmem_shared>> -> memref<624x64xf32, #tpu.memory_space<vmem_shared>>
          %dma_wait3A_153 = arith.constant 0 : i32
          %dma_wait3A_154 = tpu.memref_slice %arg6[%select_n3A_71, %dma_wait3A_153] : memref<10000x64xf32, #tpu.memory_space<hbm>> -> memref<624x64xf32, #tpu.memory_space<hbm>>
          tpu.wait_dma2 semaphore(%run_scoped3A : memref<!tpu.dma_semaphore, #tpu.memory_space<semaphore_mem>>) src(%dma_wait3A_154 : memref<624x64xf32, #tpu.memory_space<hbm>>) dst(%dma_wait3A_152 : memref<624x64xf32, #tpu.memory_space<vmem_shared>>)
          tpu.yield
        }) : () -> ()
      } else {
      }
      %eq3A_144 = arith.constant 15 : i32
      %eq3A_145 = arith.cmpi eq, %arg1, %eq3A_144 : i32
      %convert_element_type3A_146 = arith.extui %eq3A_145 : i1 to i32
      %cond3A_147 = arith.constant 0 : i32
      %cond3A_148 = arith.cmpi ne, %convert_element_type3A_146, %cond3A_147 : i32
      scf.if %cond3A_148 {
        "tpu.region"() ({
          %run_scoped3A = tpu.sem_alloc : memref<!tpu.dma_semaphore, #tpu.memory_space<semaphore_mem>>
          %dma_start3A = arith.constant 0 : i32
          %dma_start3A_149 = tpu.memref_slice %arg18[%select_n3A_71, %dma_start3A] : memref<10112x64xf32, #tpu.memory_space<vmem_shared>> -> memref<640x64xf32, #tpu.memory_space<vmem_shared>>
          %dma_start3A_150 = arith.constant 0 : i32
          %dma_start3A_151 = tpu.memref_slice %arg6[%select_n3A_71, %dma_start3A_150] : memref<10000x64xf32, #tpu.memory_space<hbm>> -> memref<640x64xf32, #tpu.memory_space<hbm>>
          tpu.enqueue_dma source(%dma_start3A_151 : memref<640x64xf32, #tpu.memory_space<hbm>>) target(%dma_start3A_149 : memref<640x64xf32, #tpu.memory_space<vmem_shared>>) target_semaphore(%run_scoped3A : memref<!tpu.dma_semaphore, #tpu.memory_space<semaphore_mem>>)
          %dma_wait3A = arith.constant 0 : i32
          %dma_wait3A_152 = tpu.memref_slice %arg18[%select_n3A_71, %dma_wait3A] : memref<10112x64xf32, #tpu.memory_space<vmem_shared>> -> memref<640x64xf32, #tpu.memory_space<vmem_shared>>
          %dma_wait3A_153 = arith.constant 0 : i32
          %dma_wait3A_154 = tpu.memref_slice %arg6[%select_n3A_71, %dma_wait3A_153] : memref<10000x64xf32, #tpu.memory_space<hbm>> -> memref<640x64xf32, #tpu.memory_space<hbm>>
          tpu.wait_dma2 semaphore(%run_scoped3A : memref<!tpu.dma_semaphore, #tpu.memory_space<semaphore_mem>>) src(%dma_wait3A_154 : memref<640x64xf32, #tpu.memory_space<hbm>>) dst(%dma_wait3A_152 : memref<640x64xf32, #tpu.memory_space<vmem_shared>>)
          tpu.yield
        }) : () -> ()
      } else {
      }
    } else {
    }
    %eq3A_77 = arith.constant 1 : i32
    %eq3A_78 = arith.cmpi eq, %arg0, %eq3A_77 : i32
    %convert_element_type3A_79 = arith.extui %eq3A_78 : i1 to i32
    %cond3A_80 = arith.constant 0 : i32
    %cond3A_81 = arith.cmpi ne, %convert_element_type3A_79, %cond3A_80 : i32
    scf.if %cond3A_81 {
      %lt3A_139 = arith.constant 15 : i32
      %lt3A_140 = arith.cmpi slt, %arg1, %lt3A_139 : i32
      %convert_element_type3A_141 = arith.extui %lt3A_140 : i1 to i32
      %cond3A_142 = arith.constant 0 : i32
      %cond3A_143 = arith.cmpi ne, %convert_element_type3A_141, %cond3A_142 : i32
      scf.if %cond3A_143 {
        "tpu.region"() ({
          %run_scoped3A = tpu.sem_alloc : memref<!tpu.dma_semaphore, #tpu.memory_space<semaphore_mem>>
          %dma_start3A = arith.constant 0 : i32
          %dma_start3A_149 = tpu.memref_slice %arg18[%select_n3A_71, %dma_start3A] : memref<10112x64xf32, #tpu.memory_space<vmem_shared>> -> memref<624x64xf32, #tpu.memory_space<vmem_shared>>
          %dma_start3A_150 = arith.constant 0 : i32
          %dma_start3A_151 = tpu.memref_slice %arg7[%select_n3A_71, %dma_start3A_150] : memref<10000x64xf32, #tpu.memory_space<hbm>> -> memref<624x64xf32, #tpu.memory_space<hbm>>
          tpu.enqueue_dma source(%dma_start3A_151 : memref<624x64xf32, #tpu.memory_space<hbm>>) target(%dma_start3A_149 : memref<624x64xf32, #tpu.memory_space<vmem_shared>>) target_semaphore(%run_scoped3A : memref<!tpu.dma_semaphore, #tpu.memory_space<semaphore_mem>>)
          %dma_wait3A = arith.constant 0 : i32
          %dma_wait3A_152 = tpu.memref_slice %arg18[%select_n3A_71, %dma_wait3A] : memref<10112x64xf32, #tpu.memory_space<vmem_shared>> -> memref<624x64xf32, #tpu.memory_space<vmem_shared>>
          %dma_wait3A_153 = arith.constant 0 : i32
          %dma_wait3A_154 = tpu.memref_slice %arg7[%select_n3A_71, %dma_wait3A_153] : memref<10000x64xf32, #tpu.memory_space<hbm>> -> memref<624x64xf32, #tpu.memory_space<hbm>>
          tpu.wait_dma2 semaphore(%run_scoped3A : memref<!tpu.dma_semaphore, #tpu.memory_space<semaphore_mem>>) src(%dma_wait3A_154 : memref<624x64xf32, #tpu.memory_space<hbm>>) dst(%dma_wait3A_152 : memref<624x64xf32, #tpu.memory_space<vmem_shared>>)
          tpu.yield
        }) : () -> ()
      } else {
      }
      %eq3A_144 = arith.constant 15 : i32
      %eq3A_145 = arith.cmpi eq, %arg1, %eq3A_144 : i32
      %convert_element_type3A_146 = arith.extui %eq3A_145 : i1 to i32
      %cond3A_147 = arith.constant 0 : i32
      %cond3A_148 = arith.cmpi ne, %convert_element_type3A_146, %cond3A_147 : i32
      scf.if %cond3A_148 {
        "tpu.region"() ({
          %run_scoped3A = tpu.sem_alloc : memref<!tpu.dma_semaphore, #tpu.memory_space<semaphore_mem>>
          %dma_start3A = arith.constant 0 : i32
          %dma_start3A_149 = tpu.memref_slice %arg18[%select_n3A_71, %dma_start3A] : memref<10112x64xf32, #tpu.memory_space<vmem_shared>> -> memref<640x64xf32, #tpu.memory_space<vmem_shared>>
          %dma_start3A_150 = arith.constant 0 : i32
          %dma_start3A_151 = tpu.memref_slice %arg7[%select_n3A_71, %dma_start3A_150] : memref<10000x64xf32, #tpu.memory_space<hbm>> -> memref<640x64xf32, #tpu.memory_space<hbm>>
          tpu.enqueue_dma source(%dma_start3A_151 : memref<640x64xf32, #tpu.memory_space<hbm>>) target(%dma_start3A_149 : memref<640x64xf32, #tpu.memory_space<vmem_shared>>) target_semaphore(%run_scoped3A : memref<!tpu.dma_semaphore, #tpu.memory_space<semaphore_mem>>)
          %dma_wait3A = arith.constant 0 : i32
          %dma_wait3A_152 = tpu.memref_slice %arg18[%select_n3A_71, %dma_wait3A] : memref<10112x64xf32, #tpu.memory_space<vmem_shared>> -> memref<640x64xf32, #tpu.memory_space<vmem_shared>>
          %dma_wait3A_153 = arith.constant 0 : i32
          %dma_wait3A_154 = tpu.memref_slice %arg7[%select_n3A_71, %dma_wait3A_153] : memref<10000x64xf32, #tpu.memory_space<hbm>> -> memref<640x64xf32, #tpu.memory_space<hbm>>
          tpu.wait_dma2 semaphore(%run_scoped3A : memref<!tpu.dma_semaphore, #tpu.memory_space<semaphore_mem>>) src(%dma_wait3A_154 : memref<640x64xf32, #tpu.memory_space<hbm>>) dst(%dma_wait3A_152 : memref<640x64xf32, #tpu.memory_space<vmem_shared>>)
          tpu.yield
        }) : () -> ()
      } else {
      }
    } else {
    }
    %barrier3A_82 = arith.constant 0 : index
    tpu.barrier barrier_id(%barrier3A_82)
    %eq3A_83 = arith.constant 0 : i32
    %eq3A_84 = arith.cmpi eq, %arg0, %eq3A_83 : i32
    %convert_element_type3A_85 = arith.extui %eq3A_84 : i1 to i32
    %cond3A_86 = arith.constant 0 : i32
    %cond3A_87 = arith.cmpi ne, %convert_element_type3A_85, %cond3A_86 : i32
    scf.if %cond3A_87 {
      %dma_start3A = arith.constant 0 : i32
      %dma_start3A_139 = arith.constant 0 : i32
      %dma_start3A_140 = tpu.memref_slice %arg12[%dma_start3A, %dma_start3A_139] : memref<160x128xi32, #tpu.memory_space<vmem>> -> memref<1x128xi32, #tpu.memory_space<vmem>>
      %dma_start3A_141 = tpu.memref_squeeze %dma_start3A_140 : memref<1x128xi32, #tpu.memory_space<vmem>> -> memref<128xi32, #tpu.memory_space<vmem>>
      %dma_start3A_142 = arith.constant 0 : i32
      %dma_start3A_143 = arith.constant 0 : i32
      %dma_start3A_144 = tpu.memref_slice %arg6[%dma_start3A_142, %dma_start3A_143] : memref<10000x64xf32, #tpu.memory_space<hbm>> -> memref<10000x64xf32, #tpu.memory_space<hbm>>
      tpu.enqueue_indirect_dma source(%dma_start3A_144 : memref<10000x64xf32, #tpu.memory_space<hbm>>) target(%arg14 : memref<128x64xf32, #tpu.memory_space<vmem>>) offsets(%dma_start3A_141 : memref<128xi32, #tpu.memory_space<vmem>>) semaphore(%arg19 : memref<!tpu.dma_semaphore, #tpu.memory_space<semaphore_mem>>)
    } else {
    }
    %eq3A_88 = arith.constant 1 : i32
    %eq3A_89 = arith.cmpi eq, %arg0, %eq3A_88 : i32
    %convert_element_type3A_90 = arith.extui %eq3A_89 : i1 to i32
    %cond3A_91 = arith.constant 0 : i32
    %cond3A_92 = arith.cmpi ne, %convert_element_type3A_90, %cond3A_91 : i32
    scf.if %cond3A_92 {
      %dma_start3A = arith.constant 0 : i32
      %dma_start3A_139 = arith.constant 0 : i32
      %dma_start3A_140 = tpu.memref_slice %arg12[%dma_start3A, %dma_start3A_139] : memref<160x128xi32, #tpu.memory_space<vmem>> -> memref<1x128xi32, #tpu.memory_space<vmem>>
      %dma_start3A_141 = tpu.memref_squeeze %dma_start3A_140 : memref<1x128xi32, #tpu.memory_space<vmem>> -> memref<128xi32, #tpu.memory_space<vmem>>
      %dma_start3A_142 = arith.constant 0 : i32
      %dma_start3A_143 = arith.constant 0 : i32
      %dma_start3A_144 = tpu.memref_slice %arg7[%dma_start3A_142, %dma_start3A_143] : memref<10000x64xf32, #tpu.memory_space<hbm>> -> memref<10000x64xf32, #tpu.memory_space<hbm>>
      tpu.enqueue_indirect_dma source(%dma_start3A_144 : memref<10000x64xf32, #tpu.memory_space<hbm>>) target(%arg14 : memref<128x64xf32, #tpu.memory_space<vmem>>) offsets(%dma_start3A_141 : memref<128xi32, #tpu.memory_space<vmem>>) semaphore(%arg19 : memref<!tpu.dma_semaphore, #tpu.memory_space<semaphore_mem>>)
    } else {
    }
    %eq3A_93 = arith.constant 0 : i32
    %eq3A_94 = arith.cmpi eq, %arg0, %eq3A_93 : i32
    %convert_element_type3A_95 = arith.extui %eq3A_94 : i1 to i32
    %cond3A_96 = arith.constant 0 : i32
    %cond3A_97 = arith.cmpi ne, %convert_element_type3A_95, %cond3A_96 : i32
    scf.if %cond3A_97 {
      %dma_start3A = arith.constant 1 : i32
      %dma_start3A_139 = arith.constant 0 : i32
      %dma_start3A_140 = tpu.memref_slice %arg12[%dma_start3A, %dma_start3A_139] : memref<160x128xi32, #tpu.memory_space<vmem>> -> memref<1x128xi32, #tpu.memory_space<vmem>>
      %dma_start3A_141 = tpu.memref_squeeze %dma_start3A_140 : memref<1x128xi32, #tpu.memory_space<vmem>> -> memref<128xi32, #tpu.memory_space<vmem>>
      %dma_start3A_142 = arith.constant 0 : i32
      %dma_start3A_143 = arith.constant 0 : i32
      %dma_start3A_144 = tpu.memref_slice %arg6[%dma_start3A_142, %dma_start3A_143] : memref<10000x64xf32, #tpu.memory_space<hbm>> -> memref<10000x64xf32, #tpu.memory_space<hbm>>
      tpu.enqueue_indirect_dma source(%dma_start3A_144 : memref<10000x64xf32, #tpu.memory_space<hbm>>) target(%arg15 : memref<128x64xf32, #tpu.memory_space<vmem>>) offsets(%dma_start3A_141 : memref<128xi32, #tpu.memory_space<vmem>>) semaphore(%arg20 : memref<!tpu.dma_semaphore, #tpu.memory_space<semaphore_mem>>)
    } else {
    }
    %eq3A_98 = arith.constant 1 : i32
    %eq3A_99 = arith.cmpi eq, %arg0, %eq3A_98 : i32
    %convert_element_type3A_100 = arith.extui %eq3A_99 : i1 to i32
    %cond3A_101 = arith.constant 0 : i32
    %cond3A_102 = arith.cmpi ne, %convert_element_type3A_100, %cond3A_101 : i32
    scf.if %cond3A_102 {
      %dma_start3A = arith.constant 1 : i32
      %dma_start3A_139 = arith.constant 0 : i32
      %dma_start3A_140 = tpu.memref_slice %arg12[%dma_start3A, %dma_start3A_139] : memref<160x128xi32, #tpu.memory_space<vmem>> -> memref<1x128xi32, #tpu.memory_space<vmem>>
      %dma_start3A_141 = tpu.memref_squeeze %dma_start3A_140 : memref<1x128xi32, #tpu.memory_space<vmem>> -> memref<128xi32, #tpu.memory_space<vmem>>
      %dma_start3A_142 = arith.constant 0 : i32
      %dma_start3A_143 = arith.constant 0 : i32
      %dma_start3A_144 = tpu.memref_slice %arg7[%dma_start3A_142, %dma_start3A_143] : memref<10000x64xf32, #tpu.memory_space<hbm>> -> memref<10000x64xf32, #tpu.memory_space<hbm>>
      tpu.enqueue_indirect_dma source(%dma_start3A_144 : memref<10000x64xf32, #tpu.memory_space<hbm>>) target(%arg15 : memref<128x64xf32, #tpu.memory_space<vmem>>) offsets(%dma_start3A_141 : memref<128xi32, #tpu.memory_space<vmem>>) semaphore(%arg20 : memref<!tpu.dma_semaphore, #tpu.memory_space<semaphore_mem>>)
    } else {
    }
    %eq3A_103 = arith.constant 0 : i32
    %eq3A_104 = arith.cmpi eq, %arg0, %eq3A_103 : i32
    %convert_element_type3A_105 = arith.extui %eq3A_104 : i1 to i32
    %cond3A_106 = arith.constant 0 : i32
    %cond3A_107 = arith.cmpi ne, %convert_element_type3A_105, %cond3A_106 : i32
    scf.if %cond3A_107 {
      %dma_start3A = arith.constant 2 : i32
      %dma_start3A_139 = arith.constant 0 : i32
      %dma_start3A_140 = tpu.memref_slice %arg12[%dma_start3A, %dma_start3A_139] : memref<160x128xi32, #tpu.memory_space<vmem>> -> memref<1x128xi32, #tpu.memory_space<vmem>>
      %dma_start3A_141 = tpu.memref_squeeze %dma_start3A_140 : memref<1x128xi32, #tpu.memory_space<vmem>> -> memref<128xi32, #tpu.memory_space<vmem>>
      %dma_start3A_142 = arith.constant 0 : i32
      %dma_start3A_143 = arith.constant 0 : i32
      %dma_start3A_144 = tpu.memref_slice %arg6[%dma_start3A_142, %dma_start3A_143] : memref<10000x64xf32, #tpu.memory_space<hbm>> -> memref<10000x64xf32, #tpu.memory_space<hbm>>
      tpu.enqueue_indirect_dma source(%dma_start3A_144 : memref<10000x64xf32, #tpu.memory_space<hbm>>) target(%arg16 : memref<128x64xf32, #tpu.memory_space<vmem>>) offsets(%dma_start3A_141 : memref<128xi32, #tpu.memory_space<vmem>>) semaphore(%arg21 : memref<!tpu.dma_semaphore, #tpu.memory_space<semaphore_mem>>)
    } else {
    }
    %eq3A_108 = arith.constant 1 : i32
    %eq3A_109 = arith.cmpi eq, %arg0, %eq3A_108 : i32
    %convert_element_type3A_110 = arith.extui %eq3A_109 : i1 to i32
    %cond3A_111 = arith.constant 0 : i32
    %cond3A_112 = arith.cmpi ne, %convert_element_type3A_110, %cond3A_111 : i32
    scf.if %cond3A_112 {
      %dma_start3A = arith.constant 2 : i32
      %dma_start3A_139 = arith.constant 0 : i32
      %dma_start3A_140 = tpu.memref_slice %arg12[%dma_start3A, %dma_start3A_139] : memref<160x128xi32, #tpu.memory_space<vmem>> -> memref<1x128xi32, #tpu.memory_space<vmem>>
      %dma_start3A_141 = tpu.memref_squeeze %dma_start3A_140 : memref<1x128xi32, #tpu.memory_space<vmem>> -> memref<128xi32, #tpu.memory_space<vmem>>
      %dma_start3A_142 = arith.constant 0 : i32
      %dma_start3A_143 = arith.constant 0 : i32
      %dma_start3A_144 = tpu.memref_slice %arg7[%dma_start3A_142, %dma_start3A_143] : memref<10000x64xf32, #tpu.memory_space<hbm>> -> memref<10000x64xf32, #tpu.memory_space<hbm>>
      tpu.enqueue_indirect_dma source(%dma_start3A_144 : memref<10000x64xf32, #tpu.memory_space<hbm>>) target(%arg16 : memref<128x64xf32, #tpu.memory_space<vmem>>) offsets(%dma_start3A_141 : memref<128xi32, #tpu.memory_space<vmem>>) semaphore(%arg21 : memref<!tpu.dma_semaphore, #tpu.memory_space<semaphore_mem>>)
    } else {
    }
    %eq3A_113 = arith.constant 0 : i32
    %eq3A_114 = arith.cmpi eq, %arg0, %eq3A_113 : i32
    %convert_element_type3A_115 = arith.extui %eq3A_114 : i1 to i32
    %cond3A_116 = arith.constant 0 : i32
    %cond3A_117 = arith.cmpi ne, %convert_element_type3A_115, %cond3A_116 : i32
    scf.if %cond3A_117 {
      %dma_start3A = arith.constant 3 : i32
      %dma_start3A_139 = arith.constant 0 : i32
      %dma_start3A_140 = tpu.memref_slice %arg12[%dma_start3A, %dma_start3A_139] : memref<160x128xi32, #tpu.memory_space<vmem>> -> memref<1x128xi32, #tpu.memory_space<vmem>>
      %dma_start3A_141 = tpu.memref_squeeze %dma_start3A_140 : memref<1x128xi32, #tpu.memory_space<vmem>> -> memref<128xi32, #tpu.memory_space<vmem>>
      %dma_start3A_142 = arith.constant 0 : i32
      %dma_start3A_143 = arith.constant 0 : i32
      %dma_start3A_144 = tpu.memref_slice %arg6[%dma_start3A_142, %dma_start3A_143] : memref<10000x64xf32, #tpu.memory_space<hbm>> -> memref<10000x64xf32, #tpu.memory_space<hbm>>
      tpu.enqueue_indirect_dma source(%dma_start3A_144 : memref<10000x64xf32, #tpu.memory_space<hbm>>) target(%arg17 : memref<128x64xf32, #tpu.memory_space<vmem>>) offsets(%dma_start3A_141 : memref<128xi32, #tpu.memory_space<vmem>>) semaphore(%arg22 : memref<!tpu.dma_semaphore, #tpu.memory_space<semaphore_mem>>)
    } else {
    }
    %eq3A_118 = arith.constant 1 : i32
    %eq3A_119 = arith.cmpi eq, %arg0, %eq3A_118 : i32
    %convert_element_type3A_120 = arith.extui %eq3A_119 : i1 to i32
    %cond3A_121 = arith.constant 0 : i32
    %cond3A_122 = arith.cmpi ne, %convert_element_type3A_120, %cond3A_121 : i32
    scf.if %cond3A_122 {
      %dma_start3A = arith.constant 3 : i32
      %dma_start3A_139 = arith.constant 0 : i32
      %dma_start3A_140 = tpu.memref_slice %arg12[%dma_start3A, %dma_start3A_139] : memref<160x128xi32, #tpu.memory_space<vmem>> -> memref<1x128xi32, #tpu.memory_space<vmem>>
      %dma_start3A_141 = tpu.memref_squeeze %dma_start3A_140 : memref<1x128xi32, #tpu.memory_space<vmem>> -> memref<128xi32, #tpu.memory_space<vmem>>
      %dma_start3A_142 = arith.constant 0 : i32
      %dma_start3A_143 = arith.constant 0 : i32
      %dma_start3A_144 = tpu.memref_slice %arg7[%dma_start3A_142, %dma_start3A_143] : memref<10000x64xf32, #tpu.memory_space<hbm>> -> memref<10000x64xf32, #tpu.memory_space<hbm>>
      tpu.enqueue_indirect_dma source(%dma_start3A_144 : memref<10000x64xf32, #tpu.memory_space<hbm>>) target(%arg17 : memref<128x64xf32, #tpu.memory_space<vmem>>) offsets(%dma_start3A_141 : memref<128xi32, #tpu.memory_space<vmem>>) semaphore(%arg22 : memref<!tpu.dma_semaphore, #tpu.memory_space<semaphore_mem>>)
    } else {
    }
    %scan3A_123 = arith.constant 0 : i32
    %scan3A_124 = arith.constant 40 : i32
    %scan3A_125 = arith.addi %scan3A_123, %scan3A_124 : i32
    %scan3A_126 = arith.constant 1 : i32
    scf.for %scan3A_139 = %scan3A_123 to %scan3A_125 step %scan3A_126  : i32 {
      %mul3A_140 = arith.constant 4 : i32
      %mul3A_141 = arith.muli %scan3A_139, %mul3A_140 : i32
      %add3A = arith.constant 0 : i32
      %add3A_142 = arith.addi %add3A, %mul3A_141 : i32
      %dma_wait3A = arith.constant 0 : i32
      %dma_wait3A_143 = arith.constant 0 : i32
      %dma_wait3A_144 = tpu.memref_slice %arg12[%dma_wait3A, %dma_wait3A_143] : memref<160x128xi32, #tpu.memory_space<vmem>> -> memref<1x128xi32, #tpu.memory_space<vmem>>
      %dma_wait3A_145 = tpu.memref_squeeze %dma_wait3A_144 : memref<1x128xi32, #tpu.memory_space<vmem>> -> memref<128xi32, #tpu.memory_space<vmem>>
      %dma_wait3A_146 = arith.constant 0 : i32
      %dma_wait3A_147 = arith.constant 0 : i32
      %dma_wait3A_148 = tpu.memref_slice %arg6[%dma_wait3A_146, %dma_wait3A_147] : memref<10000x64xf32, #tpu.memory_space<hbm>> -> memref<10000x64xf32, #tpu.memory_space<hbm>>
      tpu.wait_indirect_dma semaphore(%arg19 : memref<!tpu.dma_semaphore, #tpu.memory_space<semaphore_mem>>) src(%dma_wait3A_148 : memref<10000x64xf32, #tpu.memory_space<hbm>>) dst(%arg14 : memref<128x64xf32, #tpu.memory_space<vmem>>)
      %add3A_149 = arith.constant 0 : i32
      %add3A_150 = arith.addi %add3A_142, %add3A_149 : i32
      %dma_start3A = arith.constant 0 : i32
      %dma_start3A_151 = tpu.memref_slice %arg13[%add3A_150, %dma_start3A] : memref<160x128xi32, #tpu.memory_space<vmem>> -> memref<1x128xi32, #tpu.memory_space<vmem>>
      %dma_start3A_152 = tpu.memref_squeeze %dma_start3A_151 : memref<1x128xi32, #tpu.memory_space<vmem>> -> memref<128xi32, #tpu.memory_space<vmem>>
      %dma_start3A_153 = arith.constant 0 : i32
      %dma_start3A_154 = arith.constant 0 : i32
      %dma_start3A_155 = tpu.memref_slice %arg18[%dma_start3A_153, %dma_start3A_154] : memref<10112x64xf32, #tpu.memory_space<vmem_shared>> -> memref<10112x64xf32, #tpu.memory_space<vmem_shared>>
      tpu.enqueue_indirect_dma source(%arg14 : memref<128x64xf32, #tpu.memory_space<vmem>>) target(%dma_start3A_155 : memref<10112x64xf32, #tpu.memory_space<vmem_shared>>) offsets(%dma_start3A_152 : memref<128xi32, #tpu.memory_space<vmem>>) semaphore(%arg23 : memref<!tpu.dma_semaphore, #tpu.memory_space<semaphore_mem>>) {add = true}
      %dma_wait3A_156 = arith.constant 0 : i32
      %dma_wait3A_157 = arith.constant 0 : i32
      %dma_wait3A_158 = tpu.memref_slice %arg12[%dma_wait3A_156, %dma_wait3A_157] : memref<160x128xi32, #tpu.memory_space<vmem>> -> memref<1x128xi32, #tpu.memory_space<vmem>>
      %dma_wait3A_159 = tpu.memref_squeeze %dma_wait3A_158 : memref<1x128xi32, #tpu.memory_space<vmem>> -> memref<128xi32, #tpu.memory_space<vmem>>
      %dma_wait3A_160 = arith.constant 0 : i32
      %dma_wait3A_161 = arith.constant 0 : i32
      %dma_wait3A_162 = tpu.memref_slice %arg6[%dma_wait3A_160, %dma_wait3A_161] : memref<10000x64xf32, #tpu.memory_space<hbm>> -> memref<10000x64xf32, #tpu.memory_space<hbm>>
      tpu.wait_indirect_dma semaphore(%arg20 : memref<!tpu.dma_semaphore, #tpu.memory_space<semaphore_mem>>) src(%dma_wait3A_162 : memref<10000x64xf32, #tpu.memory_space<hbm>>) dst(%arg15 : memref<128x64xf32, #tpu.memory_space<vmem>>)
      %add3A_163 = arith.constant 1 : i32
      %add3A_164 = arith.addi %add3A_142, %add3A_163 : i32
      %dma_start3A_165 = arith.constant 0 : i32
      %dma_start3A_166 = tpu.memref_slice %arg13[%add3A_164, %dma_start3A_165] : memref<160x128xi32, #tpu.memory_space<vmem>> -> memref<1x128xi32, #tpu.memory_space<vmem>>
      %dma_start3A_167 = tpu.memref_squeeze %dma_start3A_166 : memref<1x128xi32, #tpu.memory_space<vmem>> -> memref<128xi32, #tpu.memory_space<vmem>>
      %dma_start3A_168 = arith.constant 0 : i32
      %dma_start3A_169 = arith.constant 0 : i32
      %dma_start3A_170 = tpu.memref_slice %arg18[%dma_start3A_168, %dma_start3A_169] : memref<10112x64xf32, #tpu.memory_space<vmem_shared>> -> memref<10112x64xf32, #tpu.memory_space<vmem_shared>>
      tpu.enqueue_indirect_dma source(%arg15 : memref<128x64xf32, #tpu.memory_space<vmem>>) target(%dma_start3A_170 : memref<10112x64xf32, #tpu.memory_space<vmem_shared>>) offsets(%dma_start3A_167 : memref<128xi32, #tpu.memory_space<vmem>>) semaphore(%arg24 : memref<!tpu.dma_semaphore, #tpu.memory_space<semaphore_mem>>) {add = true}
      %dma_wait3A_171 = arith.constant 0 : i32
      %dma_wait3A_172 = arith.constant 0 : i32
      %dma_wait3A_173 = tpu.memref_slice %arg12[%dma_wait3A_171, %dma_wait3A_172] : memref<160x128xi32, #tpu.memory_space<vmem>> -> memref<1x128xi32, #tpu.memory_space<vmem>>
      %dma_wait3A_174 = tpu.memref_squeeze %dma_wait3A_173 : memref<1x128xi32, #tpu.memory_space<vmem>> -> memref<128xi32, #tpu.memory_space<vmem>>
      %dma_wait3A_175 = arith.constant 0 : i32
      %dma_wait3A_176 = arith.constant 0 : i32
      %dma_wait3A_177 = tpu.memref_slice %arg6[%dma_wait3A_175, %dma_wait3A_176] : memref<10000x64xf32, #tpu.memory_space<hbm>> -> memref<10000x64xf32, #tpu.memory_space<hbm>>
      tpu.wait_indirect_dma semaphore(%arg21 : memref<!tpu.dma_semaphore, #tpu.memory_space<semaphore_mem>>) src(%dma_wait3A_177 : memref<10000x64xf32, #tpu.memory_space<hbm>>) dst(%arg16 : memref<128x64xf32, #tpu.memory_space<vmem>>)
      %add3A_178 = arith.constant 2 : i32
      %add3A_179 = arith.addi %add3A_142, %add3A_178 : i32
      %dma_start3A_180 = arith.constant 0 : i32
      %dma_start3A_181 = tpu.memref_slice %arg13[%add3A_179, %dma_start3A_180] : memref<160x128xi32, #tpu.memory_space<vmem>> -> memref<1x128xi32, #tpu.memory_space<vmem>>
      %dma_start3A_182 = tpu.memref_squeeze %dma_start3A_181 : memref<1x128xi32, #tpu.memory_space<vmem>> -> memref<128xi32, #tpu.memory_space<vmem>>
      %dma_start3A_183 = arith.constant 0 : i32
      %dma_start3A_184 = arith.constant 0 : i32
      %dma_start3A_185 = tpu.memref_slice %arg18[%dma_start3A_183, %dma_start3A_184] : memref<10112x64xf32, #tpu.memory_space<vmem_shared>> -> memref<10112x64xf32, #tpu.memory_space<vmem_shared>>
      tpu.enqueue_indirect_dma source(%arg16 : memref<128x64xf32, #tpu.memory_space<vmem>>) target(%dma_start3A_185 : memref<10112x64xf32, #tpu.memory_space<vmem_shared>>) offsets(%dma_start3A_182 : memref<128xi32, #tpu.memory_space<vmem>>) semaphore(%arg25 : memref<!tpu.dma_semaphore, #tpu.memory_space<semaphore_mem>>) {add = true}
      %dma_wait3A_186 = arith.constant 0 : i32
      %dma_wait3A_187 = arith.constant 0 : i32
      %dma_wait3A_188 = tpu.memref_slice %arg12[%dma_wait3A_186, %dma_wait3A_187] : memref<160x128xi32, #tpu.memory_space<vmem>> -> memref<1x128xi32, #tpu.memory_space<vmem>>
      %dma_wait3A_189 = tpu.memref_squeeze %dma_wait3A_188 : memref<1x128xi32, #tpu.memory_space<vmem>> -> memref<128xi32, #tpu.memory_space<vmem>>
      %dma_wait3A_190 = arith.constant 0 : i32
      %dma_wait3A_191 = arith.constant 0 : i32
      %dma_wait3A_192 = tpu.memref_slice %arg6[%dma_wait3A_190, %dma_wait3A_191] : memref<10000x64xf32, #tpu.memory_space<hbm>> -> memref<10000x64xf32, #tpu.memory_space<hbm>>
      tpu.wait_indirect_dma semaphore(%arg22 : memref<!tpu.dma_semaphore, #tpu.memory_space<semaphore_mem>>) src(%dma_wait3A_192 : memref<10000x64xf32, #tpu.memory_space<hbm>>) dst(%arg17 : memref<128x64xf32, #tpu.memory_space<vmem>>)
      %add3A_193 = arith.constant 3 : i32
      %add3A_194 = arith.addi %add3A_142, %add3A_193 : i32
      %dma_start3A_195 = arith.constant 0 : i32
      %dma_start3A_196 = tpu.memref_slice %arg13[%add3A_194, %dma_start3A_195] : memref<160x128xi32, #tpu.memory_space<vmem>> -> memref<1x128xi32, #tpu.memory_space<vmem>>
      %dma_start3A_197 = tpu.memref_squeeze %dma_start3A_196 : memref<1x128xi32, #tpu.memory_space<vmem>> -> memref<128xi32, #tpu.memory_space<vmem>>
      %dma_start3A_198 = arith.constant 0 : i32
      %dma_start3A_199 = arith.constant 0 : i32
      %dma_start3A_200 = tpu.memref_slice %arg18[%dma_start3A_198, %dma_start3A_199] : memref<10112x64xf32, #tpu.memory_space<vmem_shared>> -> memref<10112x64xf32, #tpu.memory_space<vmem_shared>>
      tpu.enqueue_indirect_dma source(%arg17 : memref<128x64xf32, #tpu.memory_space<vmem>>) target(%dma_start3A_200 : memref<10112x64xf32, #tpu.memory_space<vmem_shared>>) offsets(%dma_start3A_197 : memref<128xi32, #tpu.memory_space<vmem>>) semaphore(%arg26 : memref<!tpu.dma_semaphore, #tpu.memory_space<semaphore_mem>>) {add = true}
      %dma_wait3A_201 = arith.constant 0 : i32
      %dma_wait3A_202 = arith.constant 0 : i32
      %dma_wait3A_203 = tpu.memref_slice %arg13[%dma_wait3A_201, %dma_wait3A_202] : memref<160x128xi32, #tpu.memory_space<vmem>> -> memref<1x128xi32, #tpu.memory_space<vmem>>
      %dma_wait3A_204 = tpu.memref_squeeze %dma_wait3A_203 : memref<1x128xi32, #tpu.memory_space<vmem>> -> memref<128xi32, #tpu.memory_space<vmem>>
      %dma_wait3A_205 = arith.constant 0 : i32
      %dma_wait3A_206 = arith.constant 0 : i32
      %dma_wait3A_207 = tpu.memref_slice %arg18[%dma_wait3A_205, %dma_wait3A_206] : memref<10112x64xf32, #tpu.memory_space<vmem_shared>> -> memref<10112x64xf32, #tpu.memory_space<vmem_shared>>
      tpu.wait_indirect_dma semaphore(%arg23 : memref<!tpu.dma_semaphore, #tpu.memory_space<semaphore_mem>>) src(%arg14 : memref<128x64xf32, #tpu.memory_space<vmem>>) dst(%dma_wait3A_207 : memref<10112x64xf32, #tpu.memory_space<vmem_shared>>)
      %add3A_208 = arith.constant 4 : i32
      %add3A_209 = arith.addi %add3A_142, %add3A_208 : i32
      %add3A_210 = arith.constant 0 : i32
      %add3A_211 = arith.addi %add3A_209, %add3A_210 : i32
      %lt3A_212 = arith.constant 160 : i32
      %lt3A_213 = arith.cmpi slt, %add3A_211, %lt3A_212 : i32
      %convert_element_type3A_214 = arith.extui %lt3A_213 : i1 to i32
      %cond3A_215 = arith.constant 0 : i32
      %cond3A_216 = arith.cmpi ne, %convert_element_type3A_214, %cond3A_215 : i32
      scf.if %cond3A_216 {
        %add3A_265 = arith.constant 4 : i32
        %add3A_266 = arith.addi %add3A_142, %add3A_265 : i32
        %add3A_267 = arith.constant 0 : i32
        %add3A_268 = arith.addi %add3A_266, %add3A_267 : i32
        %eq3A_269 = arith.constant 0 : i32
        %eq3A_270 = arith.cmpi eq, %arg0, %eq3A_269 : i32
        %convert_element_type3A_271 = arith.extui %eq3A_270 : i1 to i32
        %cond3A_272 = arith.constant 0 : i32
        %cond3A_273 = arith.cmpi ne, %convert_element_type3A_271, %cond3A_272 : i32
        scf.if %cond3A_273 {
          %dma_start3A_279 = arith.constant 0 : i32
          %dma_start3A_280 = tpu.memref_slice %arg12[%add3A_268, %dma_start3A_279] : memref<160x128xi32, #tpu.memory_space<vmem>> -> memref<1x128xi32, #tpu.memory_space<vmem>>
          %dma_start3A_281 = tpu.memref_squeeze %dma_start3A_280 : memref<1x128xi32, #tpu.memory_space<vmem>> -> memref<128xi32, #tpu.memory_space<vmem>>
          %dma_start3A_282 = arith.constant 0 : i32
          %dma_start3A_283 = arith.constant 0 : i32
          %dma_start3A_284 = tpu.memref_slice %arg6[%dma_start3A_282, %dma_start3A_283] : memref<10000x64xf32, #tpu.memory_space<hbm>> -> memref<10000x64xf32, #tpu.memory_space<hbm>>
          tpu.enqueue_indirect_dma source(%dma_start3A_284 : memref<10000x64xf32, #tpu.memory_space<hbm>>) target(%arg14 : memref<128x64xf32, #tpu.memory_space<vmem>>) offsets(%dma_start3A_281 : memref<128xi32, #tpu.memory_space<vmem>>) semaphore(%arg19 : memref<!tpu.dma_semaphore, #tpu.memory_space<semaphore_mem>>)
        } else {
        }
        %eq3A_274 = arith.constant 1 : i32
        %eq3A_275 = arith.cmpi eq, %arg0, %eq3A_274 : i32
        %convert_element_type3A_276 = arith.extui %eq3A_275 : i1 to i32
        %cond3A_277 = arith.constant 0 : i32
        %cond3A_278 = arith.cmpi ne, %convert_element_type3A_276, %cond3A_277 : i32
        scf.if %cond3A_278 {
          %dma_start3A_279 = arith.constant 0 : i32
          %dma_start3A_280 = tpu.memref_slice %arg12[%add3A_268, %dma_start3A_279] : memref<160x128xi32, #tpu.memory_space<vmem>> -> memref<1x128xi32, #tpu.memory_space<vmem>>
          %dma_start3A_281 = tpu.memref_squeeze %dma_start3A_280 : memref<1x128xi32, #tpu.memory_space<vmem>> -> memref<128xi32, #tpu.memory_space<vmem>>
          %dma_start3A_282 = arith.constant 0 : i32
          %dma_start3A_283 = arith.constant 0 : i32
          %dma_start3A_284 = tpu.memref_slice %arg7[%dma_start3A_282, %dma_start3A_283] : memref<10000x64xf32, #tpu.memory_space<hbm>> -> memref<10000x64xf32, #tpu.memory_space<hbm>>
          tpu.enqueue_indirect_dma source(%dma_start3A_284 : memref<10000x64xf32, #tpu.memory_space<hbm>>) target(%arg14 : memref<128x64xf32, #tpu.memory_space<vmem>>) offsets(%dma_start3A_281 : memref<128xi32, #tpu.memory_space<vmem>>) semaphore(%arg19 : memref<!tpu.dma_semaphore, #tpu.memory_space<semaphore_mem>>)
        } else {
        }
      } else {
      }
      %dma_wait3A_217 = arith.constant 0 : i32
      %dma_wait3A_218 = arith.constant 0 : i32
      %dma_wait3A_219 = tpu.memref_slice %arg13[%dma_wait3A_217, %dma_wait3A_218] : memref<160x128xi32, #tpu.memory_space<vmem>> -> memref<1x128xi32, #tpu.memory_space<vmem>>
      %dma_wait3A_220 = tpu.memref_squeeze %dma_wait3A_219 : memref<1x128xi32, #tpu.memory_space<vmem>> -> memref<128xi32, #tpu.memory_space<vmem>>
      %dma_wait3A_221 = arith.constant 0 : i32
      %dma_wait3A_222 = arith.constant 0 : i32
      %dma_wait3A_223 = tpu.memref_slice %arg18[%dma_wait3A_221, %dma_wait3A_222] : memref<10112x64xf32, #tpu.memory_space<vmem_shared>> -> memref<10112x64xf32, #tpu.memory_space<vmem_shared>>
      tpu.wait_indirect_dma semaphore(%arg24 : memref<!tpu.dma_semaphore, #tpu.memory_space<semaphore_mem>>) src(%arg15 : memref<128x64xf32, #tpu.memory_space<vmem>>) dst(%dma_wait3A_223 : memref<10112x64xf32, #tpu.memory_space<vmem_shared>>)
      %add3A_224 = arith.constant 4 : i32
      %add3A_225 = arith.addi %add3A_142, %add3A_224 : i32
      %add3A_226 = arith.constant 1 : i32
      %add3A_227 = arith.addi %add3A_225, %add3A_226 : i32
      %lt3A_228 = arith.constant 160 : i32
      %lt3A_229 = arith.cmpi slt, %add3A_227, %lt3A_228 : i32
      %convert_element_type3A_230 = arith.extui %lt3A_229 : i1 to i32
      %cond3A_231 = arith.constant 0 : i32
      %cond3A_232 = arith.cmpi ne, %convert_element_type3A_230, %cond3A_231 : i32
      scf.if %cond3A_232 {
        %add3A_265 = arith.constant 4 : i32
        %add3A_266 = arith.addi %add3A_142, %add3A_265 : i32
        %add3A_267 = arith.constant 1 : i32
        %add3A_268 = arith.addi %add3A_266, %add3A_267 : i32
        %eq3A_269 = arith.constant 0 : i32
        %eq3A_270 = arith.cmpi eq, %arg0, %eq3A_269 : i32
        %convert_element_type3A_271 = arith.extui %eq3A_270 : i1 to i32
        %cond3A_272 = arith.constant 0 : i32
        %cond3A_273 = arith.cmpi ne, %convert_element_type3A_271, %cond3A_272 : i32
        scf.if %cond3A_273 {
          %dma_start3A_279 = arith.constant 0 : i32
          %dma_start3A_280 = tpu.memref_slice %arg12[%add3A_268, %dma_start3A_279] : memref<160x128xi32, #tpu.memory_space<vmem>> -> memref<1x128xi32, #tpu.memory_space<vmem>>
          %dma_start3A_281 = tpu.memref_squeeze %dma_start3A_280 : memref<1x128xi32, #tpu.memory_space<vmem>> -> memref<128xi32, #tpu.memory_space<vmem>>
          %dma_start3A_282 = arith.constant 0 : i32
          %dma_start3A_283 = arith.constant 0 : i32
          %dma_start3A_284 = tpu.memref_slice %arg6[%dma_start3A_282, %dma_start3A_283] : memref<10000x64xf32, #tpu.memory_space<hbm>> -> memref<10000x64xf32, #tpu.memory_space<hbm>>
          tpu.enqueue_indirect_dma source(%dma_start3A_284 : memref<10000x64xf32, #tpu.memory_space<hbm>>) target(%arg15 : memref<128x64xf32, #tpu.memory_space<vmem>>) offsets(%dma_start3A_281 : memref<128xi32, #tpu.memory_space<vmem>>) semaphore(%arg20 : memref<!tpu.dma_semaphore, #tpu.memory_space<semaphore_mem>>)
        } else {
        }
        %eq3A_274 = arith.constant 1 : i32
        %eq3A_275 = arith.cmpi eq, %arg0, %eq3A_274 : i32
        %convert_element_type3A_276 = arith.extui %eq3A_275 : i1 to i32
        %cond3A_277 = arith.constant 0 : i32
        %cond3A_278 = arith.cmpi ne, %convert_element_type3A_276, %cond3A_277 : i32
        scf.if %cond3A_278 {
          %dma_start3A_279 = arith.constant 0 : i32
          %dma_start3A_280 = tpu.memref_slice %arg12[%add3A_268, %dma_start3A_279] : memref<160x128xi32, #tpu.memory_space<vmem>> -> memref<1x128xi32, #tpu.memory_space<vmem>>
          %dma_start3A_281 = tpu.memref_squeeze %dma_start3A_280 : memref<1x128xi32, #tpu.memory_space<vmem>> -> memref<128xi32, #tpu.memory_space<vmem>>
          %dma_start3A_282 = arith.constant 0 : i32
          %dma_start3A_283 = arith.constant 0 : i32
          %dma_start3A_284 = tpu.memref_slice %arg7[%dma_start3A_282, %dma_start3A_283] : memref<10000x64xf32, #tpu.memory_space<hbm>> -> memref<10000x64xf32, #tpu.memory_space<hbm>>
          tpu.enqueue_indirect_dma source(%dma_start3A_284 : memref<10000x64xf32, #tpu.memory_space<hbm>>) target(%arg15 : memref<128x64xf32, #tpu.memory_space<vmem>>) offsets(%dma_start3A_281 : memref<128xi32, #tpu.memory_space<vmem>>) semaphore(%arg20 : memref<!tpu.dma_semaphore, #tpu.memory_space<semaphore_mem>>)
        } else {
        }
      } else {
      }
      %dma_wait3A_233 = arith.constant 0 : i32
      %dma_wait3A_234 = arith.constant 0 : i32
      %dma_wait3A_235 = tpu.memref_slice %arg13[%dma_wait3A_233, %dma_wait3A_234] : memref<160x128xi32, #tpu.memory_space<vmem>> -> memref<1x128xi32, #tpu.memory_space<vmem>>
      %dma_wait3A_236 = tpu.memref_squeeze %dma_wait3A_235 : memref<1x128xi32, #tpu.memory_space<vmem>> -> memref<128xi32, #tpu.memory_space<vmem>>
      %dma_wait3A_237 = arith.constant 0 : i32
      %dma_wait3A_238 = arith.constant 0 : i32
      %dma_wait3A_239 = tpu.memref_slice %arg18[%dma_wait3A_237, %dma_wait3A_238] : memref<10112x64xf32, #tpu.memory_space<vmem_shared>> -> memref<10112x64xf32, #tpu.memory_space<vmem_shared>>
      tpu.wait_indirect_dma semaphore(%arg25 : memref<!tpu.dma_semaphore, #tpu.memory_space<semaphore_mem>>) src(%arg16 : memref<128x64xf32, #tpu.memory_space<vmem>>) dst(%dma_wait3A_239 : memref<10112x64xf32, #tpu.memory_space<vmem_shared>>)
      %add3A_240 = arith.constant 4 : i32
      %add3A_241 = arith.addi %add3A_142, %add3A_240 : i32
      %add3A_242 = arith.constant 2 : i32
      %add3A_243 = arith.addi %add3A_241, %add3A_242 : i32
      %lt3A_244 = arith.constant 160 : i32
      %lt3A_245 = arith.cmpi slt, %add3A_243, %lt3A_244 : i32
      %convert_element_type3A_246 = arith.extui %lt3A_245 : i1 to i32
      %cond3A_247 = arith.constant 0 : i32
      %cond3A_248 = arith.cmpi ne, %convert_element_type3A_246, %cond3A_247 : i32
      scf.if %cond3A_248 {
        %add3A_265 = arith.constant 4 : i32
        %add3A_266 = arith.addi %add3A_142, %add3A_265 : i32
        %add3A_267 = arith.constant 2 : i32
        %add3A_268 = arith.addi %add3A_266, %add3A_267 : i32
        %eq3A_269 = arith.constant 0 : i32
        %eq3A_270 = arith.cmpi eq, %arg0, %eq3A_269 : i32
        %convert_element_type3A_271 = arith.extui %eq3A_270 : i1 to i32
        %cond3A_272 = arith.constant 0 : i32
        %cond3A_273 = arith.cmpi ne, %convert_element_type3A_271, %cond3A_272 : i32
        scf.if %cond3A_273 {
          %dma_start3A_279 = arith.constant 0 : i32
          %dma_start3A_280 = tpu.memref_slice %arg12[%add3A_268, %dma_start3A_279] : memref<160x128xi32, #tpu.memory_space<vmem>> -> memref<1x128xi32, #tpu.memory_space<vmem>>
          %dma_start3A_281 = tpu.memref_squeeze %dma_start3A_280 : memref<1x128xi32, #tpu.memory_space<vmem>> -> memref<128xi32, #tpu.memory_space<vmem>>
          %dma_start3A_282 = arith.constant 0 : i32
          %dma_start3A_283 = arith.constant 0 : i32
          %dma_start3A_284 = tpu.memref_slice %arg6[%dma_start3A_282, %dma_start3A_283] : memref<10000x64xf32, #tpu.memory_space<hbm>> -> memref<10000x64xf32, #tpu.memory_space<hbm>>
          tpu.enqueue_indirect_dma source(%dma_start3A_284 : memref<10000x64xf32, #tpu.memory_space<hbm>>) target(%arg16 : memref<128x64xf32, #tpu.memory_space<vmem>>) offsets(%dma_start3A_281 : memref<128xi32, #tpu.memory_space<vmem>>) semaphore(%arg21 : memref<!tpu.dma_semaphore, #tpu.memory_space<semaphore_mem>>)
        } else {
        }
        %eq3A_274 = arith.constant 1 : i32
        %eq3A_275 = arith.cmpi eq, %arg0, %eq3A_274 : i32
        %convert_element_type3A_276 = arith.extui %eq3A_275 : i1 to i32
        %cond3A_277 = arith.constant 0 : i32
        %cond3A_278 = arith.cmpi ne, %convert_element_type3A_276, %cond3A_277 : i32
        scf.if %cond3A_278 {
          %dma_start3A_279 = arith.constant 0 : i32
          %dma_start3A_280 = tpu.memref_slice %arg12[%add3A_268, %dma_start3A_279] : memref<160x128xi32, #tpu.memory_space<vmem>> -> memref<1x128xi32, #tpu.memory_space<vmem>>
          %dma_start3A_281 = tpu.memref_squeeze %dma_start3A_280 : memref<1x128xi32, #tpu.memory_space<vmem>> -> memref<128xi32, #tpu.memory_space<vmem>>
          %dma_start3A_282 = arith.constant 0 : i32
          %dma_start3A_283 = arith.constant 0 : i32
          %dma_start3A_284 = tpu.memref_slice %arg7[%dma_start3A_282, %dma_start3A_283] : memref<10000x64xf32, #tpu.memory_space<hbm>> -> memref<10000x64xf32, #tpu.memory_space<hbm>>
          tpu.enqueue_indirect_dma source(%dma_start3A_284 : memref<10000x64xf32, #tpu.memory_space<hbm>>) target(%arg16 : memref<128x64xf32, #tpu.memory_space<vmem>>) offsets(%dma_start3A_281 : memref<128xi32, #tpu.memory_space<vmem>>) semaphore(%arg21 : memref<!tpu.dma_semaphore, #tpu.memory_space<semaphore_mem>>)
        } else {
        }
      } else {
      }
      %dma_wait3A_249 = arith.constant 0 : i32
      %dma_wait3A_250 = arith.constant 0 : i32
      %dma_wait3A_251 = tpu.memref_slice %arg13[%dma_wait3A_249, %dma_wait3A_250] : memref<160x128xi32, #tpu.memory_space<vmem>> -> memref<1x128xi32, #tpu.memory_space<vmem>>
      %dma_wait3A_252 = tpu.memref_squeeze %dma_wait3A_251 : memref<1x128xi32, #tpu.memory_space<vmem>> -> memref<128xi32, #tpu.memory_space<vmem>>
      %dma_wait3A_253 = arith.constant 0 : i32
      %dma_wait3A_254 = arith.constant 0 : i32
      %dma_wait3A_255 = tpu.memref_slice %arg18[%dma_wait3A_253, %dma_wait3A_254] : memref<10112x64xf32, #tpu.memory_space<vmem_shared>> -> memref<10112x64xf32, #tpu.memory_space<vmem_shared>>
      tpu.wait_indirect_dma semaphore(%arg26 : memref<!tpu.dma_semaphore, #tpu.memory_space<semaphore_mem>>) src(%arg17 : memref<128x64xf32, #tpu.memory_space<vmem>>) dst(%dma_wait3A_255 : memref<10112x64xf32, #tpu.memory_space<vmem_shared>>)
      %add3A_256 = arith.constant 4 : i32
      %add3A_257 = arith.addi %add3A_142, %add3A_256 : i32
      %add3A_258 = arith.constant 3 : i32
      %add3A_259 = arith.addi %add3A_257, %add3A_258 : i32
      %lt3A_260 = arith.constant 160 : i32
      %lt3A_261 = arith.cmpi slt, %add3A_259, %lt3A_260 : i32
      %convert_element_type3A_262 = arith.extui %lt3A_261 : i1 to i32
      %cond3A_263 = arith.constant 0 : i32
      %cond3A_264 = arith.cmpi ne, %convert_element_type3A_262, %cond3A_263 : i32
      scf.if %cond3A_264 {
        %add3A_265 = arith.constant 4 : i32
        %add3A_266 = arith.addi %add3A_142, %add3A_265 : i32
        %add3A_267 = arith.constant 3 : i32
        %add3A_268 = arith.addi %add3A_266, %add3A_267 : i32
        %eq3A_269 = arith.constant 0 : i32
        %eq3A_270 = arith.cmpi eq, %arg0, %eq3A_269 : i32
        %convert_element_type3A_271 = arith.extui %eq3A_270 : i1 to i32
        %cond3A_272 = arith.constant 0 : i32
        %cond3A_273 = arith.cmpi ne, %convert_element_type3A_271, %cond3A_272 : i32
        scf.if %cond3A_273 {
          %dma_start3A_279 = arith.constant 0 : i32
          %dma_start3A_280 = tpu.memref_slice %arg12[%add3A_268, %dma_start3A_279] : memref<160x128xi32, #tpu.memory_space<vmem>> -> memref<1x128xi32, #tpu.memory_space<vmem>>
          %dma_start3A_281 = tpu.memref_squeeze %dma_start3A_280 : memref<1x128xi32, #tpu.memory_space<vmem>> -> memref<128xi32, #tpu.memory_space<vmem>>
          %dma_start3A_282 = arith.constant 0 : i32
          %dma_start3A_283 = arith.constant 0 : i32
          %dma_start3A_284 = tpu.memref_slice %arg6[%dma_start3A_282, %dma_start3A_283] : memref<10000x64xf32, #tpu.memory_space<hbm>> -> memref<10000x64xf32, #tpu.memory_space<hbm>>
          tpu.enqueue_indirect_dma source(%dma_start3A_284 : memref<10000x64xf32, #tpu.memory_space<hbm>>) target(%arg17 : memref<128x64xf32, #tpu.memory_space<vmem>>) offsets(%dma_start3A_281 : memref<128xi32, #tpu.memory_space<vmem>>) semaphore(%arg22 : memref<!tpu.dma_semaphore, #tpu.memory_space<semaphore_mem>>)
        } else {
        }
        %eq3A_274 = arith.constant 1 : i32
        %eq3A_275 = arith.cmpi eq, %arg0, %eq3A_274 : i32
        %convert_element_type3A_276 = arith.extui %eq3A_275 : i1 to i32
        %cond3A_277 = arith.constant 0 : i32
        %cond3A_278 = arith.cmpi ne, %convert_element_type3A_276, %cond3A_277 : i32
        scf.if %cond3A_278 {
          %dma_start3A_279 = arith.constant 0 : i32
          %dma_start3A_280 = tpu.memref_slice %arg12[%add3A_268, %dma_start3A_279] : memref<160x128xi32, #tpu.memory_space<vmem>> -> memref<1x128xi32, #tpu.memory_space<vmem>>
          %dma_start3A_281 = tpu.memref_squeeze %dma_start3A_280 : memref<1x128xi32, #tpu.memory_space<vmem>> -> memref<128xi32, #tpu.memory_space<vmem>>
          %dma_start3A_282 = arith.constant 0 : i32
          %dma_start3A_283 = arith.constant 0 : i32
          %dma_start3A_284 = tpu.memref_slice %arg7[%dma_start3A_282, %dma_start3A_283] : memref<10000x64xf32, #tpu.memory_space<hbm>> -> memref<10000x64xf32, #tpu.memory_space<hbm>>
          tpu.enqueue_indirect_dma source(%dma_start3A_284 : memref<10000x64xf32, #tpu.memory_space<hbm>>) target(%arg17 : memref<128x64xf32, #tpu.memory_space<vmem>>) offsets(%dma_start3A_281 : memref<128xi32, #tpu.memory_space<vmem>>) semaphore(%arg22 : memref<!tpu.dma_semaphore, #tpu.memory_space<semaphore_mem>>)
        } else {
        }
      } else {
      }
    }
    %scan3A_127 = arith.constant 40 : i32
    %barrier3A_128 = arith.constant 0 : index
    tpu.barrier barrier_id(%barrier3A_128)
    %eq3A_129 = arith.constant 0 : i32
    %eq3A_130 = arith.cmpi eq, %arg0, %eq3A_129 : i32
    %convert_element_type3A_131 = arith.extui %eq3A_130 : i1 to i32
    %cond3A_132 = arith.constant 0 : i32
    %cond3A_133 = arith.cmpi ne, %convert_element_type3A_131, %cond3A_132 : i32
    scf.if %cond3A_133 {
      %lt3A_139 = arith.constant 15 : i32
      %lt3A_140 = arith.cmpi slt, %arg1, %lt3A_139 : i32
      %convert_element_type3A_141 = arith.extui %lt3A_140 : i1 to i32
      %cond3A_142 = arith.constant 0 : i32
      %cond3A_143 = arith.cmpi ne, %convert_element_type3A_141, %cond3A_142 : i32
      scf.if %cond3A_143 {
        "tpu.region"() ({
          %run_scoped3A = tpu.sem_alloc : memref<!tpu.dma_semaphore, #tpu.memory_space<semaphore_mem>>
          %dma_start3A = arith.constant 0 : i32
          %dma_start3A_149 = tpu.memref_slice %arg10[%select_n3A_71, %dma_start3A] : memref<10000x64xf32, #tpu.memory_space<hbm>> -> memref<624x64xf32, #tpu.memory_space<hbm>>
          %dma_start3A_150 = arith.constant 0 : i32
          %dma_start3A_151 = tpu.memref_slice %arg18[%select_n3A_71, %dma_start3A_150] : memref<10112x64xf32, #tpu.memory_space<vmem_shared>> -> memref<624x64xf32, #tpu.memory_space<vmem_shared>>
          tpu.enqueue_dma source(%dma_start3A_151 : memref<624x64xf32, #tpu.memory_space<vmem_shared>>) target(%dma_start3A_149 : memref<624x64xf32, #tpu.memory_space<hbm>>) target_semaphore(%run_scoped3A : memref<!tpu.dma_semaphore, #tpu.memory_space<semaphore_mem>>)
          %dma_wait3A = arith.constant 0 : i32
          %dma_wait3A_152 = tpu.memref_slice %arg10[%select_n3A_71, %dma_wait3A] : memref<10000x64xf32, #tpu.memory_space<hbm>> -> memref<624x64xf32, #tpu.memory_space<hbm>>
          %dma_wait3A_153 = arith.constant 0 : i32
          %dma_wait3A_154 = tpu.memref_slice %arg18[%select_n3A_71, %dma_wait3A_153] : memref<10112x64xf32, #tpu.memory_space<vmem_shared>> -> memref<624x64xf32, #tpu.memory_space<vmem_shared>>
          tpu.wait_dma2 semaphore(%run_scoped3A : memref<!tpu.dma_semaphore, #tpu.memory_space<semaphore_mem>>) src(%dma_wait3A_154 : memref<624x64xf32, #tpu.memory_space<vmem_shared>>) dst(%dma_wait3A_152 : memref<624x64xf32, #tpu.memory_space<hbm>>)
          tpu.yield
        }) : () -> ()
      } else {
      }
      %eq3A_144 = arith.constant 15 : i32
      %eq3A_145 = arith.cmpi eq, %arg1, %eq3A_144 : i32
      %convert_element_type3A_146 = arith.extui %eq3A_145 : i1 to i32
      %cond3A_147 = arith.constant 0 : i32
      %cond3A_148 = arith.cmpi ne, %convert_element_type3A_146, %cond3A_147 : i32
      scf.if %cond3A_148 {
        "tpu.region"() ({
          %run_scoped3A = tpu.sem_alloc : memref<!tpu.dma_semaphore, #tpu.memory_space<semaphore_mem>>
          %dma_start3A = arith.constant 0 : i32
          %dma_start3A_149 = tpu.memref_slice %arg10[%select_n3A_71, %dma_start3A] : memref<10000x64xf32, #tpu.memory_space<hbm>> -> memref<640x64xf32, #tpu.memory_space<hbm>>
          %dma_start3A_150 = arith.constant 0 : i32
          %dma_start3A_151 = tpu.memref_slice %arg18[%select_n3A_71, %dma_start3A_150] : memref<10112x64xf32, #tpu.memory_space<vmem_shared>> -> memref<640x64xf32, #tpu.memory_space<vmem_shared>>
          tpu.enqueue_dma source(%dma_start3A_151 : memref<640x64xf32, #tpu.memory_space<vmem_shared>>) target(%dma_start3A_149 : memref<640x64xf32, #tpu.memory_space<hbm>>) target_semaphore(%run_scoped3A : memref<!tpu.dma_semaphore, #tpu.memory_space<semaphore_mem>>)
          %dma_wait3A = arith.constant 0 : i32
          %dma_wait3A_152 = tpu.memref_slice %arg10[%select_n3A_71, %dma_wait3A] : memref<10000x64xf32, #tpu.memory_space<hbm>> -> memref<640x64xf32, #tpu.memory_space<hbm>>
          %dma_wait3A_153 = arith.constant 0 : i32
          %dma_wait3A_154 = tpu.memref_slice %arg18[%select_n3A_71, %dma_wait3A_153] : memref<10112x64xf32, #tpu.memory_space<vmem_shared>> -> memref<640x64xf32, #tpu.memory_space<vmem_shared>>
          tpu.wait_dma2 semaphore(%run_scoped3A : memref<!tpu.dma_semaphore, #tpu.memory_space<semaphore_mem>>) src(%dma_wait3A_154 : memref<640x64xf32, #tpu.memory_space<vmem_shared>>) dst(%dma_wait3A_152 : memref<640x64xf32, #tpu.memory_space<hbm>>)
          tpu.yield
        }) : () -> ()
      } else {
      }
    } else {
    }
    %eq3A_134 = arith.constant 1 : i32
    %eq3A_135 = arith.cmpi eq, %arg0, %eq3A_134 : i32
    %convert_element_type3A_136 = arith.extui %eq3A_135 : i1 to i32
    %cond3A_137 = arith.constant 0 : i32
    %cond3A_138 = arith.cmpi ne, %convert_element_type3A_136, %cond3A_137 : i32
    scf.if %cond3A_138 {
      %lt3A_139 = arith.constant 15 : i32
      %lt3A_140 = arith.cmpi slt, %arg1, %lt3A_139 : i32
      %convert_element_type3A_141 = arith.extui %lt3A_140 : i1 to i32
      %cond3A_142 = arith.constant 0 : i32
      %cond3A_143 = arith.cmpi ne, %convert_element_type3A_141, %cond3A_142 : i32
      scf.if %cond3A_143 {
        "tpu.region"() ({
          %run_scoped3A = tpu.sem_alloc : memref<!tpu.dma_semaphore, #tpu.memory_space<semaphore_mem>>
          %dma_start3A = arith.constant 0 : i32
          %dma_start3A_149 = tpu.memref_slice %arg11[%select_n3A_71, %dma_start3A] : memref<10000x64xf32, #tpu.memory_space<hbm>> -> memref<624x64xf32, #tpu.memory_space<hbm>>
          %dma_start3A_150 = arith.constant 0 : i32
          %dma_start3A_151 = tpu.memref_slice %arg18[%select_n3A_71, %dma_start3A_150] : memref<10112x64xf32, #tpu.memory_space<vmem_shared>> -> memref<624x64xf32, #tpu.memory_space<vmem_shared>>
          tpu.enqueue_dma source(%dma_start3A_151 : memref<624x64xf32, #tpu.memory_space<vmem_shared>>) target(%dma_start3A_149 : memref<624x64xf32, #tpu.memory_space<hbm>>) target_semaphore(%run_scoped3A : memref<!tpu.dma_semaphore, #tpu.memory_space<semaphore_mem>>)
          %dma_wait3A = arith.constant 0 : i32
          %dma_wait3A_152 = tpu.memref_slice %arg11[%select_n3A_71, %dma_wait3A] : memref<10000x64xf32, #tpu.memory_space<hbm>> -> memref<624x64xf32, #tpu.memory_space<hbm>>
          %dma_wait3A_153 = arith.constant 0 : i32
          %dma_wait3A_154 = tpu.memref_slice %arg18[%select_n3A_71, %dma_wait3A_153] : memref<10112x64xf32, #tpu.memory_space<vmem_shared>> -> memref<624x64xf32, #tpu.memory_space<vmem_shared>>
          tpu.wait_dma2 semaphore(%run_scoped3A : memref<!tpu.dma_semaphore, #tpu.memory_space<semaphore_mem>>) src(%dma_wait3A_154 : memref<624x64xf32, #tpu.memory_space<vmem_shared>>) dst(%dma_wait3A_152 : memref<624x64xf32, #tpu.memory_space<hbm>>)
          tpu.yield
        }) : () -> ()
      } else {
      }
      %eq3A_144 = arith.constant 15 : i32
      %eq3A_145 = arith.cmpi eq, %arg1, %eq3A_144 : i32
      %convert_element_type3A_146 = arith.extui %eq3A_145 : i1 to i32
      %cond3A_147 = arith.constant 0 : i32
      %cond3A_148 = arith.cmpi ne, %convert_element_type3A_146, %cond3A_147 : i32
      scf.if %cond3A_148 {
        "tpu.region"() ({
          %run_scoped3A = tpu.sem_alloc : memref<!tpu.dma_semaphore, #tpu.memory_space<semaphore_mem>>
          %dma_start3A = arith.constant 0 : i32
          %dma_start3A_149 = tpu.memref_slice %arg11[%select_n3A_71, %dma_start3A] : memref<10000x64xf32, #tpu.memory_space<hbm>> -> memref<640x64xf32, #tpu.memory_space<hbm>>
          %dma_start3A_150 = arith.constant 0 : i32
          %dma_start3A_151 = tpu.memref_slice %arg18[%select_n3A_71, %dma_start3A_150] : memref<10112x64xf32, #tpu.memory_space<vmem_shared>> -> memref<640x64xf32, #tpu.memory_space<vmem_shared>>
          tpu.enqueue_dma source(%dma_start3A_151 : memref<640x64xf32, #tpu.memory_space<vmem_shared>>) target(%dma_start3A_149 : memref<640x64xf32, #tpu.memory_space<hbm>>) target_semaphore(%run_scoped3A : memref<!tpu.dma_semaphore, #tpu.memory_space<semaphore_mem>>)
          %dma_wait3A = arith.constant 0 : i32
          %dma_wait3A_152 = tpu.memref_slice %arg11[%select_n3A_71, %dma_wait3A] : memref<10000x64xf32, #tpu.memory_space<hbm>> -> memref<640x64xf32, #tpu.memory_space<hbm>>
          %dma_wait3A_153 = arith.constant 0 : i32
          %dma_wait3A_154 = tpu.memref_slice %arg18[%select_n3A_71, %dma_wait3A_153] : memref<10112x64xf32, #tpu.memory_space<vmem_shared>> -> memref<640x64xf32, #tpu.memory_space<vmem_shared>>
          tpu.wait_dma2 semaphore(%run_scoped3A : memref<!tpu.dma_semaphore, #tpu.memory_space<semaphore_mem>>) src(%dma_wait3A_154 : memref<640x64xf32, #tpu.memory_space<vmem_shared>>) dst(%dma_wait3A_152 : memref<640x64xf32, #tpu.memory_space<hbm>>)
          tpu.yield
        }) : () -> ()
      } else {
      }
    } else {
    }
    return
  }
}

#map = affine_map<(d0, d1) -> (0, 0)>
#map1 = affine_map<(d0, d1) -> (0)>
module attributes {stable_mosaic.version = 14 : i64} {
  func.func @_deg_kernel(%arg0: i32, %arg1: i32, %arg2: memref<2560x128xi32, #tpu.memory_space<hbm>>, %arg3: memref<20000xf32, #tpu.memory_space<hbm>>, %arg4: memref<80x128xi32, #tpu.memory_space<vmem>>, %arg5: memref<128xf32, #tpu.memory_space<vmem>>, %arg6: memref<640xf32, #tpu.memory_space<vmem>>, %arg7: memref<10112xf32, #tpu.memory_space<vmem_shared>>) attributes {dimension_semantics = [#tpu.dimension_semantics<core_parallel>, #tpu.dimension_semantics<subcore_parallel>], iteration_bounds = array<i64: 2, 16>, scalar_prefetch = 0 : i64, scratch_operands = 4 : i64, tpu.core_type = #tpu.core_type<sc_vector_subcore>, window_params = [{transform_indices = #map}, {transform_indices = #map1}]} {
    %broadcast_in_dim3A = arith.constant 1.000000e+00 : f32
    %broadcast_in_dim3A_0 = vector.broadcast %broadcast_in_dim3A : f32 to vector<16xf32>
    %swap3A = arith.constant 0 : index
    %swap3A_1 = tpu.vector_load %arg5[%swap3A] {strides = array<i32>} : memref<128xf32, #tpu.memory_space<vmem>>, vector<16xf32>,
    %swap3A_2 = vector.shape_cast %swap3A_1 : vector<16xf32> to vector<16xf32>
    %swap3A_3 = vector.shape_cast %broadcast_in_dim3A_0 : vector<16xf32> to vector<16xf32>
    tpu.vector_store %arg5[%swap3A], %swap3A_3 {strides = array<i32>} : memref<128xf32, #tpu.memory_space<vmem>>, vector<16xf32>,
    %broadcast_in_dim3A_4 = arith.constant 1.000000e+00 : f32
    %broadcast_in_dim3A_5 = vector.broadcast %broadcast_in_dim3A_4 : f32 to vector<16xf32>
    %swap3A_6 = arith.constant 16 : index
    %swap3A_7 = tpu.vector_load %arg5[%swap3A_6] {strides = array<i32>} : memref<128xf32, #tpu.memory_space<vmem>>, vector<16xf32>,
    %swap3A_8 = vector.shape_cast %swap3A_7 : vector<16xf32> to vector<16xf32>
    %swap3A_9 = vector.shape_cast %broadcast_in_dim3A_5 : vector<16xf32> to vector<16xf32>
    tpu.vector_store %arg5[%swap3A_6], %swap3A_9 {strides = array<i32>} : memref<128xf32, #tpu.memory_space<vmem>>, vector<16xf32>,
    %broadcast_in_dim3A_10 = arith.constant 1.000000e+00 : f32
    %broadcast_in_dim3A_11 = vector.broadcast %broadcast_in_dim3A_10 : f32 to vector<16xf32>
    %swap3A_12 = arith.constant 32 : index
    %swap3A_13 = tpu.vector_load %arg5[%swap3A_12] {strides = array<i32>} : memref<128xf32, #tpu.memory_space<vmem>>, vector<16xf32>,
    %swap3A_14 = vector.shape_cast %swap3A_13 : vector<16xf32> to vector<16xf32>
    %swap3A_15 = vector.shape_cast %broadcast_in_dim3A_11 : vector<16xf32> to vector<16xf32>
    tpu.vector_store %arg5[%swap3A_12], %swap3A_15 {strides = array<i32>} : memref<128xf32, #tpu.memory_space<vmem>>, vector<16xf32>,
    %broadcast_in_dim3A_16 = arith.constant 1.000000e+00 : f32
    %broadcast_in_dim3A_17 = vector.broadcast %broadcast_in_dim3A_16 : f32 to vector<16xf32>
    %swap3A_18 = arith.constant 48 : index
    %swap3A_19 = tpu.vector_load %arg5[%swap3A_18] {strides = array<i32>} : memref<128xf32, #tpu.memory_space<vmem>>, vector<16xf32>,
    %swap3A_20 = vector.shape_cast %swap3A_19 : vector<16xf32> to vector<16xf32>
    %swap3A_21 = vector.shape_cast %broadcast_in_dim3A_17 : vector<16xf32> to vector<16xf32>
    tpu.vector_store %arg5[%swap3A_18], %swap3A_21 {strides = array<i32>} : memref<128xf32, #tpu.memory_space<vmem>>, vector<16xf32>,
    %broadcast_in_dim3A_22 = arith.constant 1.000000e+00 : f32
    %broadcast_in_dim3A_23 = vector.broadcast %broadcast_in_dim3A_22 : f32 to vector<16xf32>
    %swap3A_24 = arith.constant 64 : index
    %swap3A_25 = tpu.vector_load %arg5[%swap3A_24] {strides = array<i32>} : memref<128xf32, #tpu.memory_space<vmem>>, vector<16xf32>,
    %swap3A_26 = vector.shape_cast %swap3A_25 : vector<16xf32> to vector<16xf32>
    %swap3A_27 = vector.shape_cast %broadcast_in_dim3A_23 : vector<16xf32> to vector<16xf32>
    tpu.vector_store %arg5[%swap3A_24], %swap3A_27 {strides = array<i32>} : memref<128xf32, #tpu.memory_space<vmem>>, vector<16xf32>,
    %broadcast_in_dim3A_28 = arith.constant 1.000000e+00 : f32
    %broadcast_in_dim3A_29 = vector.broadcast %broadcast_in_dim3A_28 : f32 to vector<16xf32>
    %swap3A_30 = arith.constant 80 : index
    %swap3A_31 = tpu.vector_load %arg5[%swap3A_30] {strides = array<i32>} : memref<128xf32, #tpu.memory_space<vmem>>, vector<16xf32>,
    %swap3A_32 = vector.shape_cast %swap3A_31 : vector<16xf32> to vector<16xf32>
    %swap3A_33 = vector.shape_cast %broadcast_in_dim3A_29 : vector<16xf32> to vector<16xf32>
    tpu.vector_store %arg5[%swap3A_30], %swap3A_33 {strides = array<i32>} : memref<128xf32, #tpu.memory_space<vmem>>, vector<16xf32>,
    %broadcast_in_dim3A_34 = arith.constant 1.000000e+00 : f32
    %broadcast_in_dim3A_35 = vector.broadcast %broadcast_in_dim3A_34 : f32 to vector<16xf32>
    %swap3A_36 = arith.constant 96 : index
    %swap3A_37 = tpu.vector_load %arg5[%swap3A_36] {strides = array<i32>} : memref<128xf32, #tpu.memory_space<vmem>>, vector<16xf32>,
    %swap3A_38 = vector.shape_cast %swap3A_37 : vector<16xf32> to vector<16xf32>
    %swap3A_39 = vector.shape_cast %broadcast_in_dim3A_35 : vector<16xf32> to vector<16xf32>
    tpu.vector_store %arg5[%swap3A_36], %swap3A_39 {strides = array<i32>} : memref<128xf32, #tpu.memory_space<vmem>>, vector<16xf32>,
    %broadcast_in_dim3A_40 = arith.constant 1.000000e+00 : f32
    %broadcast_in_dim3A_41 = vector.broadcast %broadcast_in_dim3A_40 : f32 to vector<16xf32>
    %swap3A_42 = arith.constant 112 : index
    %swap3A_43 = tpu.vector_load %arg5[%swap3A_42] {strides = array<i32>} : memref<128xf32, #tpu.memory_space<vmem>>, vector<16xf32>,
    %swap3A_44 = vector.shape_cast %swap3A_43 : vector<16xf32> to vector<16xf32>
    %swap3A_45 = vector.shape_cast %broadcast_in_dim3A_41 : vector<16xf32> to vector<16xf32>
    tpu.vector_store %arg5[%swap3A_42], %swap3A_45 {strides = array<i32>} : memref<128xf32, #tpu.memory_space<vmem>>, vector<16xf32>,
    %broadcast_in_dim3A_46 = arith.constant 0.000000e+00 : f32
    %broadcast_in_dim3A_47 = vector.broadcast %broadcast_in_dim3A_46 : f32 to vector<16xf32>
    %swap3A_48 = arith.constant 0 : index
    %swap3A_49 = tpu.vector_load %arg6[%swap3A_48] {strides = array<i32>} : memref<640xf32, #tpu.memory_space<vmem>>, vector<16xf32>,
    %swap3A_50 = vector.shape_cast %swap3A_49 : vector<16xf32> to vector<16xf32>
    %swap3A_51 = vector.shape_cast %broadcast_in_dim3A_47 : vector<16xf32> to vector<16xf32>
    tpu.vector_store %arg6[%swap3A_48], %swap3A_51 {strides = array<i32>} : memref<640xf32, #tpu.memory_space<vmem>>, vector<16xf32>,
    %broadcast_in_dim3A_52 = arith.constant 0.000000e+00 : f32
    %broadcast_in_dim3A_53 = vector.broadcast %broadcast_in_dim3A_52 : f32 to vector<16xf32>
    %swap3A_54 = arith.constant 16 : index
    %swap3A_55 = tpu.vector_load %arg6[%swap3A_54] {strides = array<i32>} : memref<640xf32, #tpu.memory_space<vmem>>, vector<16xf32>,
    %swap3A_56 = vector.shape_cast %swap3A_55 : vector<16xf32> to vector<16xf32>
    %swap3A_57 = vector.shape_cast %broadcast_in_dim3A_53 : vector<16xf32> to vector<16xf32>
    tpu.vector_store %arg6[%swap3A_54], %swap3A_57 {strides = array<i32>} : memref<640xf32, #tpu.memory_space<vmem>>, vector<16xf32>,
    %broadcast_in_dim3A_58 = arith.constant 0.000000e+00 : f32
    %broadcast_in_dim3A_59 = vector.broadcast %broadcast_in_dim3A_58 : f32 to vector<16xf32>
    %swap3A_60 = arith.constant 32 : index
    %swap3A_61 = tpu.vector_load %arg6[%swap3A_60] {strides = array<i32>} : memref<640xf32, #tpu.memory_space<vmem>>, vector<16xf32>,
    %swap3A_62 = vector.shape_cast %swap3A_61 : vector<16xf32> to vector<16xf32>
    %swap3A_63 = vector.shape_cast %broadcast_in_dim3A_59 : vector<16xf32> to vector<16xf32>
    tpu.vector_store %arg6[%swap3A_60], %swap3A_63 {strides = array<i32>} : memref<640xf32, #tpu.memory_space<vmem>>, vector<16xf32>,
    %broadcast_in_dim3A_64 = arith.constant 0.000000e+00 : f32
    %broadcast_in_dim3A_65 = vector.broadcast %broadcast_in_dim3A_64 : f32 to vector<16xf32>
    %swap3A_66 = arith.constant 48 : index
    %swap3A_67 = tpu.vector_load %arg6[%swap3A_66] {strides = array<i32>} : memref<640xf32, #tpu.memory_space<vmem>>, vector<16xf32>,
    %swap3A_68 = vector.shape_cast %swap3A_67 : vector<16xf32> to vector<16xf32>
    %swap3A_69 = vector.shape_cast %broadcast_in_dim3A_65 : vector<16xf32> to vector<16xf32>
    tpu.vector_store %arg6[%swap3A_66], %swap3A_69 {strides = array<i32>} : memref<640xf32, #tpu.memory_space<vmem>>, vector<16xf32>,
    %broadcast_in_dim3A_70 = arith.constant 0.000000e+00 : f32
    %broadcast_in_dim3A_71 = vector.broadcast %broadcast_in_dim3A_70 : f32 to vector<16xf32>
    %swap3A_72 = arith.constant 64 : index
    %swap3A_73 = tpu.vector_load %arg6[%swap3A_72] {strides = array<i32>} : memref<640xf32, #tpu.memory_space<vmem>>, vector<16xf32>,
    %swap3A_74 = vector.shape_cast %swap3A_73 : vector<16xf32> to vector<16xf32>
    %swap3A_75 = vector.shape_cast %broadcast_in_dim3A_71 : vector<16xf32> to vector<16xf32>
    tpu.vector_store %arg6[%swap3A_72], %swap3A_75 {strides = array<i32>} : memref<640xf32, #tpu.memory_space<vmem>>, vector<16xf32>,
    %broadcast_in_dim3A_76 = arith.constant 0.000000e+00 : f32
    %broadcast_in_dim3A_77 = vector.broadcast %broadcast_in_dim3A_76 : f32 to vector<16xf32>
    %swap3A_78 = arith.constant 80 : index
    %swap3A_79 = tpu.vector_load %arg6[%swap3A_78] {strides = array<i32>} : memref<640xf32, #tpu.memory_space<vmem>>, vector<16xf32>,
    %swap3A_80 = vector.shape_cast %swap3A_79 : vector<16xf32> to vector<16xf32>
    %swap3A_81 = vector.shape_cast %broadcast_in_dim3A_77 : vector<16xf32> to vector<16xf32>
    tpu.vector_store %arg6[%swap3A_78], %swap3A_81 {strides = array<i32>} : memref<640xf32, #tpu.memory_space<vmem>>, vector<16xf32>,
    %broadcast_in_dim3A_82 = arith.constant 0.000000e+00 : f32
    %broadcast_in_dim3A_83 = vector.broadcast %broadcast_in_dim3A_82 : f32 to vector<16xf32>
    %swap3A_84 = arith.constant 96 : index
    %swap3A_85 = tpu.vector_load %arg6[%swap3A_84] {strides = array<i32>} : memref<640xf32, #tpu.memory_space<vmem>>, vector<16xf32>,
    %swap3A_86 = vector.shape_cast %swap3A_85 : vector<16xf32> to vector<16xf32>
    %swap3A_87 = vector.shape_cast %broadcast_in_dim3A_83 : vector<16xf32> to vector<16xf32>
    tpu.vector_store %arg6[%swap3A_84], %swap3A_87 {strides = array<i32>} : memref<640xf32, #tpu.memory_space<vmem>>, vector<16xf32>,
    %broadcast_in_dim3A_88 = arith.constant 0.000000e+00 : f32
    %broadcast_in_dim3A_89 = vector.broadcast %broadcast_in_dim3A_88 : f32 to vector<16xf32>
    %swap3A_90 = arith.constant 112 : index
    %swap3A_91 = tpu.vector_load %arg6[%swap3A_90] {strides = array<i32>} : memref<640xf32, #tpu.memory_space<vmem>>, vector<16xf32>,
    %swap3A_92 = vector.shape_cast %swap3A_91 : vector<16xf32> to vector<16xf32>
    %swap3A_93 = vector.shape_cast %broadcast_in_dim3A_89 : vector<16xf32> to vector<16xf32>
    tpu.vector_store %arg6[%swap3A_90], %swap3A_93 {strides = array<i32>} : memref<640xf32, #tpu.memory_space<vmem>>, vector<16xf32>,
    %broadcast_in_dim3A_94 = arith.constant 0.000000e+00 : f32
    %broadcast_in_dim3A_95 = vector.broadcast %broadcast_in_dim3A_94 : f32 to vector<16xf32>
    %swap3A_96 = arith.constant 128 : index
    %swap3A_97 = tpu.vector_load %arg6[%swap3A_96] {strides = array<i32>} : memref<640xf32, #tpu.memory_space<vmem>>, vector<16xf32>,
    %swap3A_98 = vector.shape_cast %swap3A_97 : vector<16xf32> to vector<16xf32>
    %swap3A_99 = vector.shape_cast %broadcast_in_dim3A_95 : vector<16xf32> to vector<16xf32>
    tpu.vector_store %arg6[%swap3A_96], %swap3A_99 {strides = array<i32>} : memref<640xf32, #tpu.memory_space<vmem>>, vector<16xf32>,
    %broadcast_in_dim3A_100 = arith.constant 0.000000e+00 : f32
    %broadcast_in_dim3A_101 = vector.broadcast %broadcast_in_dim3A_100 : f32 to vector<16xf32>
    %swap3A_102 = arith.constant 144 : index
    %swap3A_103 = tpu.vector_load %arg6[%swap3A_102] {strides = array<i32>} : memref<640xf32, #tpu.memory_space<vmem>>, vector<16xf32>,
    %swap3A_104 = vector.shape_cast %swap3A_103 : vector<16xf32> to vector<16xf32>
    %swap3A_105 = vector.shape_cast %broadcast_in_dim3A_101 : vector<16xf32> to vector<16xf32>
    tpu.vector_store %arg6[%swap3A_102], %swap3A_105 {strides = array<i32>} : memref<640xf32, #tpu.memory_space<vmem>>, vector<16xf32>,
    %broadcast_in_dim3A_106 = arith.constant 0.000000e+00 : f32
    %broadcast_in_dim3A_107 = vector.broadcast %broadcast_in_dim3A_106 : f32 to vector<16xf32>
    %swap3A_108 = arith.constant 160 : index
    %swap3A_109 = tpu.vector_load %arg6[%swap3A_108] {strides = array<i32>} : memref<640xf32, #tpu.memory_space<vmem>>, vector<16xf32>,
    %swap3A_110 = vector.shape_cast %swap3A_109 : vector<16xf32> to vector<16xf32>
    %swap3A_111 = vector.shape_cast %broadcast_in_dim3A_107 : vector<16xf32> to vector<16xf32>
    tpu.vector_store %arg6[%swap3A_108], %swap3A_111 {strides = array<i32>} : memref<640xf32, #tpu.memory_space<vmem>>, vector<16xf32>,
    %broadcast_in_dim3A_112 = arith.constant 0.000000e+00 : f32
    %broadcast_in_dim3A_113 = vector.broadcast %broadcast_in_dim3A_112 : f32 to vector<16xf32>
    %swap3A_114 = arith.constant 176 : index
    %swap3A_115 = tpu.vector_load %arg6[%swap3A_114] {strides = array<i32>} : memref<640xf32, #tpu.memory_space<vmem>>, vector<16xf32>,
    %swap3A_116 = vector.shape_cast %swap3A_115 : vector<16xf32> to vector<16xf32>
    %swap3A_117 = vector.shape_cast %broadcast_in_dim3A_113 : vector<16xf32> to vector<16xf32>
    tpu.vector_store %arg6[%swap3A_114], %swap3A_117 {strides = array<i32>} : memref<640xf32, #tpu.memory_space<vmem>>, vector<16xf32>,
    %broadcast_in_dim3A_118 = arith.constant 0.000000e+00 : f32
    %broadcast_in_dim3A_119 = vector.broadcast %broadcast_in_dim3A_118 : f32 to vector<16xf32>
    %swap3A_120 = arith.constant 192 : index
    %swap3A_121 = tpu.vector_load %arg6[%swap3A_120] {strides = array<i32>} : memref<640xf32, #tpu.memory_space<vmem>>, vector<16xf32>,
    %swap3A_122 = vector.shape_cast %swap3A_121 : vector<16xf32> to vector<16xf32>
    %swap3A_123 = vector.shape_cast %broadcast_in_dim3A_119 : vector<16xf32> to vector<16xf32>
    tpu.vector_store %arg6[%swap3A_120], %swap3A_123 {strides = array<i32>} : memref<640xf32, #tpu.memory_space<vmem>>, vector<16xf32>,
    %broadcast_in_dim3A_124 = arith.constant 0.000000e+00 : f32
    %broadcast_in_dim3A_125 = vector.broadcast %broadcast_in_dim3A_124 : f32 to vector<16xf32>
    %swap3A_126 = arith.constant 208 : index
    %swap3A_127 = tpu.vector_load %arg6[%swap3A_126] {strides = array<i32>} : memref<640xf32, #tpu.memory_space<vmem>>, vector<16xf32>,
    %swap3A_128 = vector.shape_cast %swap3A_127 : vector<16xf32> to vector<16xf32>
    %swap3A_129 = vector.shape_cast %broadcast_in_dim3A_125 : vector<16xf32> to vector<16xf32>
    tpu.vector_store %arg6[%swap3A_126], %swap3A_129 {strides = array<i32>} : memref<640xf32, #tpu.memory_space<vmem>>, vector<16xf32>,
    %broadcast_in_dim3A_130 = arith.constant 0.000000e+00 : f32
    %broadcast_in_dim3A_131 = vector.broadcast %broadcast_in_dim3A_130 : f32 to vector<16xf32>
    %swap3A_132 = arith.constant 224 : index
    %swap3A_133 = tpu.vector_load %arg6[%swap3A_132] {strides = array<i32>} : memref<640xf32, #tpu.memory_space<vmem>>, vector<16xf32>,
    %swap3A_134 = vector.shape_cast %swap3A_133 : vector<16xf32> to vector<16xf32>
    %swap3A_135 = vector.shape_cast %broadcast_in_dim3A_131 : vector<16xf32> to vector<16xf32>
    tpu.vector_store %arg6[%swap3A_132], %swap3A_135 {strides = array<i32>} : memref<640xf32, #tpu.memory_space<vmem>>, vector<16xf32>,
    %broadcast_in_dim3A_136 = arith.constant 0.000000e+00 : f32
    %broadcast_in_dim3A_137 = vector.broadcast %broadcast_in_dim3A_136 : f32 to vector<16xf32>
    %swap3A_138 = arith.constant 240 : index
    %swap3A_139 = tpu.vector_load %arg6[%swap3A_138] {strides = array<i32>} : memref<640xf32, #tpu.memory_space<vmem>>, vector<16xf32>,
    %swap3A_140 = vector.shape_cast %swap3A_139 : vector<16xf32> to vector<16xf32>
    %swap3A_141 = vector.shape_cast %broadcast_in_dim3A_137 : vector<16xf32> to vector<16xf32>
    tpu.vector_store %arg6[%swap3A_138], %swap3A_141 {strides = array<i32>} : memref<640xf32, #tpu.memory_space<vmem>>, vector<16xf32>,
    %broadcast_in_dim3A_142 = arith.constant 0.000000e+00 : f32
    %broadcast_in_dim3A_143 = vector.broadcast %broadcast_in_dim3A_142 : f32 to vector<16xf32>
    %swap3A_144 = arith.constant 256 : index
    %swap3A_145 = tpu.vector_load %arg6[%swap3A_144] {strides = array<i32>} : memref<640xf32, #tpu.memory_space<vmem>>, vector<16xf32>,
    %swap3A_146 = vector.shape_cast %swap3A_145 : vector<16xf32> to vector<16xf32>
    %swap3A_147 = vector.shape_cast %broadcast_in_dim3A_143 : vector<16xf32> to vector<16xf32>
    tpu.vector_store %arg6[%swap3A_144], %swap3A_147 {strides = array<i32>} : memref<640xf32, #tpu.memory_space<vmem>>, vector<16xf32>,
    %broadcast_in_dim3A_148 = arith.constant 0.000000e+00 : f32
    %broadcast_in_dim3A_149 = vector.broadcast %broadcast_in_dim3A_148 : f32 to vector<16xf32>
    %swap3A_150 = arith.constant 272 : index
    %swap3A_151 = tpu.vector_load %arg6[%swap3A_150] {strides = array<i32>} : memref<640xf32, #tpu.memory_space<vmem>>, vector<16xf32>,
    %swap3A_152 = vector.shape_cast %swap3A_151 : vector<16xf32> to vector<16xf32>
    %swap3A_153 = vector.shape_cast %broadcast_in_dim3A_149 : vector<16xf32> to vector<16xf32>
    tpu.vector_store %arg6[%swap3A_150], %swap3A_153 {strides = array<i32>} : memref<640xf32, #tpu.memory_space<vmem>>, vector<16xf32>,
    %broadcast_in_dim3A_154 = arith.constant 0.000000e+00 : f32
    %broadcast_in_dim3A_155 = vector.broadcast %broadcast_in_dim3A_154 : f32 to vector<16xf32>
    %swap3A_156 = arith.constant 288 : index
    %swap3A_157 = tpu.vector_load %arg6[%swap3A_156] {strides = array<i32>} : memref<640xf32, #tpu.memory_space<vmem>>, vector<16xf32>,
    %swap3A_158 = vector.shape_cast %swap3A_157 : vector<16xf32> to vector<16xf32>
    %swap3A_159 = vector.shape_cast %broadcast_in_dim3A_155 : vector<16xf32> to vector<16xf32>
    tpu.vector_store %arg6[%swap3A_156], %swap3A_159 {strides = array<i32>} : memref<640xf32, #tpu.memory_space<vmem>>, vector<16xf32>,
    %broadcast_in_dim3A_160 = arith.constant 0.000000e+00 : f32
    %broadcast_in_dim3A_161 = vector.broadcast %broadcast_in_dim3A_160 : f32 to vector<16xf32>
    %swap3A_162 = arith.constant 304 : index
    %swap3A_163 = tpu.vector_load %arg6[%swap3A_162] {strides = array<i32>} : memref<640xf32, #tpu.memory_space<vmem>>, vector<16xf32>,
    %swap3A_164 = vector.shape_cast %swap3A_163 : vector<16xf32> to vector<16xf32>
    %swap3A_165 = vector.shape_cast %broadcast_in_dim3A_161 : vector<16xf32> to vector<16xf32>
    tpu.vector_store %arg6[%swap3A_162], %swap3A_165 {strides = array<i32>} : memref<640xf32, #tpu.memory_space<vmem>>, vector<16xf32>,
    %broadcast_in_dim3A_166 = arith.constant 0.000000e+00 : f32
    %broadcast_in_dim3A_167 = vector.broadcast %broadcast_in_dim3A_166 : f32 to vector<16xf32>
    %swap3A_168 = arith.constant 320 : index
    %swap3A_169 = tpu.vector_load %arg6[%swap3A_168] {strides = array<i32>} : memref<640xf32, #tpu.memory_space<vmem>>, vector<16xf32>,
    %swap3A_170 = vector.shape_cast %swap3A_169 : vector<16xf32> to vector<16xf32>
    %swap3A_171 = vector.shape_cast %broadcast_in_dim3A_167 : vector<16xf32> to vector<16xf32>
    tpu.vector_store %arg6[%swap3A_168], %swap3A_171 {strides = array<i32>} : memref<640xf32, #tpu.memory_space<vmem>>, vector<16xf32>,
    %broadcast_in_dim3A_172 = arith.constant 0.000000e+00 : f32
    %broadcast_in_dim3A_173 = vector.broadcast %broadcast_in_dim3A_172 : f32 to vector<16xf32>
    %swap3A_174 = arith.constant 336 : index
    %swap3A_175 = tpu.vector_load %arg6[%swap3A_174] {strides = array<i32>} : memref<640xf32, #tpu.memory_space<vmem>>, vector<16xf32>,
    %swap3A_176 = vector.shape_cast %swap3A_175 : vector<16xf32> to vector<16xf32>
    %swap3A_177 = vector.shape_cast %broadcast_in_dim3A_173 : vector<16xf32> to vector<16xf32>
    tpu.vector_store %arg6[%swap3A_174], %swap3A_177 {strides = array<i32>} : memref<640xf32, #tpu.memory_space<vmem>>, vector<16xf32>,
    %broadcast_in_dim3A_178 = arith.constant 0.000000e+00 : f32
    %broadcast_in_dim3A_179 = vector.broadcast %broadcast_in_dim3A_178 : f32 to vector<16xf32>
    %swap3A_180 = arith.constant 352 : index
    %swap3A_181 = tpu.vector_load %arg6[%swap3A_180] {strides = array<i32>} : memref<640xf32, #tpu.memory_space<vmem>>, vector<16xf32>,
    %swap3A_182 = vector.shape_cast %swap3A_181 : vector<16xf32> to vector<16xf32>
    %swap3A_183 = vector.shape_cast %broadcast_in_dim3A_179 : vector<16xf32> to vector<16xf32>
    tpu.vector_store %arg6[%swap3A_180], %swap3A_183 {strides = array<i32>} : memref<640xf32, #tpu.memory_space<vmem>>, vector<16xf32>,
    %broadcast_in_dim3A_184 = arith.constant 0.000000e+00 : f32
    %broadcast_in_dim3A_185 = vector.broadcast %broadcast_in_dim3A_184 : f32 to vector<16xf32>
    %swap3A_186 = arith.constant 368 : index
    %swap3A_187 = tpu.vector_load %arg6[%swap3A_186] {strides = array<i32>} : memref<640xf32, #tpu.memory_space<vmem>>, vector<16xf32>,
    %swap3A_188 = vector.shape_cast %swap3A_187 : vector<16xf32> to vector<16xf32>
    %swap3A_189 = vector.shape_cast %broadcast_in_dim3A_185 : vector<16xf32> to vector<16xf32>
    tpu.vector_store %arg6[%swap3A_186], %swap3A_189 {strides = array<i32>} : memref<640xf32, #tpu.memory_space<vmem>>, vector<16xf32>,
    %broadcast_in_dim3A_190 = arith.constant 0.000000e+00 : f32
    %broadcast_in_dim3A_191 = vector.broadcast %broadcast_in_dim3A_190 : f32 to vector<16xf32>
    %swap3A_192 = arith.constant 384 : index
    %swap3A_193 = tpu.vector_load %arg6[%swap3A_192] {strides = array<i32>} : memref<640xf32, #tpu.memory_space<vmem>>, vector<16xf32>,
    %swap3A_194 = vector.shape_cast %swap3A_193 : vector<16xf32> to vector<16xf32>
    %swap3A_195 = vector.shape_cast %broadcast_in_dim3A_191 : vector<16xf32> to vector<16xf32>
    tpu.vector_store %arg6[%swap3A_192], %swap3A_195 {strides = array<i32>} : memref<640xf32, #tpu.memory_space<vmem>>, vector<16xf32>,
    %broadcast_in_dim3A_196 = arith.constant 0.000000e+00 : f32
    %broadcast_in_dim3A_197 = vector.broadcast %broadcast_in_dim3A_196 : f32 to vector<16xf32>
    %swap3A_198 = arith.constant 400 : index
    %swap3A_199 = tpu.vector_load %arg6[%swap3A_198] {strides = array<i32>} : memref<640xf32, #tpu.memory_space<vmem>>, vector<16xf32>,
    %swap3A_200 = vector.shape_cast %swap3A_199 : vector<16xf32> to vector<16xf32>
    %swap3A_201 = vector.shape_cast %broadcast_in_dim3A_197 : vector<16xf32> to vector<16xf32>
    tpu.vector_store %arg6[%swap3A_198], %swap3A_201 {strides = array<i32>} : memref<640xf32, #tpu.memory_space<vmem>>, vector<16xf32>,
    %broadcast_in_dim3A_202 = arith.constant 0.000000e+00 : f32
    %broadcast_in_dim3A_203 = vector.broadcast %broadcast_in_dim3A_202 : f32 to vector<16xf32>
    %swap3A_204 = arith.constant 416 : index
    %swap3A_205 = tpu.vector_load %arg6[%swap3A_204] {strides = array<i32>} : memref<640xf32, #tpu.memory_space<vmem>>, vector<16xf32>,
    %swap3A_206 = vector.shape_cast %swap3A_205 : vector<16xf32> to vector<16xf32>
    %swap3A_207 = vector.shape_cast %broadcast_in_dim3A_203 : vector<16xf32> to vector<16xf32>
    tpu.vector_store %arg6[%swap3A_204], %swap3A_207 {strides = array<i32>} : memref<640xf32, #tpu.memory_space<vmem>>, vector<16xf32>,
    %broadcast_in_dim3A_208 = arith.constant 0.000000e+00 : f32
    %broadcast_in_dim3A_209 = vector.broadcast %broadcast_in_dim3A_208 : f32 to vector<16xf32>
    %swap3A_210 = arith.constant 432 : index
    %swap3A_211 = tpu.vector_load %arg6[%swap3A_210] {strides = array<i32>} : memref<640xf32, #tpu.memory_space<vmem>>, vector<16xf32>,
    %swap3A_212 = vector.shape_cast %swap3A_211 : vector<16xf32> to vector<16xf32>
    %swap3A_213 = vector.shape_cast %broadcast_in_dim3A_209 : vector<16xf32> to vector<16xf32>
    tpu.vector_store %arg6[%swap3A_210], %swap3A_213 {strides = array<i32>} : memref<640xf32, #tpu.memory_space<vmem>>, vector<16xf32>,
    %broadcast_in_dim3A_214 = arith.constant 0.000000e+00 : f32
    %broadcast_in_dim3A_215 = vector.broadcast %broadcast_in_dim3A_214 : f32 to vector<16xf32>
    %swap3A_216 = arith.constant 448 : index
    %swap3A_217 = tpu.vector_load %arg6[%swap3A_216] {strides = array<i32>} : memref<640xf32, #tpu.memory_space<vmem>>, vector<16xf32>,
    %swap3A_218 = vector.shape_cast %swap3A_217 : vector<16xf32> to vector<16xf32>
    %swap3A_219 = vector.shape_cast %broadcast_in_dim3A_215 : vector<16xf32> to vector<16xf32>
    tpu.vector_store %arg6[%swap3A_216], %swap3A_219 {strides = array<i32>} : memref<640xf32, #tpu.memory_space<vmem>>, vector<16xf32>,
    %broadcast_in_dim3A_220 = arith.constant 0.000000e+00 : f32
    %broadcast_in_dim3A_221 = vector.broadcast %broadcast_in_dim3A_220 : f32 to vector<16xf32>
    %swap3A_222 = arith.constant 464 : index
    %swap3A_223 = tpu.vector_load %arg6[%swap3A_222] {strides = array<i32>} : memref<640xf32, #tpu.memory_space<vmem>>, vector<16xf32>,
    %swap3A_224 = vector.shape_cast %swap3A_223 : vector<16xf32> to vector<16xf32>
    %swap3A_225 = vector.shape_cast %broadcast_in_dim3A_221 : vector<16xf32> to vector<16xf32>
    tpu.vector_store %arg6[%swap3A_222], %swap3A_225 {strides = array<i32>} : memref<640xf32, #tpu.memory_space<vmem>>, vector<16xf32>,
    %broadcast_in_dim3A_226 = arith.constant 0.000000e+00 : f32
    %broadcast_in_dim3A_227 = vector.broadcast %broadcast_in_dim3A_226 : f32 to vector<16xf32>
    %swap3A_228 = arith.constant 480 : index
    %swap3A_229 = tpu.vector_load %arg6[%swap3A_228] {strides = array<i32>} : memref<640xf32, #tpu.memory_space<vmem>>, vector<16xf32>,
    %swap3A_230 = vector.shape_cast %swap3A_229 : vector<16xf32> to vector<16xf32>
    %swap3A_231 = vector.shape_cast %broadcast_in_dim3A_227 : vector<16xf32> to vector<16xf32>
    tpu.vector_store %arg6[%swap3A_228], %swap3A_231 {strides = array<i32>} : memref<640xf32, #tpu.memory_space<vmem>>, vector<16xf32>,
    %broadcast_in_dim3A_232 = arith.constant 0.000000e+00 : f32
    %broadcast_in_dim3A_233 = vector.broadcast %broadcast_in_dim3A_232 : f32 to vector<16xf32>
    %swap3A_234 = arith.constant 496 : index
    %swap3A_235 = tpu.vector_load %arg6[%swap3A_234] {strides = array<i32>} : memref<640xf32, #tpu.memory_space<vmem>>, vector<16xf32>,
    %swap3A_236 = vector.shape_cast %swap3A_235 : vector<16xf32> to vector<16xf32>
    %swap3A_237 = vector.shape_cast %broadcast_in_dim3A_233 : vector<16xf32> to vector<16xf32>
    tpu.vector_store %arg6[%swap3A_234], %swap3A_237 {strides = array<i32>} : memref<640xf32, #tpu.memory_space<vmem>>, vector<16xf32>,
    %broadcast_in_dim3A_238 = arith.constant 0.000000e+00 : f32
    %broadcast_in_dim3A_239 = vector.broadcast %broadcast_in_dim3A_238 : f32 to vector<16xf32>
    %swap3A_240 = arith.constant 512 : index
    %swap3A_241 = tpu.vector_load %arg6[%swap3A_240] {strides = array<i32>} : memref<640xf32, #tpu.memory_space<vmem>>, vector<16xf32>,
    %swap3A_242 = vector.shape_cast %swap3A_241 : vector<16xf32> to vector<16xf32>
    %swap3A_243 = vector.shape_cast %broadcast_in_dim3A_239 : vector<16xf32> to vector<16xf32>
    tpu.vector_store %arg6[%swap3A_240], %swap3A_243 {strides = array<i32>} : memref<640xf32, #tpu.memory_space<vmem>>, vector<16xf32>,
    %broadcast_in_dim3A_244 = arith.constant 0.000000e+00 : f32
    %broadcast_in_dim3A_245 = vector.broadcast %broadcast_in_dim3A_244 : f32 to vector<16xf32>
    %swap3A_246 = arith.constant 528 : index
    %swap3A_247 = tpu.vector_load %arg6[%swap3A_246] {strides = array<i32>} : memref<640xf32, #tpu.memory_space<vmem>>, vector<16xf32>,
    %swap3A_248 = vector.shape_cast %swap3A_247 : vector<16xf32> to vector<16xf32>
    %swap3A_249 = vector.shape_cast %broadcast_in_dim3A_245 : vector<16xf32> to vector<16xf32>
    tpu.vector_store %arg6[%swap3A_246], %swap3A_249 {strides = array<i32>} : memref<640xf32, #tpu.memory_space<vmem>>, vector<16xf32>,
    %broadcast_in_dim3A_250 = arith.constant 0.000000e+00 : f32
    %broadcast_in_dim3A_251 = vector.broadcast %broadcast_in_dim3A_250 : f32 to vector<16xf32>
    %swap3A_252 = arith.constant 544 : index
    %swap3A_253 = tpu.vector_load %arg6[%swap3A_252] {strides = array<i32>} : memref<640xf32, #tpu.memory_space<vmem>>, vector<16xf32>,
    %swap3A_254 = vector.shape_cast %swap3A_253 : vector<16xf32> to vector<16xf32>
    %swap3A_255 = vector.shape_cast %broadcast_in_dim3A_251 : vector<16xf32> to vector<16xf32>
    tpu.vector_store %arg6[%swap3A_252], %swap3A_255 {strides = array<i32>} : memref<640xf32, #tpu.memory_space<vmem>>, vector<16xf32>,
    %broadcast_in_dim3A_256 = arith.constant 0.000000e+00 : f32
    %broadcast_in_dim3A_257 = vector.broadcast %broadcast_in_dim3A_256 : f32 to vector<16xf32>
    %swap3A_258 = arith.constant 560 : index
    %swap3A_259 = tpu.vector_load %arg6[%swap3A_258] {strides = array<i32>} : memref<640xf32, #tpu.memory_space<vmem>>, vector<16xf32>,
    %swap3A_260 = vector.shape_cast %swap3A_259 : vector<16xf32> to vector<16xf32>
    %swap3A_261 = vector.shape_cast %broadcast_in_dim3A_257 : vector<16xf32> to vector<16xf32>
    tpu.vector_store %arg6[%swap3A_258], %swap3A_261 {strides = array<i32>} : memref<640xf32, #tpu.memory_space<vmem>>, vector<16xf32>,
    %broadcast_in_dim3A_262 = arith.constant 0.000000e+00 : f32
    %broadcast_in_dim3A_263 = vector.broadcast %broadcast_in_dim3A_262 : f32 to vector<16xf32>
    %swap3A_264 = arith.constant 576 : index
    %swap3A_265 = tpu.vector_load %arg6[%swap3A_264] {strides = array<i32>} : memref<640xf32, #tpu.memory_space<vmem>>, vector<16xf32>,
    %swap3A_266 = vector.shape_cast %swap3A_265 : vector<16xf32> to vector<16xf32>
    %swap3A_267 = vector.shape_cast %broadcast_in_dim3A_263 : vector<16xf32> to vector<16xf32>
    tpu.vector_store %arg6[%swap3A_264], %swap3A_267 {strides = array<i32>} : memref<640xf32, #tpu.memory_space<vmem>>, vector<16xf32>,
    %broadcast_in_dim3A_268 = arith.constant 0.000000e+00 : f32
    %broadcast_in_dim3A_269 = vector.broadcast %broadcast_in_dim3A_268 : f32 to vector<16xf32>
    %swap3A_270 = arith.constant 592 : index
    %swap3A_271 = tpu.vector_load %arg6[%swap3A_270] {strides = array<i32>} : memref<640xf32, #tpu.memory_space<vmem>>, vector<16xf32>,
    %swap3A_272 = vector.shape_cast %swap3A_271 : vector<16xf32> to vector<16xf32>
    %swap3A_273 = vector.shape_cast %broadcast_in_dim3A_269 : vector<16xf32> to vector<16xf32>
    tpu.vector_store %arg6[%swap3A_270], %swap3A_273 {strides = array<i32>} : memref<640xf32, #tpu.memory_space<vmem>>, vector<16xf32>,
    %broadcast_in_dim3A_274 = arith.constant 0.000000e+00 : f32
    %broadcast_in_dim3A_275 = vector.broadcast %broadcast_in_dim3A_274 : f32 to vector<16xf32>
    %swap3A_276 = arith.constant 608 : index
    %swap3A_277 = tpu.vector_load %arg6[%swap3A_276] {strides = array<i32>} : memref<640xf32, #tpu.memory_space<vmem>>, vector<16xf32>,
    %swap3A_278 = vector.shape_cast %swap3A_277 : vector<16xf32> to vector<16xf32>
    %swap3A_279 = vector.shape_cast %broadcast_in_dim3A_275 : vector<16xf32> to vector<16xf32>
    tpu.vector_store %arg6[%swap3A_276], %swap3A_279 {strides = array<i32>} : memref<640xf32, #tpu.memory_space<vmem>>, vector<16xf32>,
    %broadcast_in_dim3A_280 = arith.constant 0.000000e+00 : f32
    %broadcast_in_dim3A_281 = vector.broadcast %broadcast_in_dim3A_280 : f32 to vector<16xf32>
    %swap3A_282 = arith.constant 624 : index
    %swap3A_283 = tpu.vector_load %arg6[%swap3A_282] {strides = array<i32>} : memref<640xf32, #tpu.memory_space<vmem>>, vector<16xf32>,
    %swap3A_284 = vector.shape_cast %swap3A_283 : vector<16xf32> to vector<16xf32>
    %swap3A_285 = vector.shape_cast %broadcast_in_dim3A_281 : vector<16xf32> to vector<16xf32>
    tpu.vector_store %arg6[%swap3A_282], %swap3A_285 {strides = array<i32>} : memref<640xf32, #tpu.memory_space<vmem>>, vector<16xf32>,
    %mul3A = arith.constant 16 : i32
    %mul3A_286 = arith.muli %arg0, %mul3A : i32
    %add3A = arith.addi %mul3A_286, %arg1 : i32
    %mul3A_287 = arith.constant 80 : i32
    %mul3A_288 = arith.muli %add3A, %mul3A_287 : i32
    "tpu.region"() ({
      %run_scoped3A = tpu.sem_alloc : memref<!tpu.dma_semaphore, #tpu.memory_space<semaphore_mem>>
      %dma_start3A = arith.constant 0 : i32
      %dma_start3A_302 = tpu.memref_slice %arg2[%mul3A_288, %dma_start3A] : memref<2560x128xi32, #tpu.memory_space<hbm>> -> memref<80x128xi32, #tpu.memory_space<hbm>>
      %dma_start3A_303 = arith.constant 0 : i32
      %dma_start3A_304 = tpu.memref_slice %arg2[%mul3A_288, %dma_start3A_303] : memref<2560x128xi32, #tpu.memory_space<hbm>> -> memref<80x128xi32, #tpu.memory_space<hbm>>
      tpu.enqueue_dma source(%dma_start3A_304 : memref<80x128xi32, #tpu.memory_space<hbm>>) target(%arg4 : memref<80x128xi32, #tpu.memory_space<vmem>>) target_semaphore(%run_scoped3A : memref<!tpu.dma_semaphore, #tpu.memory_space<semaphore_mem>>)
      %dma_wait3A = arith.constant 0 : i32
      %dma_wait3A_305 = tpu.memref_slice %arg2[%mul3A_288, %dma_wait3A] : memref<2560x128xi32, #tpu.memory_space<hbm>> -> memref<80x128xi32, #tpu.memory_space<hbm>>
      %dma_wait3A_306 = arith.constant 0 : i32
      %dma_wait3A_307 = tpu.memref_slice %arg2[%mul3A_288, %dma_wait3A_306] : memref<2560x128xi32, #tpu.memory_space<hbm>> -> memref<80x128xi32, #tpu.memory_space<hbm>>
      tpu.wait_dma2 semaphore(%run_scoped3A : memref<!tpu.dma_semaphore, #tpu.memory_space<semaphore_mem>>) src(%dma_wait3A_307 : memref<80x128xi32, #tpu.memory_space<hbm>>) dst(%arg4 : memref<80x128xi32, #tpu.memory_space<vmem>>)
      tpu.yield
    }) : () -> ()
    %mul3A_289 = arith.constant 632 : i32
    %mul3A_290 = arith.muli %arg1, %mul3A_289 : i32
    "tpu.region"() ({
      %run_scoped3A = tpu.sem_alloc : memref<!tpu.dma_semaphore, #tpu.memory_space<semaphore_mem>>
      %dma_start3A = arith.constant 0 : i32
      %dma_start3A_302 = tpu.memref_slice %arg6[%dma_start3A] : memref<640xf32, #tpu.memory_space<vmem>> -> memref<632xf32, #tpu.memory_space<vmem>>
      %dma_start3A_303 = tpu.memref_slice %arg7[%mul3A_290] : memref<10112xf32, #tpu.memory_space<vmem_shared>> -> memref<632xf32, #tpu.memory_space<vmem_shared>>
      %dma_start3A_304 = tpu.memref_slice %arg7[%mul3A_290] : memref<10112xf32, #tpu.memory_space<vmem_shared>> -> memref<632xf32, #tpu.memory_space<vmem_shared>>
      %dma_start3A_305 = arith.constant 0 : i32
      %dma_start3A_306 = tpu.memref_slice %arg6[%dma_start3A_305] : memref<640xf32, #tpu.memory_space<vmem>> -> memref<632xf32, #tpu.memory_space<vmem>>
      tpu.enqueue_dma source(%dma_start3A_306 : memref<632xf32, #tpu.memory_space<vmem>>) target(%dma_start3A_304 : memref<632xf32, #tpu.memory_space<vmem_shared>>) target_semaphore(%run_scoped3A : memref<!tpu.dma_semaphore, #tpu.memory_space<semaphore_mem>>)
      %dma_wait3A = arith.constant 0 : i32
      %dma_wait3A_307 = tpu.memref_slice %arg6[%dma_wait3A] : memref<640xf32, #tpu.memory_space<vmem>> -> memref<632xf32, #tpu.memory_space<vmem>>
      %dma_wait3A_308 = tpu.memref_slice %arg7[%mul3A_290] : memref<10112xf32, #tpu.memory_space<vmem_shared>> -> memref<632xf32, #tpu.memory_space<vmem_shared>>
      %dma_wait3A_309 = tpu.memref_slice %arg7[%mul3A_290] : memref<10112xf32, #tpu.memory_space<vmem_shared>> -> memref<632xf32, #tpu.memory_space<vmem_shared>>
      %dma_wait3A_310 = arith.constant 0 : i32
      %dma_wait3A_311 = tpu.memref_slice %arg6[%dma_wait3A_310] : memref<640xf32, #tpu.memory_space<vmem>> -> memref<632xf32, #tpu.memory_space<vmem>>
      tpu.wait_dma2 semaphore(%run_scoped3A : memref<!tpu.dma_semaphore, #tpu.memory_space<semaphore_mem>>) src(%dma_wait3A_311 : memref<632xf32, #tpu.memory_space<vmem>>) dst(%dma_wait3A_309 : memref<632xf32, #tpu.memory_space<vmem_shared>>)
      tpu.yield
    }) : () -> ()
    %barrier3A = arith.constant 0 : index
    tpu.barrier barrier_id(%barrier3A)
    %scan3A = arith.constant 0 : i32
    %scan3A_291 = arith.constant 80 : i32
    %scan3A_292 = arith.addi %scan3A, %scan3A_291 : i32
    %scan3A_293 = arith.constant 1 : i32
    scf.for %scan3A_302 = %scan3A to %scan3A_292 step %scan3A_293  : i32 {
      %mul3A_303 = arith.constant 1 : i32
      %mul3A_304 = arith.muli %scan3A_302, %mul3A_303 : i32
      %add3A_305 = arith.constant 0 : i32
      %add3A_306 = arith.addi %add3A_305, %mul3A_304 : i32
      "tpu.region"() ({
        %run_scoped3A = tpu.sem_alloc : memref<!tpu.dma_semaphore, #tpu.memory_space<semaphore_mem>>
        %dma_start3A = arith.constant 0 : i32
        %dma_start3A_307 = tpu.memref_slice %arg4[%add3A_306, %dma_start3A] : memref<80x128xi32, #tpu.memory_space<vmem>> -> memref<1x128xi32, #tpu.memory_space<vmem>>
        %dma_start3A_308 = tpu.memref_squeeze %dma_start3A_307 : memref<1x128xi32, #tpu.memory_space<vmem>> -> memref<128xi32, #tpu.memory_space<vmem>>
        %dma_start3A_309 = arith.constant 0 : i32
        %dma_start3A_310 = tpu.memref_slice %arg7[%dma_start3A_309] : memref<10112xf32, #tpu.memory_space<vmem_shared>> -> memref<10112xf32, #tpu.memory_space<vmem_shared>>
        tpu.enqueue_indirect_dma source(%arg5 : memref<128xf32, #tpu.memory_space<vmem>>) target(%dma_start3A_310 : memref<10112xf32, #tpu.memory_space<vmem_shared>>) offsets(%dma_start3A_308 : memref<128xi32, #tpu.memory_space<vmem>>) semaphore(%run_scoped3A : memref<!tpu.dma_semaphore, #tpu.memory_space<semaphore_mem>>) {add = true}
        %dma_wait3A = arith.constant 0 : i32
        %dma_wait3A_311 = tpu.memref_slice %arg4[%add3A_306, %dma_wait3A] : memref<80x128xi32, #tpu.memory_space<vmem>> -> memref<1x128xi32, #tpu.memory_space<vmem>>
        %dma_wait3A_312 = tpu.memref_squeeze %dma_wait3A_311 : memref<1x128xi32, #tpu.memory_space<vmem>> -> memref<128xi32, #tpu.memory_space<vmem>>
        %dma_wait3A_313 = arith.constant 0 : i32
        %dma_wait3A_314 = tpu.memref_slice %arg7[%dma_wait3A_313] : memref<10112xf32, #tpu.memory_space<vmem_shared>> -> memref<10112xf32, #tpu.memory_space<vmem_shared>>
        tpu.wait_indirect_dma semaphore(%run_scoped3A : memref<!tpu.dma_semaphore, #tpu.memory_space<semaphore_mem>>) src(%arg5 : memref<128xf32, #tpu.memory_space<vmem>>) dst(%dma_wait3A_314 : memref<10112xf32, #tpu.memory_space<vmem_shared>>)
        tpu.yield
      }) : () -> ()
    }
    %scan3A_294 = arith.constant 80 : i32
    %barrier3A_295 = arith.constant 0 : index
    tpu.barrier barrier_id(%barrier3A_295)
    %lt3A = arith.constant 15 : i32
    %lt3A_296 = arith.cmpi slt, %arg1, %lt3A : i32
    %convert_element_type3A = arith.extui %lt3A_296 : i1 to i32
    %cond3A = arith.constant 0 : i32
    %cond3A_297 = arith.cmpi ne, %convert_element_type3A, %cond3A : i32
    scf.if %cond3A_297 {
      %mul3A_302 = arith.constant 624 : i32
      %mul3A_303 = arith.muli %arg1, %mul3A_302 : i32
      "tpu.region"() ({
        %run_scoped3A = tpu.sem_alloc : memref<!tpu.dma_semaphore, #tpu.memory_space<semaphore_mem>>
        %dma_start3A = arith.constant 0 : i32
        %dma_start3A_309 = tpu.memref_slice %arg6[%dma_start3A] : memref<640xf32, #tpu.memory_space<vmem>> -> memref<624xf32, #tpu.memory_space<vmem>>
        %dma_start3A_310 = tpu.memref_slice %arg7[%mul3A_303] : memref<10112xf32, #tpu.memory_space<vmem_shared>> -> memref<624xf32, #tpu.memory_space<vmem_shared>>
        %dma_start3A_311 = arith.constant 0 : i32
        %dma_start3A_312 = tpu.memref_slice %arg6[%dma_start3A_311] : memref<640xf32, #tpu.memory_space<vmem>> -> memref<624xf32, #tpu.memory_space<vmem>>
        %dma_start3A_313 = tpu.memref_slice %arg7[%mul3A_303] : memref<10112xf32, #tpu.memory_space<vmem_shared>> -> memref<624xf32, #tpu.memory_space<vmem_shared>>
        tpu.enqueue_dma source(%dma_start3A_313 : memref<624xf32, #tpu.memory_space<vmem_shared>>) target(%dma_start3A_312 : memref<624xf32, #tpu.memory_space<vmem>>) target_semaphore(%run_scoped3A : memref<!tpu.dma_semaphore, #tpu.memory_space<semaphore_mem>>)
        %dma_wait3A = arith.constant 0 : i32
        %dma_wait3A_314 = tpu.memref_slice %arg6[%dma_wait3A] : memref<640xf32, #tpu.memory_space<vmem>> -> memref<624xf32, #tpu.memory_space<vmem>>
        %dma_wait3A_315 = tpu.memref_slice %arg7[%mul3A_303] : memref<10112xf32, #tpu.memory_space<vmem_shared>> -> memref<624xf32, #tpu.memory_space<vmem_shared>>
        %dma_wait3A_316 = arith.constant 0 : i32
        %dma_wait3A_317 = tpu.memref_slice %arg6[%dma_wait3A_316] : memref<640xf32, #tpu.memory_space<vmem>> -> memref<624xf32, #tpu.memory_space<vmem>>
        %dma_wait3A_318 = tpu.memref_slice %arg7[%mul3A_303] : memref<10112xf32, #tpu.memory_space<vmem_shared>> -> memref<624xf32, #tpu.memory_space<vmem_shared>>
        tpu.wait_dma2 semaphore(%run_scoped3A : memref<!tpu.dma_semaphore, #tpu.memory_space<semaphore_mem>>) src(%dma_wait3A_318 : memref<624xf32, #tpu.memory_space<vmem_shared>>) dst(%dma_wait3A_317 : memref<624xf32, #tpu.memory_space<vmem>>)
        tpu.yield
      }) : () -> ()
      %mul3A_304 = arith.constant 10000 : i32
      %mul3A_305 = arith.muli %arg0, %mul3A_304 : i32
      %mul3A_306 = arith.constant 624 : i32
      %mul3A_307 = arith.muli %arg1, %mul3A_306 : i32
      %add3A_308 = arith.addi %mul3A_305, %mul3A_307 : i32
      "tpu.region"() ({
        %run_scoped3A = tpu.sem_alloc : memref<!tpu.dma_semaphore, #tpu.memory_space<semaphore_mem>>
        %dma_start3A = arith.constant 0 : i32
        %dma_start3A_309 = tpu.memref_slice %arg6[%dma_start3A] : memref<640xf32, #tpu.memory_space<vmem>> -> memref<624xf32, #tpu.memory_space<vmem>>
        %dma_start3A_310 = tpu.memref_slice %arg3[%add3A_308] : memref<20000xf32, #tpu.memory_space<hbm>> -> memref<624xf32, #tpu.memory_space<hbm>>
        %dma_start3A_311 = tpu.memref_slice %arg3[%add3A_308] : memref<20000xf32, #tpu.memory_space<hbm>> -> memref<624xf32, #tpu.memory_space<hbm>>
        %dma_start3A_312 = arith.constant 0 : i32
        %dma_start3A_313 = tpu.memref_slice %arg6[%dma_start3A_312] : memref<640xf32, #tpu.memory_space<vmem>> -> memref<624xf32, #tpu.memory_space<vmem>>
        tpu.enqueue_dma source(%dma_start3A_313 : memref<624xf32, #tpu.memory_space<vmem>>) target(%dma_start3A_311 : memref<624xf32, #tpu.memory_space<hbm>>) target_semaphore(%run_scoped3A : memref<!tpu.dma_semaphore, #tpu.memory_space<semaphore_mem>>)
        %dma_wait3A = arith.constant 0 : i32
        %dma_wait3A_314 = tpu.memref_slice %arg6[%dma_wait3A] : memref<640xf32, #tpu.memory_space<vmem>> -> memref<624xf32, #tpu.memory_space<vmem>>
        %dma_wait3A_315 = tpu.memref_slice %arg3[%add3A_308] : memref<20000xf32, #tpu.memory_space<hbm>> -> memref<624xf32, #tpu.memory_space<hbm>>
        %dma_wait3A_316 = tpu.memref_slice %arg3[%add3A_308] : memref<20000xf32, #tpu.memory_space<hbm>> -> memref<624xf32, #tpu.memory_space<hbm>>
        %dma_wait3A_317 = arith.constant 0 : i32
        %dma_wait3A_318 = tpu.memref_slice %arg6[%dma_wait3A_317] : memref<640xf32, #tpu.memory_space<vmem>> -> memref<624xf32, #tpu.memory_space<vmem>>
        tpu.wait_dma2 semaphore(%run_scoped3A : memref<!tpu.dma_semaphore, #tpu.memory_space<semaphore_mem>>) src(%dma_wait3A_318 : memref<624xf32, #tpu.memory_space<vmem>>) dst(%dma_wait3A_316 : memref<624xf32, #tpu.memory_space<hbm>>)
        tpu.yield
      }) : () -> ()
    } else {
    }
    %eq3A = arith.constant 15 : i32
    %eq3A_298 = arith.cmpi eq, %arg1, %eq3A : i32
    %convert_element_type3A_299 = arith.extui %eq3A_298 : i1 to i32
    %cond3A_300 = arith.constant 0 : i32
    %cond3A_301 = arith.cmpi ne, %convert_element_type3A_299, %cond3A_300 : i32
    scf.if %cond3A_301 {
      "tpu.region"() ({
        %run_scoped3A = tpu.sem_alloc : memref<!tpu.dma_semaphore, #tpu.memory_space<semaphore_mem>>
        %dma_start3A = arith.constant 9360 : i32
        %dma_start3A_306 = tpu.memref_slice %arg7[%dma_start3A] : memref<10112xf32, #tpu.memory_space<vmem_shared>> -> memref<640xf32, #tpu.memory_space<vmem_shared>>
        %dma_start3A_307 = arith.constant 9360 : i32
        %dma_start3A_308 = tpu.memref_slice %arg7[%dma_start3A_307] : memref<10112xf32, #tpu.memory_space<vmem_shared>> -> memref<640xf32, #tpu.memory_space<vmem_shared>>
        tpu.enqueue_dma source(%dma_start3A_308 : memref<640xf32, #tpu.memory_space<vmem_shared>>) target(%arg6 : memref<640xf32, #tpu.memory_space<vmem>>) target_semaphore(%run_scoped3A : memref<!tpu.dma_semaphore, #tpu.memory_space<semaphore_mem>>)
        %dma_wait3A = arith.constant 9360 : i32
        %dma_wait3A_309 = tpu.memref_slice %arg7[%dma_wait3A] : memref<10112xf32, #tpu.memory_space<vmem_shared>> -> memref<640xf32, #tpu.memory_space<vmem_shared>>
        %dma_wait3A_310 = arith.constant 9360 : i32
        %dma_wait3A_311 = tpu.memref_slice %arg7[%dma_wait3A_310] : memref<10112xf32, #tpu.memory_space<vmem_shared>> -> memref<640xf32, #tpu.memory_space<vmem_shared>>
        tpu.wait_dma2 semaphore(%run_scoped3A : memref<!tpu.dma_semaphore, #tpu.memory_space<semaphore_mem>>) src(%dma_wait3A_311 : memref<640xf32, #tpu.memory_space<vmem_shared>>) dst(%arg6 : memref<640xf32, #tpu.memory_space<vmem>>)
        tpu.yield
      }) : () -> ()
      %mul3A_302 = arith.constant 10000 : i32
      %mul3A_303 = arith.muli %arg0, %mul3A_302 : i32
      %add3A_304 = arith.constant 9360 : i32
      %add3A_305 = arith.addi %mul3A_303, %add3A_304 : i32
      "tpu.region"() ({
        %run_scoped3A = tpu.sem_alloc : memref<!tpu.dma_semaphore, #tpu.memory_space<semaphore_mem>>
        %dma_start3A = tpu.memref_slice %arg3[%add3A_305] : memref<20000xf32, #tpu.memory_space<hbm>> -> memref<640xf32, #tpu.memory_space<hbm>>
        %dma_start3A_306 = tpu.memref_slice %arg3[%add3A_305] : memref<20000xf32, #tpu.memory_space<hbm>> -> memref<640xf32, #tpu.memory_space<hbm>>
        tpu.enqueue_dma source(%arg6 : memref<640xf32, #tpu.memory_space<vmem>>) target(%dma_start3A_306 : memref<640xf32, #tpu.memory_space<hbm>>) target_semaphore(%run_scoped3A : memref<!tpu.dma_semaphore, #tpu.memory_space<semaphore_mem>>)
        %dma_wait3A = tpu.memref_slice %arg3[%add3A_305] : memref<20000xf32, #tpu.memory_space<hbm>> -> memref<640xf32, #tpu.memory_space<hbm>>
        %dma_wait3A_307 = tpu.memref_slice %arg3[%add3A_305] : memref<20000xf32, #tpu.memory_space<hbm>> -> memref<640xf32, #tpu.memory_space<hbm>>
        tpu.wait_dma2 semaphore(%run_scoped3A : memref<!tpu.dma_semaphore, #tpu.memory_space<semaphore_mem>>) src(%arg6 : memref<640xf32, #tpu.memory_space<vmem>>) dst(%dma_wait3A_307 : memref<640xf32, #tpu.memory_space<hbm>>)
        tpu.yield
      }) : () -> ()
    } else {
    }
    return
  }
}

module attributes {stable_mosaic.version = 14 : i64} {
  func.func @_mm1_body(%arg0: i32, %arg1: memref<400x128xf32, #tpu.memory_space<vmem>>, %arg2: memref<128x256xf32, #tpu.memory_space<vmem>>, %arg3: memref<2x400x1xf32, #tpu.memory_space<vmem>>, %arg4: memref<400x64xf32, #tpu.memory_space<vmem>>, %arg5: memref<400x64xf32, #tpu.memory_space<vmem>>, %arg6: memref<400x64xf32, #tpu.memory_space<vmem>>, %arg7: memref<400x64xf32, #tpu.memory_space<vmem>>) attributes {dimension_semantics = [#tpu.dimension_semantics<arbitrary>], iteration_bounds = array<i64: 25>, scalar_prefetch = 0 : i64, scratch_operands = 0 : i64, tpu.core_type = #tpu.core_type<tc>, window_params = [{transform_indices = @transform_0, window_bounds = array<i64: 400, 128>}, {pipeline_mode = #tpu.pipeline_mode<synchronous>, transform_indices = @transform_1, window_bounds = array<i64: 128, 256>}, {transform_indices = @transform_2, window_bounds = array<i64: 2, 400, 1>}, {transform_indices = @transform_3, window_bounds = array<i64: 400, 64>}, {transform_indices = @transform_4, window_bounds = array<i64: 400, 64>}, {transform_indices = @transform_5, window_bounds = array<i64: 400, 64>}, {transform_indices = @transform_6, window_bounds = array<i64: 400, 64>}]} {
    %get3A = arith.constant 0 : index
    %get3A_0 = arith.constant 0 : index
    %get3A_1 = arith.constant 0 : index
    %get3A_2 = vector.load %arg3[%get3A, %get3A_0, %get3A_1] : memref<2x400x1xf32, #tpu.memory_space<vmem>>, vector<1x400x1xf32>
    %get3A_3 = vector.shape_cast %get3A_2 : vector<1x400x1xf32> to vector<400x1xf32>
    %get3A_4 = arith.constant 1 : index
    %get3A_5 = arith.constant 0 : index
    %get3A_6 = arith.constant 0 : index
    %get3A_7 = vector.load %arg3[%get3A_4, %get3A_5, %get3A_6] : memref<2x400x1xf32, #tpu.memory_space<vmem>>, vector<1x400x1xf32>
    %get3A_8 = vector.shape_cast %get3A_7 : vector<1x400x1xf32> to vector<400x1xf32>
    %add3A = arith.addf %get3A_3, %get3A_8 : vector<400x1xf32>
    %add3A_9 = arith.constant 1.000000e+00 : f32
    %add3A_10 = vector.broadcast %add3A_9 : f32 to vector<400x1xf32>
    %add3A_11 = arith.addf %add3A, %add3A_10 : vector<400x1xf32>
    %rsqrt3A = math.rsqrt %add3A_11 : vector<400x1xf32>
    %get3A_12 = arith.constant 0 : index
    %get3A_13 = arith.constant 0 : index
    %get3A_14 = vector.load %arg1[%get3A_12, %get3A_13] : memref<400x128xf32, #tpu.memory_space<vmem>>, vector<400x128xf32>
    %get3A_15 = arith.constant 0 : index
    %get3A_16 = arith.constant 0 : index
    %get3A_17 = vector.load %arg2[%get3A_15, %get3A_16] : memref<128x256xf32, #tpu.memory_space<vmem>>, vector<128x256xf32>
    %dot_general3A = arith.constant dense<0.000000e+00> : vector<400x256xf32>
    %dot_general3A_18 = tpu.matmul %get3A_14, %get3A_17, %dot_general3A {dimension_numbers = #tpu.dot_dimension_numbers<[1], [0], [0], [1], [0, 0, 1, 1], [], []>, transpose_lhs_hint = false} : vector<400x128xf32>, vector<128x256xf32>, vector<400x256xf32> -> vector<400x256xf32>
    %mul3A = vector.broadcast %rsqrt3A : vector<400x1xf32> to vector<400x256xf32>
    %mul3A_19 = arith.mulf %dot_general3A_18, %mul3A : vector<400x256xf32>
    %slice3A = vector.extract_strided_slice %mul3A_19 {offsets = [0, 0], sizes = [400, 64], strides = [1, 1]} : vector<400x256xf32> to vector<400x64xf32>
    %swap3A = arith.constant 0 : index
    %swap3A_20 = arith.constant 0 : index
    %swap3A_21 = vector.load %arg4[%swap3A, %swap3A_20] : memref<400x64xf32, #tpu.memory_space<vmem>>, vector<400x64xf32>
    tpu.vector_store %arg4[%swap3A, %swap3A_20], %slice3A {strides = array<i32>} : memref<400x64xf32, #tpu.memory_space<vmem>>, vector<400x64xf32>,
    %slice3A_22 = vector.extract_strided_slice %mul3A_19 {offsets = [0, 64], sizes = [400, 64], strides = [1, 1]} : vector<400x256xf32> to vector<400x64xf32>
    %swap3A_23 = arith.constant 0 : index
    %swap3A_24 = arith.constant 0 : index
    %swap3A_25 = vector.load %arg5[%swap3A_23, %swap3A_24] : memref<400x64xf32, #tpu.memory_space<vmem>>, vector<400x64xf32>
    tpu.vector_store %arg5[%swap3A_23, %swap3A_24], %slice3A_22 {strides = array<i32>} : memref<400x64xf32, #tpu.memory_space<vmem>>, vector<400x64xf32>,
    %slice3A_26 = vector.extract_strided_slice %mul3A_19 {offsets = [0, 128], sizes = [400, 64], strides = [1, 1]} : vector<400x256xf32> to vector<400x64xf32>
    %swap3A_27 = arith.constant 0 : index
    %swap3A_28 = arith.constant 0 : index
    %swap3A_29 = vector.load %arg6[%swap3A_27, %swap3A_28] : memref<400x64xf32, #tpu.memory_space<vmem>>, vector<400x64xf32>
    tpu.vector_store %arg6[%swap3A_27, %swap3A_28], %slice3A_26 {strides = array<i32>} : memref<400x64xf32, #tpu.memory_space<vmem>>, vector<400x64xf32>,
    %slice3A_30 = vector.extract_strided_slice %mul3A_19 {offsets = [0, 192], sizes = [400, 64], strides = [1, 1]} : vector<400x256xf32> to vector<400x64xf32>
    %swap3A_31 = arith.constant 0 : index
    %swap3A_32 = arith.constant 0 : index
    %swap3A_33 = vector.load %arg7[%swap3A_31, %swap3A_32] : memref<400x64xf32, #tpu.memory_space<vmem>>, vector<400x64xf32>
    tpu.vector_store %arg7[%swap3A_31, %swap3A_32], %slice3A_30 {strides = array<i32>} : memref<400x64xf32, #tpu.memory_space<vmem>>, vector<400x64xf32>,
    return
  }
  func.func @transform_0(%arg0: i32) -> (i32, i32) {
    %c0_i32 = arith.constant 0 : i32
    %c0_i32_0 = arith.constant 0 : i32
    return %arg0, %c0_i32 : i32, i32
  }
  func.func @transform_1(%arg0: i32) -> (i32, i32) {
    %c0_i32 = arith.constant 0 : i32
    %c0_i32_0 = arith.constant 0 : i32
    %c0_i32_1 = arith.constant 0 : i32
    return %c0_i32, %c0_i32_0 : i32, i32
  }
  func.func @transform_2(%arg0: i32) -> (i32, i32, i32) {
    %c0_i32 = arith.constant 0 : i32
    %c0_i32_0 = arith.constant 0 : i32
    %c0_i32_1 = arith.constant 0 : i32
    return %c0_i32, %arg0, %c0_i32_0 : i32, i32, i32
  }
  func.func @transform_3(%arg0: i32) -> (i32, i32) {
    %c0_i32 = arith.constant 0 : i32
    %c0_i32_0 = arith.constant 0 : i32
    return %arg0, %c0_i32 : i32, i32
  }
  func.func @transform_4(%arg0: i32) -> (i32, i32) {
    %c0_i32 = arith.constant 0 : i32
    %c0_i32_0 = arith.constant 0 : i32
    return %arg0, %c0_i32 : i32, i32
  }
  func.func @transform_5(%arg0: i32) -> (i32, i32) {
    %c0_i32 = arith.constant 0 : i32
    %c0_i32_0 = arith.constant 0 : i32
    return %arg0, %c0_i32 : i32, i32
  }
  func.func @transform_6(%arg0: i32) -> (i32, i32) {
    %c0_i32 = arith.constant 0 : i32
    %c0_i32_0 = arith.constant 0 : i32
    return %arg0, %c0_i32 : i32, i32
  }
}

module attributes {stable_mosaic.version = 14 : i64} {
  func.func @_mid_body(%arg0: i32, %arg1: memref<400x64xf32, #tpu.memory_space<vmem>>, %arg2: memref<400x64xf32, #tpu.memory_space<vmem>>, %arg3: memref<400x64xf32, #tpu.memory_space<vmem>>, %arg4: memref<400x64xf32, #tpu.memory_space<vmem>>, %arg5: memref<2x400x1xf32, #tpu.memory_space<vmem>>, %arg6: memref<1x256xf32, #tpu.memory_space<vmem>>, %arg7: memref<256x128xf32, #tpu.memory_space<vmem>>, %arg8: memref<400x64xf32, #tpu.memory_space<vmem>>, %arg9: memref<400x64xf32, #tpu.memory_space<vmem>>) attributes {dimension_semantics = [#tpu.dimension_semantics<arbitrary>], iteration_bounds = array<i64: 25>, scalar_prefetch = 0 : i64, scratch_operands = 0 : i64, tpu.core_type = #tpu.core_type<tc>, window_params = [{transform_indices = @transform_0, window_bounds = array<i64: 400, 64>}, {transform_indices = @transform_1, window_bounds = array<i64: 400, 64>}, {transform_indices = @transform_2, window_bounds = array<i64: 400, 64>}, {transform_indices = @transform_3, window_bounds = array<i64: 400, 64>}, {transform_indices = @transform_4, window_bounds = array<i64: 2, 400, 1>}, {pipeline_mode = #tpu.pipeline_mode<synchronous>, transform_indices = @transform_5, window_bounds = array<i64: 1, 256>}, {pipeline_mode = #tpu.pipeline_mode<synchronous>, transform_indices = @transform_6, window_bounds = array<i64: 256, 128>}, {transform_indices = @transform_7, window_bounds = array<i64: 400, 64>}, {transform_indices = @transform_8, window_bounds = array<i64: 400, 64>}]} {
    %get3A = arith.constant 0 : index
    %get3A_0 = arith.constant 0 : index
    %get3A_1 = arith.constant 0 : index
    %get3A_2 = vector.load %arg5[%get3A, %get3A_0, %get3A_1] : memref<2x400x1xf32, #tpu.memory_space<vmem>>, vector<1x400x1xf32>
    %get3A_3 = vector.shape_cast %get3A_2 : vector<1x400x1xf32> to vector<400x1xf32>
    %get3A_4 = arith.constant 1 : index
    %get3A_5 = arith.constant 0 : index
    %get3A_6 = arith.constant 0 : index
    %get3A_7 = vector.load %arg5[%get3A_4, %get3A_5, %get3A_6] : memref<2x400x1xf32, #tpu.memory_space<vmem>>, vector<1x400x1xf32>
    %get3A_8 = vector.shape_cast %get3A_7 : vector<1x400x1xf32> to vector<400x1xf32>
    %add3A = arith.addf %get3A_3, %get3A_8 : vector<400x1xf32>
    %add3A_9 = arith.constant 1.000000e+00 : f32
    %add3A_10 = vector.broadcast %add3A_9 : f32 to vector<400x1xf32>
    %add3A_11 = arith.addf %add3A, %add3A_10 : vector<400x1xf32>
    %rsqrt3A = math.rsqrt %add3A_11 : vector<400x1xf32>
    %get3A_12 = arith.constant 0 : index
    %get3A_13 = arith.constant 0 : index
    %get3A_14 = vector.load %arg1[%get3A_12, %get3A_13] : memref<400x64xf32, #tpu.memory_space<vmem>>, vector<400x64xf32>
    %get3A_15 = arith.constant 0 : index
    %get3A_16 = arith.constant 0 : index
    %get3A_17 = vector.load %arg2[%get3A_15, %get3A_16] : memref<400x64xf32, #tpu.memory_space<vmem>>, vector<400x64xf32>
    %get3A_18 = arith.constant 0 : index
    %get3A_19 = arith.constant 0 : index
    %get3A_20 = vector.load %arg3[%get3A_18, %get3A_19] : memref<400x64xf32, #tpu.memory_space<vmem>>, vector<400x64xf32>
    %get3A_21 = arith.constant 0 : index
    %get3A_22 = arith.constant 0 : index
    %get3A_23 = vector.load %arg4[%get3A_21, %get3A_22] : memref<400x64xf32, #tpu.memory_space<vmem>>, vector<400x64xf32>
    %concatenate3A = tpu.concatenate %get3A_14, %get3A_17, %get3A_20, %get3A_23 in 1 : vector<400x64xf32>, vector<400x64xf32>, vector<400x64xf32>, vector<400x64xf32> -> vector<400x256xf32>
    %mul3A = vector.broadcast %rsqrt3A : vector<400x1xf32> to vector<400x256xf32>
    %mul3A_24 = arith.mulf %concatenate3A, %mul3A : vector<400x256xf32>
    %get3A_25 = arith.constant 0 : index
    %get3A_26 = arith.constant 0 : index
    %get3A_27 = vector.load %arg6[%get3A_25, %get3A_26] : memref<1x256xf32, #tpu.memory_space<vmem>>, vector<1x256xf32>
    %add3A_28 = vector.broadcast %get3A_27 : vector<1x256xf32> to vector<400x256xf32>
    %add3A_29 = arith.addf %mul3A_24, %add3A_28 : vector<400x256xf32>
    %max3A = arith.constant 0.000000e+00 : f32
    %max3A_30 = vector.broadcast %max3A : f32 to vector<400x256xf32>
    %max3A_31 = arith.maximumf %add3A_29, %max3A_30 : vector<400x256xf32>
    %get3A_32 = arith.constant 0 : index
    %get3A_33 = arith.constant 0 : index
    %get3A_34 = vector.load %arg7[%get3A_32, %get3A_33] : memref<256x128xf32, #tpu.memory_space<vmem>>, vector<256x128xf32>
    %dot_general3A = arith.constant dense<0.000000e+00> : vector<400x128xf32>
    %dot_general3A_35 = tpu.matmul %max3A_31, %get3A_34, %dot_general3A {dimension_numbers = #tpu.dot_dimension_numbers<[1], [0], [0], [1], [0, 0, 1, 1], [], []>, transpose_lhs_hint = false} : vector<400x256xf32>, vector<256x128xf32>, vector<400x128xf32> -> vector<400x128xf32>
    %mul3A_36 = vector.broadcast %rsqrt3A : vector<400x1xf32> to vector<400x128xf32>
    %mul3A_37 = arith.mulf %dot_general3A_35, %mul3A_36 : vector<400x128xf32>
    %slice3A = vector.extract_strided_slice %mul3A_37 {offsets = [0, 0], sizes = [400, 64], strides = [1, 1]} : vector<400x128xf32> to vector<400x64xf32>
    %swap3A = arith.constant 0 : index
    %swap3A_38 = arith.constant 0 : index
    %swap3A_39 = vector.load %arg8[%swap3A, %swap3A_38] : memref<400x64xf32, #tpu.memory_space<vmem>>, vector<400x64xf32>
    tpu.vector_store %arg8[%swap3A, %swap3A_38], %slice3A {strides = array<i32>} : memref<400x64xf32, #tpu.memory_space<vmem>>, vector<400x64xf32>,
    %slice3A_40 = vector.extract_strided_slice %mul3A_37 {offsets = [0, 64], sizes = [400, 64], strides = [1, 1]} : vector<400x128xf32> to vector<400x64xf32>
    %swap3A_41 = arith.constant 0 : index
    %swap3A_42 = arith.constant 0 : index
    %swap3A_43 = vector.load %arg9[%swap3A_41, %swap3A_42] : memref<400x64xf32, #tpu.memory_space<vmem>>, vector<400x64xf32>
    tpu.vector_store %arg9[%swap3A_41, %swap3A_42], %slice3A_40 {strides = array<i32>} : memref<400x64xf32, #tpu.memory_space<vmem>>, vector<400x64xf32>,
    return
  }
  func.func @transform_0(%arg0: i32) -> (i32, i32) {
    %c0_i32 = arith.constant 0 : i32
    %c0_i32_0 = arith.constant 0 : i32
    return %arg0, %c0_i32 : i32, i32
  }
  func.func @transform_1(%arg0: i32) -> (i32, i32) {
    %c0_i32 = arith.constant 0 : i32
    %c0_i32_0 = arith.constant 0 : i32
    return %arg0, %c0_i32 : i32, i32
  }
  func.func @transform_2(%arg0: i32) -> (i32, i32) {
    %c0_i32 = arith.constant 0 : i32
    %c0_i32_0 = arith.constant 0 : i32
    return %arg0, %c0_i32 : i32, i32
  }
  func.func @transform_3(%arg0: i32) -> (i32, i32) {
    %c0_i32 = arith.constant 0 : i32
    %c0_i32_0 = arith.constant 0 : i32
    return %arg0, %c0_i32 : i32, i32
  }
  func.func @transform_4(%arg0: i32) -> (i32, i32, i32) {
    %c0_i32 = arith.constant 0 : i32
    %c0_i32_0 = arith.constant 0 : i32
    %c0_i32_1 = arith.constant 0 : i32
    return %c0_i32, %arg0, %c0_i32_0 : i32, i32, i32
  }
  func.func @transform_5(%arg0: i32) -> (i32, i32) {
    %c0_i32 = arith.constant 0 : i32
    %c0_i32_0 = arith.constant 0 : i32
    %c0_i32_1 = arith.constant 0 : i32
    return %c0_i32, %c0_i32_0 : i32, i32
  }
  func.func @transform_6(%arg0: i32) -> (i32, i32) {
    %c0_i32 = arith.constant 0 : i32
    %c0_i32_0 = arith.constant 0 : i32
    %c0_i32_1 = arith.constant 0 : i32
    return %c0_i32, %c0_i32_0 : i32, i32
  }
  func.func @transform_7(%arg0: i32) -> (i32, i32) {
    %c0_i32 = arith.constant 0 : i32
    %c0_i32_0 = arith.constant 0 : i32
    return %arg0, %c0_i32 : i32, i32
  }
  func.func @transform_8(%arg0: i32) -> (i32, i32) {
    %c0_i32 = arith.constant 0 : i32
    %c0_i32_0 = arith.constant 0 : i32
    return %arg0, %c0_i32 : i32, i32
  }
}

module attributes {stable_mosaic.version = 14 : i64} {
  func.func @_fin_body(%arg0: i32, %arg1: memref<400x64xf32, #tpu.memory_space<vmem>>, %arg2: memref<400x64xf32, #tpu.memory_space<vmem>>, %arg3: memref<2x400x1xf32, #tpu.memory_space<vmem>>, %arg4: memref<1x128xf32, #tpu.memory_space<vmem>>, %arg5: memref<400x128xf32, #tpu.memory_space<vmem>>) attributes {dimension_semantics = [#tpu.dimension_semantics<arbitrary>], iteration_bounds = array<i64: 25>, scalar_prefetch = 0 : i64, scratch_operands = 0 : i64, tpu.core_type = #tpu.core_type<tc>, window_params = [{transform_indices = @transform_0, window_bounds = array<i64: 400, 64>}, {transform_indices = @transform_1, window_bounds = array<i64: 400, 64>}, {transform_indices = @transform_2, window_bounds = array<i64: 2, 400, 1>}, {pipeline_mode = #tpu.pipeline_mode<synchronous>, transform_indices = @transform_3, window_bounds = array<i64: 1, 128>}, {transform_indices = @transform_4, window_bounds = array<i64: 400, 128>}]} {
    %get3A = arith.constant 0 : index
    %get3A_0 = arith.constant 0 : index
    %get3A_1 = arith.constant 0 : index
    %get3A_2 = vector.load %arg3[%get3A, %get3A_0, %get3A_1] : memref<2x400x1xf32, #tpu.memory_space<vmem>>, vector<1x400x1xf32>
    %get3A_3 = vector.shape_cast %get3A_2 : vector<1x400x1xf32> to vector<400x1xf32>
    %get3A_4 = arith.constant 1 : index
    %get3A_5 = arith.constant 0 : index
    %get3A_6 = arith.constant 0 : index
    %get3A_7 = vector.load %arg3[%get3A_4, %get3A_5, %get3A_6] : memref<2x400x1xf32, #tpu.memory_space<vmem>>, vector<1x400x1xf32>
    %get3A_8 = vector.shape_cast %get3A_7 : vector<1x400x1xf32> to vector<400x1xf32>
    %add3A = arith.addf %get3A_3, %get3A_8 : vector<400x1xf32>
    %add3A_9 = arith.constant 1.000000e+00 : f32
    %add3A_10 = vector.broadcast %add3A_9 : f32 to vector<400x1xf32>
    %add3A_11 = arith.addf %add3A, %add3A_10 : vector<400x1xf32>
    %rsqrt3A = math.rsqrt %add3A_11 : vector<400x1xf32>
    %get3A_12 = arith.constant 0 : index
    %get3A_13 = arith.constant 0 : index
    %get3A_14 = vector.load %arg1[%get3A_12, %get3A_13] : memref<400x64xf32, #tpu.memory_space<vmem>>, vector<400x64xf32>
    %get3A_15 = arith.constant 0 : index
    %get3A_16 = arith.constant 0 : index
    %get3A_17 = vector.load %arg2[%get3A_15, %get3A_16] : memref<400x64xf32, #tpu.memory_space<vmem>>, vector<400x64xf32>
    %concatenate3A = tpu.concatenate %get3A_14, %get3A_17 in 1 : vector<400x64xf32>, vector<400x64xf32> -> vector<400x128xf32>
    %mul3A = vector.broadcast %rsqrt3A : vector<400x1xf32> to vector<400x128xf32>
    %mul3A_18 = arith.mulf %concatenate3A, %mul3A : vector<400x128xf32>
    %get3A_19 = arith.constant 0 : index
    %get3A_20 = arith.constant 0 : index
    %get3A_21 = vector.load %arg4[%get3A_19, %get3A_20] : memref<1x128xf32, #tpu.memory_space<vmem>>, vector<1x128xf32>
    %add3A_22 = vector.broadcast %get3A_21 : vector<1x128xf32> to vector<400x128xf32>
    %add3A_23 = arith.addf %mul3A_18, %add3A_22 : vector<400x128xf32>
    %swap3A = arith.constant 0 : index
    %swap3A_24 = arith.constant 0 : index
    %swap3A_25 = vector.load %arg5[%swap3A, %swap3A_24] : memref<400x128xf32, #tpu.memory_space<vmem>>, vector<400x128xf32>
    tpu.vector_store %arg5[%swap3A, %swap3A_24], %add3A_23 {strides = array<i32>} : memref<400x128xf32, #tpu.memory_space<vmem>>, vector<400x128xf32>,
    return
  }
  func.func @transform_0(%arg0: i32) -> (i32, i32) {
    %c0_i32 = arith.constant 0 : i32
    %c0_i32_0 = arith.constant 0 : i32
    return %arg0, %c0_i32 : i32, i32
  }
  func.func @transform_1(%arg0: i32) -> (i32, i32) {
    %c0_i32 = arith.constant 0 : i32
    %c0_i32_0 = arith.constant 0 : i32
    return %arg0, %c0_i32 : i32, i32
  }
  func.func @transform_2(%arg0: i32) -> (i32, i32, i32) {
    %c0_i32 = arith.constant 0 : i32
    %c0_i32_0 = arith.constant 0 : i32
    %c0_i32_1 = arith.constant 0 : i32
    return %c0_i32, %arg0, %c0_i32_0 : i32, i32, i32
  }
  func.func @transform_3(%arg0: i32) -> (i32, i32) {
    %c0_i32 = arith.constant 0 : i32
    %c0_i32_0 = arith.constant 0 : i32
    %c0_i32_1 = arith.constant 0 : i32
    return %c0_i32, %c0_i32_0 : i32, i32
  }
  func.func @transform_4(%arg0: i32) -> (i32, i32) {
    %c0_i32 = arith.constant 0 : i32
    %c0_i32_0 = arith.constant 0 : i32
    return %arg0, %c0_i32 : i32, i32
  }
}

</mosaic_0001>

<sc_bundles>
// kernel: kernel.11.cloned.1.call-start
scs
__scs_entry_jumppad:
0x0: {  	(pc) =	sbr.rel $0x88, $3  }
0x1: {  	(tag) =	ssettag $0x0;
	lr =	simm.s32 $0x1  }
0x2: {  	[smem:$0x3F9B] =	sst lr;
	_ =	strace $0xD0000000  }
0x3: {  	_ = 	snop  }
0x4: {  	_ = 	snop  }
0x5: {  	_ = 	snop  }
0x6: {  	_ = 	snop  }
0x7: {  	_ = 	snop  }
__scs_overlays_trampoline_lowered:
0x8: {  	[smem:$0x3FAA] =	sst s0  }
0x9: {  	[smem:$0x3FAB] =	sst s1  }
0xa: {  	[smem:$0x3FAC] =	sst s2  }
0xb: {  	[smem:$0x3FAD] =	sst s3  }
0xc: {  	[smem:$0x3FAE] =	sst s4  }
0xd: {  	[smem:$0x3FAF] =	sst s5  }
0xe: {  	[smem:$0x3FB0] =	sst s6  }
0xf: {  	[smem:$0x3FB1] =	sst s7  }
0x10: {  	[smem:$0x3FB2] =	sst s8  }
0x11: {  	[smem:$0x3FB3] =	sst s9;
	s0 =	simm.s32 @!p0 $0x0  }
0x12: {  	s1 =	sld [smem:$0x3F99];
	s0 =	simm.s32 @p0 $0x1  }
0x13: {  	[smem:$0x3FB4] =	sst s0;
	s0 =	simm.s32 @!p1 $0x0  }
0x14: {  	s2 =	sld [smem:$0x3F98];
	s0 =	simm.s32 @p1 $0x1  }
0x15: {  	[smem:$0x3FB5] =	sst s0;
	s0 =	simm.s32 @!p2 $0x0  }
0x16: {  	s3 =	sld [smem:$0x3FDB];
	s0 =	simm.s32 @p2 $0x1  }
0x17: {  	s4 =	simm.s32 $0x1BF5;
	[smem:$0x3FB7] =	sst s0  }
0x18: {  	s0 =	sld [smem:$0x3F9A];
	_ =	swait.ge [sflag:s4], $0x0  }
0x19: {  	s7 =	sld [smem:$0x3F9B]  }
0x1a: {  	s8 =	sadd.s32 $0xFFFFE003, lr  }
0x1b: {  	s9 =	sadd.s32 $0xFFFFFEF7, lr;
	s5 =	simm.s32 $0xFFFFFFFF;
	p2 =	slt.u32 s8, $0xFFFFF086  }
0x1c: {  	p1 =	slt.u32 s9, $0xF7A;
	s5 =	simm.s32 @!p2 $0x0  }
0x1d: {  	s5 =	simm.s32 @p1 $0x1;
	p0 =	seq.s32 s7, s2  }
0x1e: {  	s7 =	smul.u32 @!p0 $0xF7A, s2;
	p2 =	seq.s32 @!p0 s5, $0x0  }
0x1f: {  	s9 =	smul.u32 $0xF7A, s1;
	s8 =	simm.s32 @!p0 $0x1BF5;
	p2 =	por !p2, p0  }
0x20: {  	[sflag:s8] =	ssyncset.s32 @!p0 $0xFFFFF086;
	s6 =	sadd.s32 @!p0 s3, s7;
	s7 =	simm.s32 @!p0 $0x108  }
0x21: {  	s3 =	sadd.s32 s3, s9;
	s6 =	sadd.s32 @!p0 $0x88, s6;
	s7 =	simm.s32 @p2 $0x1082  }
0x22: {  	[simem:s7], [sflag:s8] =	dma.local @!p0 [hbm:s6], $0xF7A  }
0x23: {  	s9 =	sor.u32 $0xD0000000, s2;
	s6 =	simm.s32 $0x108;
	_ =	swait.ge @!p0 [sflag:s8], $0x0  }
0x24: {  	s3 =	sadd.s32 $0x88, s3;
	s6 =	simm.s32 @!p1 $0x1082;
	[sflag:s4] =	ssyncset.s32 $0xFFFFF086  }
0x25: {  	[simem:s6], [sflag:s4] =	dma.local [hbm:s3], $0xF7A  }
0x26: {  	[smem:$0x3F9B] =	sst s1;
	(tag) =	ssettag s2;
	_ =	strace s9  }
0x27: {  	s1 =	sld [smem:$0x3FAB]  }
0x28: {  	s2 =	sld [smem:$0x3FAC]  }
0x29: {  	s4 =	sld [smem:$0x3FAE]  }
0x2a: {  	p0 =	seq.s32 s5, $0x0;
	s5 =	sld [smem:$0x3FAF]  }
0x2b: {  	s6 =	sld [smem:$0x3FB0]  }
0x2c: {  	s7 =	sld [smem:$0x3FB1]  }
0x2d: {  	s3 =	simm.s32 $0x108;
	s8 =	sld [smem:$0x3FB2]  }
0x2e: {  	s3 =	simm.s32 @!p0 $0x1082;
	s9 =	sld [smem:$0x3FB3]  }
0x2f: {  	lr =	sadd.s32 s0, s3;
	s0 =	sld [smem:$0x3FAA]  }
0x30: {  	s3 =	sld [smem:$0x3FAD]  }
0x31: {  	[smem:$0x3FB6] =	sst s10  }
0x32: {  	s10 =	sld [smem:$0x3FB4];
	_ =	sdelay $0x3  }
0x33: {  	p0 =	seq.s32 s10, $0x1;
	s10 =	sld [smem:$0x3FB6];
	_ =	sdelay $0x3  }
0x34: {  	[smem:$0x3FB6] =	sst s10  }
0x35: {  	s10 =	sld [smem:$0x3FB5];
	_ =	sdelay $0x3  }
0x36: {  	p1 =	seq.s32 s10, $0x1;
	s10 =	sld [smem:$0x3FB6];
	_ =	sdelay $0x3  }
0x37: {  	[smem:$0x3FB6] =	sst s10  }
0x38: {  	s10 =	sld [smem:$0x3FB7]  }
0x39: {  	_ = 	snop;
	(pc) =	sbr.ind lr, $3  }
0x3a: {  	_ = 	snop  }
0x3b: {  	_ = 	snop  }
0x3c: {  	p2 =	seq.s32 s10, $0x1;
	s10 =	sld [smem:$0x3FB6]  }
0x3d: {  	_ =	shalt  }
0x3e: {  	_ =	shalt  }
0x3f: {  	_ =	shalt  }
0x40: {  	_ =	shalt  }
0x41: {  	_ =	shalt  }
0x42: {  	_ =	shalt  }
0x43: {  	_ =	shalt  }
0x44: {  	_ =	shalt  }
0x45: {  	_ =	shalt  }
0x46: {  	_ =	shalt  }
0x47: {  	_ =	shalt  }
0x48: {  	_ =	shalt  }
0x49: {  	_ =	shalt  }
0x4a: {  	_ =	shalt  }
0x4b: {  	_ =	shalt  }
0x4c: {  	_ =	shalt  }
0x4d: {  	_ =	shalt  }
0x4e: {  	_ =	shalt  }
0x4f: {  	_ =	shalt  }
0x50: {  	_ =	shalt  }
0x51: {  	_ =	shalt  }
0x52: {  	_ =	shalt  }
0x53: {  	_ =	shalt  }
0x54: {  	_ =	shalt  }
0x55: {  	_ =	shalt  }
0x56: {  	_ =	shalt  }
0x57: {  	_ =	shalt  }
0x58: {  	_ =	shalt  }
0x59: {  	_ =	shalt  }
0x5a: {  	_ =	shalt  }
0x5b: {  	_ =	shalt  }
0x5c: {  	_ =	shalt  }
0x5d: {  	_ =	shalt  }
0x5e: {  	_ =	shalt  }
0x5f: {  	_ =	shalt  }
0x60: {  	_ =	shalt  }
0x61: {  	_ =	shalt  }
0x62: {  	_ =	shalt  }
0x63: {  	_ =	shalt  }
0x64: {  	_ =	shalt  }
0x65: {  	_ =	shalt  }
0x66: {  	_ =	shalt  }
0x67: {  	_ =	shalt  }
0x68: {  	_ =	shalt  }
0x69: {  	_ =	shalt  }
0x6a: {  	_ =	shalt  }
0x6b: {  	_ =	shalt  }
0x6c: {  	_ =	shalt  }
0x6d: {  	_ =	shalt  }
0x6e: {  	_ =	shalt  }
0x6f: {  	_ =	shalt  }
0x70: {  	_ =	shalt  }
0x71: {  	_ =	shalt  }
0x72: {  	_ =	shalt  }
0x73: {  	_ =	shalt  }
0x74: {  	_ =	shalt  }
0x75: {  	_ =	shalt  }
0x76: {  	_ =	shalt  }
0x77: {  	_ =	shalt  }
0x78: {  	_ =	shalt  }
0x79: {  	_ =	shalt  }
0x7a: {  	_ =	shalt  }
0x7b: {  	_ =	shalt  }
0x7c: {  	_ =	shalt  }
0x7d: {  	_ =	shalt  }
0x7e: {  	_ =	shalt  }
0x7f: {  	_ =	shalt  }
0x80: {  	_ =	shalt  }
0x81: {  	_ =	shalt  }
0x82: {  	_ =	shalt  }
0x83: {  	_ =	shalt  }
0x84: {  	_ =	shalt  }
0x85: {  	_ =	shalt  }
0x86: {  	_ =	shalt  }
0x87: {  	_ =	shalt  }
.Lfunc_end0:
.L_simem_size_0:
called_computation.1_lowered:
.L_overlay_start_0:
0x88: {  	s2 =	sld [smem:$0x3FD9]  }
0x89: {  	s3 =	sld [smem:$0x3FFE];
	_ =	sdelay $0x1  }
0x8a: {  	s1 =	srdreg.scid  }
0x8b: {  	s0 =	sand.u32 $0x1, s1  }
0x8c: {  	s17 =	sshll.u32 s0, $0xA;
	s2 =	sadd.s32 s3, s2  }
0x8d: {  	s2 =	sadd.s32 s2, s17  }
0x8e: {  	[smem:$0x3FC2] =	sst s2  }
0x8f: {  	_ = 	snop  }
0x90: {  	s2 =	sld [smem:$0x3FD0];
	(tm) =	ssettm $0x1  }
0x91: {  	s18 =	sld [smem:$0x3FFB];
	_ =	sdelay $0x3  }
0x92: {  	_ =	strace s18  }
0x93: {  	s3 =	sld [smem:$0x3FFC];
	_ =	sdelay $0x3  }
0x94: {  	_ =	strace s3  }
0x95: {  	s3 =	sld [smem:$0x3FFD];
	_ =	sdelay $0x3  }
0x96: {  	_ =	strace s3  }
0x97: {  	_ =	strace $0x8FFFFFFF  }
0x98: {  	s19 =	sld [smem:$0x3FDB];
	_ =	sdelay $0x1  }
0x99: {  	s4 =	simm.s32 $_scs_section_size  }
0x9a: {  	s5 =	simm.s32 $_size__tile_overlayer_lowered;
	s6 =	simm.s32 $_tile_overlayer_lowered  }
0x9b: {  	s22 =	simm.s32 $0x1BFF;
	s21 =	sshll.u32 s6, $0x1;
	s3 =	sadd.s32 s4, s19  }
0x9c: {  	s7 =	simm.s32 $0x0;
	s20 =	sshll.u32 s5, $0x1;
	s5 =	sadd.s32 s21, s3  }
0x9d: {  	[timem:s7], [sflag:s22] =	dma.local [hbm:s5], s20  }
0x9e: {  	_ =	swait.ge [sflag:s22], s20  }
0x9f: {  	s4 =	ssub.s32 $0x0, s20;
	[sflag:s22] =	ssyncset.done $0x0  }
0xa0: {  	[sflag:s22] =	ssyncadd.s32 s4;
	_ =	sdelay $0x1  }
0xa1: {  	s23 =	simm.s32 $0x1B8B  }
0xa2: {  	_ =	swait.ge [sflag:s23], $0x1  }
0xa3: {  	[sflag:s23] =	ssyncset.done $0x0  }
0xa4: {  	s25 =	simm.s32 $0x1B8E;
	s24 =	sld [smem:$0x3FFE];
	[sflag:s23] =	ssyncadd.s32 $0xFFFFFFFF  }
0xa5: {  	s26 =	simm.s32 $execute0_lowered;
	[smem:$0x3FD2] =	sst s25  }
0xa6: {  	s5 =	sshll.u32 s26, $0x1;
	_ =	strace $0x80000049;
	[dreg:$0x1] =	wrdreg $0xFFFFFFFF  }
0xa7: {  	s28 =	simm.s32 $_size_execute0_lowered;
	s3 =	sadd.s32 s3, s5;
	[dreg:$0x0] =	wrdreg $0x0  }
0xa8: {  	s5 =	sshll.u32 s28, $0x1;
	[dreg:$0x2] =	wrdreg s3  }
0xa9: {  	[dreg:$0x3] =	wrdreg s5  }
0xaa: {  	[dreg:$0x4] =	wrdreg $0xC0  }
0xab: {  	_ =	task [dreg:s7], $0x5FFFF  }
0xac: {  	[dreg:$0x1] =	wrdreg $0xFFFFFFFF  }
0xad: {  	[dreg:$0x0] =	wrdreg $0x60  }
0xae: {  	[dreg:$0x2] =	wrdreg s24  }
0xaf: {  	[dreg:$0x3] =	wrdreg s2  }
0xb0: {  	[dreg:$0x4] =	wrdreg $0x120000  }
0xb1: {  	[dreg:$0x5] =	wrdreg $0x9  }
0xb2: {  	_ =	task.clear_ibuf [dreg:s7], $0x6FFFF;
	_ =	strace $0x90000049  }
0xb3: {  	s29 =	simm.s32 $0x9;
	_ =	strace $0x8000004B  }
0xb4: {  	_ =	swait.ge [sflag:s29], $0x1  }
0xb5: {  	[sflag:s29] =	ssyncadd.s32 $0xFFFFFFFF  }
0xb6: {  	_ =	strace $0x9000004B  }
0xb7: {  	_ =	sfence  }
0xb8: {  	s30 =	sld [smem:$0x0];
	_ =	sdelay $0x2  }
0xb9: {  	s31 =	sshll.u32 s1, $0xD;
	s1 =	sshrl.u32 s1, $0x2  }
0xba: {  	s3 =	sand.u32 $0x4000, s31;
	s1 =	sadd.s32 s1, s30  }
0xbb: {  	s0 =	sor.u32 s3, s0;
	s1 =	sshll.u32 s1, $0x11  }
0xbc: {  	s0 =	sor.u32 s1, s0  }
0xbd: {  	s0 =	sadd.s32 $0x8F2B, s0  }
0xbe: {  	[sflag:s0] =	ssyncadd.remote.s32 $0x1  }
0xbf: {  	_ =	sfence.sel $0xFFFF  }
0xc0: {  	[dreg:$0x0] =	wrdreg $0xFFFFFFFF;
	(pc) =	sbr.abs _section_cstart, $3  }
0xc1: {  	[dreg:$0x1] =	wrdreg $0xFFFFFFFF  }
0xc2: {  	_ =	task.clear_ibuf [dreg:s7], $0x2FFFF;
	_ =	strace $0x9FFFFFFF  }
0xc3: {  	(tm) =	ssettm $0x7FFFFFFF  }
tec
execute0_lowered:
.L_overlay_start_1:
0x0: {  	(tag) =	ssettag $0x1  }
0x1: {  	s0 =	rddreg [dreg:$0x0]  }
0x2: {  	s2 =	rddreg [dreg:$0x1]  }
0x3: {  	s3 =	rddreg [dreg:$0x2]  }
0x4: {  	s13 =	stileid.u32;
	s4 =	simm.s32 $0x0;
	s26 =	srdreg.scid  }
0x5: {  	s1 =	smul.u32 $0xA00, s13;
	[smem:$0x7FF] =	sst s4;
	s5 =	sadd.s32 $0x64E00, s0  }
0x6: {  	s9 =	smul.u32 $0x9C00, s13;
	s6 =	sand.u32 $0x1, s26;
	s18 =	sadd.s32 $0xB2080, s0  }
0x7: {  	s19 =	sadd.s32 $0x9E680, s0;
	_ =	strace $0x8000004A;
	[dreg:$0xd] =	wrdreg s18  }
0x8: {  	s7 =	sadd.s32 $0x78800, s0;
	s24 =	sadd.s32 $0xC5A80, s0;
	[dreg:$0xe] =	wrdreg s19  }
0x9: {  	s8 =	sadd.s32 $0x8C200, s0;
	s25 =	sadd.s32 $0x8AC80, s0;
	[dreg:$0x13] =	wrdreg s24  }
0xa: {  	s12 =	smul.u32 $0x27000, s13;
	s26 =	sadd.s32 $0xECE80, s0;
	[dreg:$0x14] =	wrdreg s25  }
0xb: {  	s4 =	ssub.s32 $0x2, s6;
	p1 =	seq.s32 s6, $0x0;
	[dreg:$0x15] =	wrdreg s26  }
0xc: {  	p0 =	sne.s32 s6, $0x0;
	s29 =	smov.u32 s5;
	s31 =	smov.u32 s8  }
0xd: {  	s18 =	simm.s32 $0x1;
	s19 =	simm.s32 $0x2;
	s24 =	simm.s32 $0x8  }
0xe: {  	s25 =	simm.s32 $0x0;
	s1 =	sadd.s32 s1, s0;
	s10 =	sshrl.u32 s9, $0x3  }
0xf: {  	s11 =	sshrl.u32 s4, $0x1;
	s30 =	sshrl.u32 s12, $0x2;
	s9 =	sadd.s32 s9, s3  }
0x10: {  	s12 =	sadd.s32 $0x77280, s0;
	s29 =	smov.u32 @p1 s2;
	p2 =	seq.s32 @p0 s13, $0xF  }
0x11: {  	s31 =	smov.u32 @p1 s7;
	p4 =	seq.s32 @!p0 s13, $0xF;
	[dreg:$0x6] =	wrdreg s9  }
0x12: {  	s14 =	sadd.s32 s10, s0;
	s28 =	sadd.s32 $0xCC00, s1;
	[dreg:$0x9] =	wrdreg s12  }
0x13: {  	s4 =	ssub.s32 s4, s11;
	s1 =	sadd.s32 $0x2C00, s1;
	[dreg:$0x4] =	wrdreg s28  }
0x14: {  	s11 =	sadd.s32 s5, s10;
	s15 =	sadd.s32 s2, s10;
	[dreg:$0x5] =	wrdreg s1  }
0x15: {  	s17 =	sadd.s32 s8, s10;
	s21 =	sadd.s32 s7, s10;
	[dreg:$0x7] =	wrdreg s11  }
0x16: {  	s0 =	sadd.s32 $0xD9480, s0;
	p1 =	por !p2, !p0;
	[dreg:$0xa] =	wrdreg s15  }
0x17: {  	p2 =	por p2, !p0;
	p3 =	por !p4, p0;
	[dreg:$0xc] =	wrdreg s17  }
0x18: {  	p4 =	por p4, p0;
	s10 =	simm.s32 $0x80;
	[dreg:$0x10] =	wrdreg s21  }
0x19: {  	s12 =	simm.s32 $0xC000;
	s1 =	sadd.s32 s30, s3;
	[dreg:$0x16] =	wrdreg s0  }
0x1a: {  	s16 =	sadd.s32 $0x9FC00, s14;
	s20 =	sadd.s32 $0xB3600, s14;
	[dreg:$0x8] =	wrdreg s1  }
0x1b: {  	s22 =	sadd.s32 $0xDAA00, s14;
	s23 =	sadd.s32 $0xC7000, s14;
	[dreg:$0xb] =	wrdreg s16  }
0x1c: {  	s28 =	smax.u32 s4, $0x1;
	s0 =	simm.s32 @!p0 $0x0;
	[dreg:$0xf] =	wrdreg s20  }
.Ltmp0:
0x1d: {  	s30 =	sadd.s32 $0x12480, s2;
	[dreg:$0x11] =	wrdreg s22;
	(pc) =	sbr.rel .LBB2_1-.Ltmp0, $4  }
0x1e: {  	s15 =	simm.s32 $0xE000;
	s17 =	simm.s32 $0x10000;
	[dreg:$0x12] =	wrdreg s23  }
0x1f: {  	s21 =	simm.s32 $0x4;
	[dreg:$0x17] =	wrdreg s28;
	s0 =	simm.s32 @p0 $0x1  }
0x20: {  	[dreg:$0x18] =	wrdreg s30;
	s1 =	simm.s32 $0xA000;
	s20 =	simm.s32 $0x3  }
0x21: {  	s22 =	simm.s32 $0x5;
	s23 =	simm.s32 $0x7;
	[smem:$0x7FD] =	sst s0  }
.LBB2_7:
0x22: {  	_ =	swait.ge [sflag:s24], $0x2000  }
0x23: {  	[sflag:s24] =	ssyncset.done $0x0  }
0x24: {  	[sflag:s24] =	ssyncadd.s32 $0xFFFFE000  }
0x25: {  	[bflag:$0x0] =	sbarrier.arrive $0xFFFF  }
0x26: {  	s9 =	rddreg [dreg:$0x15]  }
0x27: {  	s4 =	simm.s32 @!p1 $0x1FC9;
	s11 =	rddreg [dreg:$0x19]  }
0x28: {  	[hbm:s9], [sflag:s4] =	dma.local @!p1 [spmem:s11], $0x1400  }
0x29: {  	s4 =	simm.s32 @!p1 $0x9  }
0x2a: {  	_ =	swait.ge @!p1 [sflag:s4], $0x1400  }
0x2b: {  	[sflag:s4] =	ssyncset.done @!p1 $0x0;
	s9 =	rddreg [dreg:$0x1a]  }
0x2c: {  	[sflag:s4] =	ssyncadd.s32 @!p1 $0xFFFFEC00;
	s4 =	rddreg [dreg:$0x11]  }
0x2d: {  	[hbm:s4], [sflag:s9] =	dma.local @!p2 [spmem:s30], $0x1380  }
0x2e: {  	s4 =	simm.s32 @!p2 $0x9  }
0x2f: {  	_ =	swait.ge @!p2 [sflag:s4], $0x1380  }
0x30: {  	[sflag:s4] =	ssyncset.done @!p2 $0x0  }
0x31: {  	s9 =	rddreg [dreg:$0x16];
	[sflag:s4] =	ssyncadd.s32 @!p2 $0xFFFFEC80;
	s4 =	simm.s32 @!p3 $0x1FC9  }
0x32: {  	[hbm:s9], [sflag:s4] =	dma.local @!p3 [spmem:s0], $0x1400  }
0x33: {  	s0 =	simm.s32 @!p3 $0x9  }
0x34: {  	_ =	swait.ge @!p3 [sflag:s0], $0x1400  }
0x35: {  	[sflag:s0] =	ssyncset.done @!p3 $0x0  }
0x36: {  	[sflag:s0] =	ssyncadd.s32 @!p3 $0xFFFFEC00;
	s0 =	rddreg [dreg:$0x12]  }
0x37: {  	[hbm:s0], [sflag:s14] =	dma.local @!p4 [spmem:s16], $0x1380  }
0x38: {  	s0 =	simm.s32 @!p4 $0x9  }
0x39: {  	_ =	swait.ge @!p4 [sflag:s0], $0x1380  }
0x3a: {  	s25 =	sadd.s32 $0x1, s25;
	s30 =	rddreg [dreg:$0x17]  }
0x3b: {  	p0 =	sne.s32 s25, s30  }
.Ltmp1:
0x3c: {  	_ = 	snop;
	(pc) =	sbr.rel @!p0 .LBB2_8-.Ltmp1, $3  }
0x3d: {  	_ =	sdelay $0x1  }
0x3e: {  	[sflag:s0] =	ssyncset.done @!p4 $0x0  }
0x3f: {  	[sflag:s0] =	ssyncadd.s32 @!p4 $0xFFFFEC80  }
.LBB2_1:
0x40: {  	s13 =	simm.s32 $0x0;
	s0 =	rddreg [dreg:$0x4];
	s4 =	simm.s32 $0x9  }
0x41: {  	[tilespmem:s13], [sflag:$0x9] =	stream.linear.gather [hbm4b:s0+s13], $0x5000, $0x38;
	[tilespmem:$0x1BE00] =	vst v63  }
0x42: {  	_ =	swait.ge [sflag:s4], $0x5000  }
0x43: {  	[sflag:s4] =	ssyncset.done $0x0  }
0x44: {  	s9 =	simm.s32 $0x5000;
	s28 =	rddreg [dreg:$0x5];
	[sflag:s4] =	ssyncadd.s32 $0xFFFFB000  }
0x45: {  	[tilespmem:s9], [sflag:$0x9] =	stream.linear.gather [hbm4b:s28+s13], $0x5000, $0x38;
	[tilespmem:$0x1BE00] =	vst v63  }
0x46: {  	_ =	swait.ge [sflag:s4], $0x5000  }
0x47: {  	[sflag:s4] =	ssyncset.done $0x0;
	s11 =	rddreg [dreg:$0x8]  }
0x48: {  	[sflag:s4] =	ssyncadd.s32 $0xFFFFB000;
	s9 =	sshrl.u32 @!p1 s11, $0x3;
	s4 =	rddreg [dreg:$0x9]  }
0x49: {  	s0 =	simm.s32 @!p1 $0x1FC9;
	[dreg:$0x19] =	wrdreg s9  }
0x4a: {  	[spmem:s9], [sflag:s0] =	dma.local @!p1 [hbm:s4], $0x1400  }
0x4b: {  	s0 =	simm.s32 @!p1 $0x9  }
0x4c: {  	s9 =	stileid.u32;
	_ =	swait.ge @!p1 [sflag:s0], $0x1400  }
0x4d: {  	s4 =	sshll.u32 @!p2 s9, $0x6;
	[sflag:s0] =	ssyncset.done @!p1 $0x0;
	s16 =	rddreg [dreg:$0x6]  }
0x4e: {  	s4 =	sor.u32 @!p2 $0x1C09, s4;
	[sflag:s0] =	ssyncadd.s32 @!p1 $0xFFFFEC00;
	s0 =	rddreg [dreg:$0x7]  }
0x4f: {  	s30 =	sshrl.u32 @!p2 s16, $0x3;
	[dreg:$0x1a] =	wrdreg s4  }
0x50: {  	[spmem:s30], [sflag:s4] =	dma.local @!p2 [hbm:s0], $0x1380  }
0x51: {  	s0 =	simm.s32 @!p2 $0x9  }
0x52: {  	_ =	swait.ge @!p2 [sflag:s0], $0x1380  }
0x53: {  	s4 =	simm.s32 @!p3 $0x1FC9;
	[sflag:s0] =	ssyncset.done @!p2 $0x0  }
0x54: {  	[sflag:s0] =	ssyncadd.s32 @!p2 $0xFFFFEC80;
	s0 =	sshrl.u32 @!p3 s11, $0x3;
	s11 =	rddreg [dreg:$0x18]  }
0x55: {  	[spmem:s0], [sflag:s4] =	dma.local @!p3 [hbm:s11], $0x1400  }
0x56: {  	s4 =	simm.s32 @!p3 $0x9  }
0x57: {  	_ =	swait.ge @!p3 [sflag:s4], $0x1400  }
0x58: {  	s16 =	sshrl.u32 @!p4 s16, $0x3;
	s11 =	sshll.u32 @!p4 s9, $0x6;
	[sflag:s4] =	ssyncset.done @!p3 $0x0  }
0x59: {  	s14 =	sor.u32 @!p4 $0x1C09, s11;
	[sflag:s4] =	ssyncadd.s32 @!p3 $0xFFFFEC00;
	s4 =	rddreg [dreg:$0xa]  }
0x5a: {  	[spmem:s16], [sflag:s14] =	dma.local @!p4 [hbm:s4], $0x1380  }
0x5b: {  	s4 =	simm.s32 @!p4 $0x9  }
0x5c: {  	_ =	swait.ge @!p4 [sflag:s4], $0x1380  }
0x5d: {  	s11 =	sld [smem:$0x7FD];
	_ =	sdelay $0x1  }
0x5e: {  	[sflag:s4] =	ssyncset.done @!p4 $0x0  }
0x5f: {  	[sflag:s4] =	ssyncadd.s32 @!p4 $0xFFFFEC80;
	s4 =	smov.u32 s2;
	p0 =	seq.s32 s11, $0x1  }
0x60: {  	[bflag:$0x0] =	sbarrier.arrive $0xFFFF;
	s4 =	smov.u32 @p0 s5  }
0x61: {  	[tilespmem:s1], [sflag:$0x1] =	stream.indirect.gather [hbm4b:s4+s10], $0x40, s13, s10, $0xb8;
	[tilespmem:$0x1BE00] =	vst v63  }
0x62: {  	_ = 	snop  }
0x63: {  	[tilespmem:s12], [sflag:$0x2] =	stream.indirect.gather [hbm4b:s4+s10], $0x40, s10, s10, $0xb8;
	[tilespmem:$0x1BE00] =	vst v63  }
0x64: {  	s26 =	simm.s32 $0x100  }
0x65: {  	[tilespmem:s15], [sflag:$0x3] =	stream.indirect.gather [hbm4b:s4+s10], $0x40, s26, s10, $0xb8;
	[tilespmem:$0x1BE00] =	vst v63  }
0x66: {  	s28 =	simm.s32 $0x180  }
0x67: {  	[tilespmem:s17], [sflag:$0x4] =	stream.indirect.gather [hbm4b:s4+s10], $0x40, s28, s10, $0xb8;
	[tilespmem:$0x1BE00] =	vst v63  }
0x68: {  	s4 =	simm.s32 $0x0  }
.LBB2_2:
0x69: {  	_ =	swait.ge [sflag:s18], $0x2000  }
0x6a: {  	s11 =	sshra.s32 s4, $0x2;
	[sflag:s18] =	ssyncset.done $0x0  }
0x6b: {  	s13 =	sadd.s32 $0x5000, s11;
	[sflag:s18] =	ssyncadd.s32 $0xFFFFE000  }
0x6c: {  	[spmem:s3] =	stream.indirect.scatter.add.f32 [tilespmem:s1], [sflag:$0x5], $0x40, s13, s10, $0xb8;
	[tilespmem:$0x1BE00] =	vst v63  }
0x6d: {  	_ =	swait.ge [sflag:s19], $0x2000  }
0x6e: {  	[sflag:s19] =	ssyncset.done $0x0  }
0x6f: {  	s9 =	sadd.s32 $0x5080, s11;
	[sflag:s19] =	ssyncadd.s32 $0xFFFFE000  }
0x70: {  	[spmem:s3] =	stream.indirect.scatter.add.f32 [tilespmem:s12], [sflag:$0x6], $0x40, s9, s10, $0xb8;
	[tilespmem:$0x1BE00] =	vst v63  }
0x71: {  	_ =	swait.ge [sflag:s20], $0x2000  }
0x72: {  	[sflag:s20] =	ssyncset.done $0x0  }
0x73: {  	s26 =	sadd.s32 $0x5100, s11;
	[sflag:s20] =	ssyncadd.s32 $0xFFFFE000  }
0x74: {  	[spmem:s3] =	stream.indirect.scatter.add.f32 [tilespmem:s15], [sflag:$0x7], $0x40, s26, s10, $0xb8;
	[tilespmem:$0x1BE00] =	vst v63  }
0x75: {  	_ =	swait.ge [sflag:s21], $0x2000  }
0x76: {  	[sflag:s21] =	ssyncset.done $0x0  }
0x77: {  	s28 =	sadd.s32 $0x5180, s11;
	[sflag:s21] =	ssyncadd.s32 $0xFFFFE000  }
0x78: {  	[spmem:s3] =	stream.indirect.scatter.add.f32 [tilespmem:s17], [sflag:$0x8], $0x40, s28, s10, $0xb8;
	[tilespmem:$0x1BE00] =	vst v63  }
0x79: {  	_ =	swait.ge [sflag:s22], $0x2000  }
0x7a: {  	p5 =	seq.s32 s4, $0x13800;
	[sflag:s22] =	ssyncset.done $0x0  }
0x7b: {  	s13 =	simm.s32 @p5 $0x6;
	[sflag:s22] =	ssyncadd.s32 $0xFFFFE000  }
0x7c: {  	_ =	swait.ge @p5 [sflag:s13], $0x2000  }
0x7d: {  	[sflag:s13] =	ssyncset.done @p5 $0x0  }
0x7e: {  	[sflag:s13] =	ssyncadd.s32 @p5 $0xFFFFE000;
	s13 =	sshra.s32 @!p5 s4, $0x2  }
0x7f: {  	s26 =	simm.s32 @!p5 $0x80;
	s28 =	simm.s32 @!p5 $0xA000;
	s9 =	sadd.s32 @!p5 $0x200, s13  }
0x80: {  	[tilespmem:s28], [sflag:$0x1] =	stream.indirect.gather @!p5 [hbm4b:s29+s26], $0x40, s9, s26, $0xb8;
	[tilespmem:$0x1BE00] =	vst v63  }
0x81: {  	p6 =	sne.s32 @!p5 s6, $0x0;
	s9 =	simm.s32 @!p5 $0x6  }
0x82: {  	p0 =	por !p6, p5;
	_ =	swait.ge @!p5 [sflag:s9], $0x2000  }
0x83: {  	s26 =	simm.s32 @!p0 $0xC000;
	[sflag:s9] =	ssyncset.done @!p5 $0x0  }
0x84: {  	[sflag:s9] =	ssyncadd.s32 @!p5 $0xFFFFE000;
	s9 =	sadd.s32 @!p5 $0x280, s13;
	s13 =	simm.s32 @!p0 $0x80  }
0x85: {  	[tilespmem:s26], [sflag:$0x2] =	stream.indirect.gather @!p0 [hbm4b:s5+s13], $0x40, s9, s13, $0xb8;
	[tilespmem:$0x1BE00] =	vst v63  }
0x86: {  	p0 =	por p6, p5  }
.Ltmp2:
0x87: {  	s13 =	simm.s32 @!p0 $0x80;
	s26 =	simm.s32 @!p0 $0xC000;
	(pc) =	sbr.rel @p5 .LBB2_4-.Ltmp2, $4  }
0x88: {  	[tilespmem:s26], [sflag:$0x2] =	stream.indirect.gather @!p0 [hbm4b:s2+s13], $0x40, s9, s13, $0xb8;
	[tilespmem:$0x1BE00] =	vst v63  }
0x89: {  	_ =	swait.ge [sflag:s23], $0x2000  }
0x8a: {  	[sflag:s23] =	ssyncset.done $0x0  }
0x8b: {  	[sflag:s23] =	ssyncadd.s32 $0xFFFFE000  }
0x8c: {  	s9 =	sadd.s32 $0x300, s11  }
0x8d: {  	[tilespmem:s15], [sflag:$0x3] =	stream.indirect.gather [hbm4b:s29+s10], $0x40, s9, s10, $0xb8;
	[tilespmem:$0x1BE00] =	vst v63  }
.Ltmp3:
0x8e: {  	_ = 	snop;
	(pc) =	sbr.rel .LBB2_2-.Ltmp3, $4  }
0x8f: {  	_ =	swait.ge [sflag:s24], $0x2000  }
0x90: {  	[sflag:s24] =	ssyncset.done $0x0  }
0x91: {  	s28 =	sadd.s32 $0x380, s11;
	s4 =	sadd.s32 $0x800, s4;
	[sflag:s24] =	ssyncadd.s32 $0xFFFFE000  }
0x92: {  	[tilespmem:s17], [sflag:$0x4] =	stream.indirect.gather [hbm4b:s29+s10], $0x40, s28, s10, $0xb8;
	[tilespmem:$0x1BE00] =	vst v63  }
.LBB2_4:
0x93: {  	_ =	swait.ge [sflag:s24], $0x2000  }
0x94: {  	[sflag:s24] =	ssyncset.done $0x0  }
0x95: {  	[sflag:s24] =	ssyncadd.s32 $0xFFFFE000  }
0x96: {  	[bflag:$0x0] =	sbarrier.arrive $0xFFFF  }
0x97: {  	s9 =	rddreg [dreg:$0xd]  }
0x98: {  	s4 =	simm.s32 @!p1 $0x1FC9;
	s13 =	rddreg [dreg:$0x19]  }
0x99: {  	[hbm:s9], [sflag:s4] =	dma.local @!p1 [spmem:s13], $0x1400  }
0x9a: {  	s9 =	simm.s32 @!p1 $0x9  }
0x9b: {  	_ =	swait.ge @!p1 [sflag:s9], $0x1400  }
0x9c: {  	[sflag:s9] =	ssyncset.done @!p1 $0x0  }
0x9d: {  	s11 =	rddreg [dreg:$0xe];
	[sflag:s9] =	ssyncadd.s32 @!p1 $0xFFFFEC00  }
0x9e: {  	[spmem:s13], [sflag:s4] =	dma.local @!p1 [hbm:s11], $0x1400  }
0x9f: {  	_ =	swait.ge @!p1 [sflag:s9], $0x1400  }
0xa0: {  	[sflag:s9] =	ssyncset.done @!p1 $0x0;
	s4 =	rddreg [dreg:$0xb]  }
0xa1: {  	s11 =	rddreg [dreg:$0x1a];
	[sflag:s9] =	ssyncadd.s32 @!p1 $0xFFFFEC00  }
0xa2: {  	[hbm:s4], [sflag:s11] =	dma.local @!p2 [spmem:s30], $0x1380  }
0xa3: {  	s4 =	simm.s32 @!p2 $0x9  }
0xa4: {  	_ =	swait.ge @!p2 [sflag:s4], $0x1380  }
0xa5: {  	[sflag:s4] =	ssyncset.done @!p2 $0x0  }
0xa6: {  	s9 =	rddreg [dreg:$0xc];
	[sflag:s4] =	ssyncadd.s32 @!p2 $0xFFFFEC80  }
0xa7: {  	[spmem:s30], [sflag:s11] =	dma.local @!p2 [hbm:s9], $0x1380  }
0xa8: {  	_ =	swait.ge @!p2 [sflag:s4], $0x1380  }
0xa9: {  	[sflag:s4] =	ssyncset.done @!p2 $0x0  }
0xaa: {  	s9 =	rddreg [dreg:$0x13];
	[sflag:s4] =	ssyncadd.s32 @!p2 $0xFFFFEC80;
	s4 =	simm.s32 @!p3 $0x1FC9  }
0xab: {  	[hbm:s9], [sflag:s4] =	dma.local @!p3 [spmem:s0], $0x1400  }
0xac: {  	s9 =	simm.s32 @!p3 $0x9  }
0xad: {  	_ =	swait.ge @!p3 [sflag:s9], $0x1400  }
0xae: {  	[sflag:s9] =	ssyncset.done @!p3 $0x0  }
0xaf: {  	s11 =	rddreg [dreg:$0x14];
	[sflag:s9] =	ssyncadd.s32 @!p3 $0xFFFFEC00  }
0xb0: {  	[spmem:s0], [sflag:s4] =	dma.local @!p3 [hbm:s11], $0x1400  }
0xb1: {  	_ =	swait.ge @!p3 [sflag:s9], $0x1400  }
0xb2: {  	[sflag:s9] =	ssyncset.done @!p3 $0x0  }
0xb3: {  	s4 =	rddreg [dreg:$0xf];
	[sflag:s9] =	ssyncadd.s32 @!p3 $0xFFFFEC00  }
0xb4: {  	[hbm:s4], [sflag:s14] =	dma.local @!p4 [spmem:s16], $0x1380  }
0xb5: {  	s4 =	simm.s32 @!p4 $0x9  }
0xb6: {  	_ =	swait.ge @!p4 [sflag:s4], $0x1380  }
0xb7: {  	[sflag:s4] =	ssyncset.done @!p4 $0x0  }
0xb8: {  	s9 =	rddreg [dreg:$0x10];
	[sflag:s4] =	ssyncadd.s32 @!p4 $0xFFFFEC80  }
0xb9: {  	[spmem:s16], [sflag:s14] =	dma.local @!p4 [hbm:s9], $0x1380  }
0xba: {  	_ =	swait.ge @!p4 [sflag:s4], $0x1380  }
0xbb: {  	s13 =	sld [smem:$0x7FD];
	_ =	sdelay $0x1  }
0xbc: {  	[sflag:s4] =	ssyncset.done @!p4 $0x0  }
0xbd: {  	s9 =	smov.u32 s7;
	[sflag:s4] =	ssyncadd.s32 @!p4 $0xFFFFEC80;
	p0 =	seq.s32 s13, $0x1  }
0xbe: {  	s4 =	simm.s32 $0x0;
	[bflag:$0x0] =	sbarrier.arrive $0xFFFF;
	s9 =	smov.u32 @p0 s8  }
0xbf: {  	[tilespmem:s1], [sflag:$0x1] =	stream.indirect.gather [hbm4b:s9+s10], $0x40, s4, s10, $0xb8;
	[tilespmem:$0x1BE00] =	vst v63  }
0xc0: {  	_ = 	snop  }
0xc1: {  	[tilespmem:s12], [sflag:$0x2] =	stream.indirect.gather [hbm4b:s9+s10], $0x40, s10, s10, $0xb8;
	[tilespmem:$0x1BE00] =	vst v63  }
0xc2: {  	s26 =	simm.s32 $0x100  }
0xc3: {  	[tilespmem:s15], [sflag:$0x3] =	stream.indirect.gather [hbm4b:s9+s10], $0x40, s26, s10, $0xb8;
	[tilespmem:$0x1BE00] =	vst v63  }
0xc4: {  	s28 =	simm.s32 $0x180  }
0xc5: {  	[tilespmem:s17], [sflag:$0x4] =	stream.indirect.gather [hbm4b:s9+s10], $0x40, s28, s10, $0xb8;
	[tilespmem:$0x1BE00] =	vst v63  }
.LBB2_5:
0xc6: {  	_ =	swait.ge [sflag:s18], $0x2000  }
0xc7: {  	s11 =	sshra.s32 s4, $0x2;
	[sflag:s18] =	ssyncset.done $0x0  }
0xc8: {  	s9 =	sadd.s32 $0x5000, s11;
	[sflag:s18] =	ssyncadd.s32 $0xFFFFE000  }
0xc9: {  	[spmem:s3] =	stream.indirect.scatter.add.f32 [tilespmem:s1], [sflag:$0x5], $0x40, s9, s10, $0xb8;
	[tilespmem:$0x1BE00] =	vst v63  }
0xca: {  	_ =	swait.ge [sflag:s19], $0x2000  }
0xcb: {  	[sflag:s19] =	ssyncset.done $0x0  }
0xcc: {  	s13 =	sadd.s32 $0x5080, s11;
	[sflag:s19] =	ssyncadd.s32 $0xFFFFE000  }
0xcd: {  	[spmem:s3] =	stream.indirect.scatter.add.f32 [tilespmem:s12], [sflag:$0x6], $0x40, s13, s10, $0xb8;
	[tilespmem:$0x1BE00] =	vst v63  }
0xce: {  	_ =	swait.ge [sflag:s20], $0x2000  }
0xcf: {  	[sflag:s20] =	ssyncset.done $0x0  }
0xd0: {  	s26 =	sadd.s32 $0x5100, s11;
	[sflag:s20] =	ssyncadd.s32 $0xFFFFE000  }
0xd1: {  	[spmem:s3] =	stream.indirect.scatter.add.f32 [tilespmem:s15], [sflag:$0x7], $0x40, s26, s10, $0xb8;
	[tilespmem:$0x1BE00] =	vst v63  }
0xd2: {  	_ =	swait.ge [sflag:s21], $0x2000  }
0xd3: {  	[sflag:s21] =	ssyncset.done $0x0  }
0xd4: {  	s28 =	sadd.s32 $0x5180, s11;
	[sflag:s21] =	ssyncadd.s32 $0xFFFFE000  }
0xd5: {  	[spmem:s3] =	stream.indirect.scatter.add.f32 [tilespmem:s17], [sflag:$0x8], $0x40, s28, s10, $0xb8;
	[tilespmem:$0x1BE00] =	vst v63  }
0xd6: {  	_ =	swait.ge [sflag:s22], $0x2000  }
0xd7: {  	p5 =	seq.s32 s4, $0x13800;
	[sflag:s22] =	ssyncset.done $0x0  }
0xd8: {  	s9 =	simm.s32 @p5 $0x6;
	[sflag:s22] =	ssyncadd.s32 $0xFFFFE000  }
0xd9: {  	_ =	swait.ge @p5 [sflag:s9], $0x2000  }
0xda: {  	[sflag:s9] =	ssyncset.done @p5 $0x0  }
0xdb: {  	[sflag:s9] =	ssyncadd.s32 @p5 $0xFFFFE000;
	s9 =	sshra.s32 @!p5 s4, $0x2  }
0xdc: {  	s26 =	simm.s32 @!p5 $0x80;
	s28 =	simm.s32 @!p5 $0xA000;
	s13 =	sadd.s32 @!p5 $0x200, s9  }
0xdd: {  	[tilespmem:s28], [sflag:$0x1] =	stream.indirect.gather @!p5 [hbm4b:s31+s26], $0x40, s13, s26, $0xb8;
	[tilespmem:$0x1BE00] =	vst v63  }
0xde: {  	p0 =	sne.s32 @!p5 s6, $0x0;
	s13 =	simm.s32 @!p5 $0x6  }
0xdf: {  	p6 =	por !p0, p5;
	_ =	swait.ge @!p5 [sflag:s13], $0x2000  }
0xe0: {  	p0 =	por p0, p5;
	s9 =	sadd.s32 @!p5 $0x280, s9;
	[sflag:s13] =	ssyncset.done @!p5 $0x0  }
0xe1: {  	s26 =	simm.s32 @!p6 $0xC000;
	[sflag:s13] =	ssyncadd.s32 @!p5 $0xFFFFE000;
	s13 =	simm.s32 @!p6 $0x80  }
0xe2: {  	[tilespmem:s26], [sflag:$0x2] =	stream.indirect.gather @!p6 [hbm4b:s8+s13], $0x40, s9, s13, $0xb8;
	[tilespmem:$0x1BE00] =	vst v63  }
.Ltmp4:
0xe3: {  	s13 =	simm.s32 @!p0 $0x80;
	s26 =	simm.s32 @!p0 $0xC000;
	(pc) =	sbr.rel @p5 .LBB2_7-.Ltmp4, $4  }
0xe4: {  	[tilespmem:s26], [sflag:$0x2] =	stream.indirect.gather @!p0 [hbm4b:s7+s13], $0x40, s9, s13, $0xb8;
	[tilespmem:$0x1BE00] =	vst v63  }
0xe5: {  	_ =	swait.ge [sflag:s23], $0x2000  }
0xe6: {  	[sflag:s23] =	ssyncset.done $0x0  }
0xe7: {  	[sflag:s23] =	ssyncadd.s32 $0xFFFFE000  }
0xe8: {  	s9 =	sadd.s32 $0x300, s11  }
0xe9: {  	[tilespmem:s15], [sflag:$0x3] =	stream.indirect.gather [hbm4b:s31+s10], $0x40, s9, s10, $0xb8;
	[tilespmem:$0x1BE00] =	vst v63  }
.Ltmp5:
0xea: {  	_ = 	snop;
	(pc) =	sbr.rel .LBB2_5-.Ltmp5, $4  }
0xeb: {  	_ =	swait.ge [sflag:s24], $0x2000  }
0xec: {  	[sflag:s24] =	ssyncset.done $0x0  }
0xed: {  	s28 =	sadd.s32 $0x380, s11;
	s4 =	sadd.s32 $0x800, s4;
	[sflag:s24] =	ssyncadd.s32 $0xFFFFE000  }
0xee: {  	[tilespmem:s17], [sflag:$0x4] =	stream.indirect.gather [hbm4b:s31+s10], $0x40, s28, s10, $0xb8;
	[tilespmem:$0x1BE00] =	vst v63  }
.LBB2_8:
0xef: {  	_ =	sfence.sel $0x180000  }
0xf0: {  	[bflag:$0x0] =	sbarrier.arrive $0xFFFF  }
0xf1: {  	_ =	strace $0x9000004A  }
0xf2: {  	s0 =	stileid.u32;
	[bflag:$0x2] =	sbarrier.arrive $0xFFFF  }
0xf3: {  	p0 =	sne.s32 s0, $0x0;
	s0 =	rddreg [dreg:$0x3]  }
0xf4: {  	s0 =	sadd.s32 @!p0 $0x100000, s0  }
0xf5: {  	[sflag:s0] =	ssyncadd.tile.s32 @!p0 $0x1;
	_ =	shalt  }
.Lfunc_end2:
_tile_overlayer_lowered:
.L_overlay_start_2:
0xf6: {  	(tag) =	ssettag $0x2  }
0xf7: {  	s0 =	rddreg [dreg:$0x0];
	s2 =	stileid.u32  }
0xf8: {  	s1 =	rddreg [dreg:$0x1];
	p0 =	sne.s32 s2, $0x0  }
0xf9: {  	s3 =	rddreg [dreg:$0x2];
	[bflag:$0x3] =	sbarrier.arrive $0xFFFF;
	s2 =	simm.s32 @!p0 $0x1C09  }
0xfa: {  	[timem:s3], [sflag:s2] =	dma.local @!p0 [hbm:s0], s1  }
0xfb: {  	s0 =	simm.s32 @!p0 $0x9  }
0xfc: {  	_ =	swait.ge @!p0 [sflag:s0], s1  }
0xfd: {  	s1 =	ssub.s32 @!p0 $0x0, s1;
	[sflag:s0] =	ssyncset.done @!p0 $0x0  }
0xfe: {  	[sflag:s0] =	ssyncadd.s32 @!p0 s1  }
0xff: {  	[bflag:$0x3] =	sbarrier.arrive $0xFFFF  }
0x100: {  	_ =	shalt  }

// kernel: kernel.14.cloned.1.call-start
scs
__scs_entry_jumppad:
0x0: {  	(pc) =	sbr.rel $0x88, $3  }
0x1: {  	(tag) =	ssettag $0x0;
	lr =	simm.s32 $0x1  }
0x2: {  	[smem:$0x3F9B] =	sst lr;
	_ =	strace $0xD0000000  }
0x3: {  	_ = 	snop  }
0x4: {  	_ = 	snop  }
0x5: {  	_ = 	snop  }
0x6: {  	_ = 	snop  }
0x7: {  	_ = 	snop  }
__scs_overlays_trampoline_lowered:
0x8: {  	[smem:$0x3FAA] =	sst s0  }
0x9: {  	[smem:$0x3FAB] =	sst s1  }
0xa: {  	[smem:$0x3FAC] =	sst s2  }
0xb: {  	[smem:$0x3FAD] =	sst s3  }
0xc: {  	[smem:$0x3FAE] =	sst s4  }
0xd: {  	[smem:$0x3FAF] =	sst s5  }
0xe: {  	[smem:$0x3FB0] =	sst s6  }
0xf: {  	[smem:$0x3FB1] =	sst s7  }
0x10: {  	[smem:$0x3FB2] =	sst s8  }
0x11: {  	[smem:$0x3FB3] =	sst s9;
	s0 =	simm.s32 @!p0 $0x0  }
0x12: {  	s1 =	sld [smem:$0x3F99];
	s0 =	simm.s32 @p0 $0x1  }
0x13: {  	[smem:$0x3FB4] =	sst s0;
	s0 =	simm.s32 @!p1 $0x0  }
0x14: {  	s2 =	sld [smem:$0x3F98];
	s0 =	simm.s32 @p1 $0x1  }
0x15: {  	[smem:$0x3FB5] =	sst s0;
	s0 =	simm.s32 @!p2 $0x0  }
0x16: {  	s3 =	sld [smem:$0x3FDB];
	s0 =	simm.s32 @p2 $0x1  }
0x17: {  	s4 =	simm.s32 $0x1BF5;
	[smem:$0x3FB7] =	sst s0  }
0x18: {  	s0 =	sld [smem:$0x3F9A];
	_ =	swait.ge [sflag:s4], $0x0  }
0x19: {  	s7 =	sld [smem:$0x3F9B]  }
0x1a: {  	s8 =	sadd.s32 $0xFFFFE003, lr  }
0x1b: {  	s9 =	sadd.s32 $0xFFFFFEF7, lr;
	s5 =	simm.s32 $0xFFFFFFFF;
	p2 =	slt.u32 s8, $0xFFFFF086  }
0x1c: {  	p1 =	slt.u32 s9, $0xF7A;
	s5 =	simm.s32 @!p2 $0x0  }
0x1d: {  	s5 =	simm.s32 @p1 $0x1;
	p0 =	seq.s32 s7, s2  }
0x1e: {  	s7 =	smul.u32 @!p0 $0xF7A, s2;
	p2 =	seq.s32 @!p0 s5, $0x0  }
0x1f: {  	s9 =	smul.u32 $0xF7A, s1;
	s8 =	simm.s32 @!p0 $0x1BF5;
	p2 =	por !p2, p0  }
0x20: {  	[sflag:s8] =	ssyncset.s32 @!p0 $0xFFFFF086;
	s6 =	sadd.s32 @!p0 s3, s7;
	s7 =	simm.s32 @!p0 $0x108  }
0x21: {  	s3 =	sadd.s32 s3, s9;
	s6 =	sadd.s32 @!p0 $0x88, s6;
	s7 =	simm.s32 @p2 $0x1082  }
0x22: {  	[simem:s7], [sflag:s8] =	dma.local @!p0 [hbm:s6], $0xF7A  }
0x23: {  	s9 =	sor.u32 $0xD0000000, s2;
	s6 =	simm.s32 $0x108;
	_ =	swait.ge @!p0 [sflag:s8], $0x0  }
0x24: {  	s3 =	sadd.s32 $0x88, s3;
	s6 =	simm.s32 @!p1 $0x1082;
	[sflag:s4] =	ssyncset.s32 $0xFFFFF086  }
0x25: {  	[simem:s6], [sflag:s4] =	dma.local [hbm:s3], $0xF7A  }
0x26: {  	[smem:$0x3F9B] =	sst s1;
	(tag) =	ssettag s2;
	_ =	strace s9  }
0x27: {  	s1 =	sld [smem:$0x3FAB]  }
0x28: {  	s2 =	sld [smem:$0x3FAC]  }
0x29: {  	s4 =	sld [smem:$0x3FAE]  }
0x2a: {  	p0 =	seq.s32 s5, $0x0;
	s5 =	sld [smem:$0x3FAF]  }
0x2b: {  	s6 =	sld [smem:$0x3FB0]  }
0x2c: {  	s7 =	sld [smem:$0x3FB1]  }
0x2d: {  	s3 =	simm.s32 $0x108;
	s8 =	sld [smem:$0x3FB2]  }
0x2e: {  	s3 =	simm.s32 @!p0 $0x1082;
	s9 =	sld [smem:$0x3FB3]  }
0x2f: {  	lr =	sadd.s32 s0, s3;
	s0 =	sld [smem:$0x3FAA]  }
0x30: {  	s3 =	sld [smem:$0x3FAD]  }
0x31: {  	[smem:$0x3FB6] =	sst s10  }
0x32: {  	s10 =	sld [smem:$0x3FB4];
	_ =	sdelay $0x3  }
0x33: {  	p0 =	seq.s32 s10, $0x1;
	s10 =	sld [smem:$0x3FB6];
	_ =	sdelay $0x3  }
0x34: {  	[smem:$0x3FB6] =	sst s10  }
0x35: {  	s10 =	sld [smem:$0x3FB5];
	_ =	sdelay $0x3  }
0x36: {  	p1 =	seq.s32 s10, $0x1;
	s10 =	sld [smem:$0x3FB6];
	_ =	sdelay $0x3  }
0x37: {  	[smem:$0x3FB6] =	sst s10  }
0x38: {  	s10 =	sld [smem:$0x3FB7]  }
0x39: {  	_ = 	snop;
	(pc) =	sbr.ind lr, $3  }
0x3a: {  	_ = 	snop  }
0x3b: {  	_ = 	snop  }
0x3c: {  	p2 =	seq.s32 s10, $0x1;
	s10 =	sld [smem:$0x3FB6]  }
0x3d: {  	_ =	shalt  }
0x3e: {  	_ =	shalt  }
0x3f: {  	_ =	shalt  }
0x40: {  	_ =	shalt  }
0x41: {  	_ =	shalt  }
0x42: {  	_ =	shalt  }
0x43: {  	_ =	shalt  }
0x44: {  	_ =	shalt  }
0x45: {  	_ =	shalt  }
0x46: {  	_ =	shalt  }
0x47: {  	_ =	shalt  }
0x48: {  	_ =	shalt  }
0x49: {  	_ =	shalt  }
0x4a: {  	_ =	shalt  }
0x4b: {  	_ =	shalt  }
0x4c: {  	_ =	shalt  }
0x4d: {  	_ =	shalt  }
0x4e: {  	_ =	shalt  }
0x4f: {  	_ =	shalt  }
0x50: {  	_ =	shalt  }
0x51: {  	_ =	shalt  }
0x52: {  	_ =	shalt  }
0x53: {  	_ =	shalt  }
0x54: {  	_ =	shalt  }
0x55: {  	_ =	shalt  }
0x56: {  	_ =	shalt  }
0x57: {  	_ =	shalt  }
0x58: {  	_ =	shalt  }
0x59: {  	_ =	shalt  }
0x5a: {  	_ =	shalt  }
0x5b: {  	_ =	shalt  }
0x5c: {  	_ =	shalt  }
0x5d: {  	_ =	shalt  }
0x5e: {  	_ =	shalt  }
0x5f: {  	_ =	shalt  }
0x60: {  	_ =	shalt  }
0x61: {  	_ =	shalt  }
0x62: {  	_ =	shalt  }
0x63: {  	_ =	shalt  }
0x64: {  	_ =	shalt  }
0x65: {  	_ =	shalt  }
0x66: {  	_ =	shalt  }
0x67: {  	_ =	shalt  }
0x68: {  	_ =	shalt  }
0x69: {  	_ =	shalt  }
0x6a: {  	_ =	shalt  }
0x6b: {  	_ =	shalt  }
0x6c: {  	_ =	shalt  }
0x6d: {  	_ =	shalt  }
0x6e: {  	_ =	shalt  }
0x6f: {  	_ =	shalt  }
0x70: {  	_ =	shalt  }
0x71: {  	_ =	shalt  }
0x72: {  	_ =	shalt  }
0x73: {  	_ =	shalt  }
0x74: {  	_ =	shalt  }
0x75: {  	_ =	shalt  }
0x76: {  	_ =	shalt  }
0x77: {  	_ =	shalt  }
0x78: {  	_ =	shalt  }
0x79: {  	_ =	shalt  }
0x7a: {  	_ =	shalt  }
0x7b: {  	_ =	shalt  }
0x7c: {  	_ =	shalt  }
0x7d: {  	_ =	shalt  }
0x7e: {  	_ =	shalt  }
0x7f: {  	_ =	shalt  }
0x80: {  	_ =	shalt  }
0x81: {  	_ =	shalt  }
0x82: {  	_ =	shalt  }
0x83: {  	_ =	shalt  }
0x84: {  	_ =	shalt  }
0x85: {  	_ =	shalt  }
0x86: {  	_ =	shalt  }
0x87: {  	_ =	shalt  }
.Lfunc_end0:
.L_simem_size_0:
called_computation.2_lowered:
.L_overlay_start_0:
0x88: {  	s2 =	sld [smem:$0x3FD9]  }
0x89: {  	s3 =	sld [smem:$0x3FFE];
	_ =	sdelay $0x1  }
0x8a: {  	s1 =	srdreg.scid  }
0x8b: {  	s0 =	sand.u32 $0x1, s1  }
0x8c: {  	s17 =	sshll.u32 s0, $0xA;
	s2 =	sadd.s32 s3, s2  }
0x8d: {  	s2 =	sadd.s32 s2, s17  }
0x8e: {  	[smem:$0x3FC2] =	sst s2  }
0x8f: {  	_ = 	snop  }
0x90: {  	s2 =	sld [smem:$0x3FD0];
	(tm) =	ssettm $0x1  }
0x91: {  	s18 =	sld [smem:$0x3FFB];
	_ =	sdelay $0x3  }
0x92: {  	_ =	strace s18  }
0x93: {  	s3 =	sld [smem:$0x3FFC];
	_ =	sdelay $0x3  }
0x94: {  	_ =	strace s3  }
0x95: {  	s3 =	sld [smem:$0x3FFD];
	_ =	sdelay $0x3  }
0x96: {  	_ =	strace s3  }
0x97: {  	_ =	strace $0x8FFFFFFF  }
0x98: {  	s19 =	sld [smem:$0x3FDB];
	_ =	sdelay $0x1  }
0x99: {  	s4 =	simm.s32 $_scs_section_size  }
0x9a: {  	s5 =	simm.s32 $_size__tile_overlayer_lowered;
	s6 =	simm.s32 $_tile_overlayer_lowered  }
0x9b: {  	s22 =	simm.s32 $0x1BFF;
	s21 =	sshll.u32 s6, $0x1;
	s3 =	sadd.s32 s4, s19  }
0x9c: {  	s7 =	simm.s32 $0x0;
	s20 =	sshll.u32 s5, $0x1;
	s5 =	sadd.s32 s21, s3  }
0x9d: {  	[timem:s7], [sflag:s22] =	dma.local [hbm:s5], s20  }
0x9e: {  	_ =	swait.ge [sflag:s22], s20  }
0x9f: {  	s4 =	ssub.s32 $0x0, s20;
	[sflag:s22] =	ssyncset.done $0x0  }
0xa0: {  	[sflag:s22] =	ssyncadd.s32 s4;
	_ =	sdelay $0x1  }
0xa1: {  	s23 =	simm.s32 $0x1B8B  }
0xa2: {  	_ =	swait.ge [sflag:s23], $0x1  }
0xa3: {  	[sflag:s23] =	ssyncset.done $0x0  }
0xa4: {  	s25 =	simm.s32 $0x1B8E;
	s24 =	sld [smem:$0x3FFE];
	[sflag:s23] =	ssyncadd.s32 $0xFFFFFFFF  }
0xa5: {  	s26 =	simm.s32 $execute0_lowered;
	[smem:$0x3FD2] =	sst s25  }
0xa6: {  	s5 =	sshll.u32 s26, $0x1;
	_ =	strace $0x8000004C;
	[dreg:$0x1] =	wrdreg $0xFFFFFFFF  }
0xa7: {  	s28 =	simm.s32 $_size_execute0_lowered;
	s3 =	sadd.s32 s3, s5;
	[dreg:$0x0] =	wrdreg $0x0  }
0xa8: {  	s5 =	sshll.u32 s28, $0x1;
	[dreg:$0x2] =	wrdreg s3  }
0xa9: {  	[dreg:$0x3] =	wrdreg s5  }
0xaa: {  	[dreg:$0x4] =	wrdreg $0xC0  }
0xab: {  	_ =	task [dreg:s7], $0x5FFFF  }
0xac: {  	[dreg:$0x1] =	wrdreg $0xFFFFFFFF  }
0xad: {  	[dreg:$0x0] =	wrdreg $0x60  }
0xae: {  	[dreg:$0x2] =	wrdreg s24  }
0xaf: {  	[dreg:$0x3] =	wrdreg s2  }
0xb0: {  	[dreg:$0x4] =	wrdreg $0x120000  }
0xb1: {  	[dreg:$0x5] =	wrdreg $0x9  }
0xb2: {  	_ =	task.clear_ibuf [dreg:s7], $0x6FFFF;
	_ =	strace $0x9000004C  }
0xb3: {  	s29 =	simm.s32 $0x9;
	_ =	strace $0x8000004E  }
0xb4: {  	_ =	swait.ge [sflag:s29], $0x1  }
0xb5: {  	[sflag:s29] =	ssyncadd.s32 $0xFFFFFFFF  }
0xb6: {  	_ =	strace $0x9000004E  }
0xb7: {  	_ =	sfence  }
0xb8: {  	s30 =	sld [smem:$0x0];
	_ =	sdelay $0x2  }
0xb9: {  	s31 =	sshll.u32 s1, $0xD;
	s1 =	sshrl.u32 s1, $0x2  }
0xba: {  	s3 =	sand.u32 $0x4000, s31;
	s1 =	sadd.s32 s1, s30  }
0xbb: {  	s0 =	sor.u32 s3, s0;
	s1 =	sshll.u32 s1, $0x11  }
0xbc: {  	s0 =	sor.u32 s1, s0  }
0xbd: {  	s0 =	sadd.s32 $0x8F2B, s0  }
0xbe: {  	[sflag:s0] =	ssyncadd.remote.s32 $0x1  }
0xbf: {  	_ =	sfence.sel $0xFFFF  }
0xc0: {  	[dreg:$0x0] =	wrdreg $0xFFFFFFFF;
	(pc) =	sbr.abs _section_cstart, $3  }
0xc1: {  	[dreg:$0x1] =	wrdreg $0xFFFFFFFF  }
0xc2: {  	_ =	task.clear_ibuf [dreg:s7], $0x2FFFF;
	_ =	strace $0x9FFFFFFF  }
0xc3: {  	(tm) =	ssettm $0x7FFFFFFF  }
tec
execute0_lowered:
.L_overlay_start_1:
0x0: {  	(tag) =	ssettag $0x1  }
0x1: {  	s0 =	rddreg [dreg:$0x0]  }
0x2: {  	s1 =	rddreg [dreg:$0x1]  }
0x3: {  	s3 =	rddreg [dreg:$0x2];
	s2 =	simm.s32 $0x0;
	s4 =	stileid.u32  }
0x4: {  	s5 =	srdreg.scid;
	s28 =	simm.s32 $0xC000;
	s30 =	simm.s32 $0xE000  }
0x5: {  	s29 =	simm.s32 $0x3;
	s31 =	simm.s32 $0x4;
	s16 =	smul.u32 $0xA00, s4  }
0x6: {  	[smem:$0x7FF] =	sst s2;
	s7 =	smul.u32 $0x9C00, s4;
	s5 =	sand.u32 $0x1, s5  }
0x7: {  	s6 =	sadd.s32 $0x64E00, s0;
	s11 =	smul.u32 $0x27000, s4;
	s20 =	sadd.s32 $0x77280, s0  }
0x8: {  	s22 =	sadd.s32 $0x12480, s1;
	_ =	strace $0x8000004D;
	[dreg:$0x9] =	wrdreg s20  }
0x9: {  	s24 =	sadd.s32 $0x8AC80, s0;
	s8 =	ssub.s32 $0x2, s5;
	[dreg:$0xb] =	wrdreg s22  }
0xa: {  	p1 =	seq.s32 s5, $0x0;
	[dreg:$0xd] =	wrdreg s24;
	s20 =	smov.u32 s6  }
0xb: {  	p0 =	sne.s32 s5, $0x0;
	s22 =	simm.s32 $0x1;
	s2 =	sadd.s32 s16, s0  }
0xc: {  	s10 =	sshrl.u32 s7, $0x3;
	s9 =	sshrl.u32 s8, $0x1;
	s18 =	sshrl.u32 s11, $0x2  }
0xd: {  	s7 =	sadd.s32 s7, s3;
	s20 =	smov.u32 @p1 s1;
	p2 =	seq.s32 @p0 s4, $0xF  }
0xe: {  	p4 =	seq.s32 @!p0 s4, $0xF;
	s12 =	sadd.s32 s10, s0;
	s8 =	ssub.s32 s8, s9  }
0xf: {  	s17 =	sadd.s32 $0xCC00, s2;
	s2 =	sadd.s32 $0x2C00, s2;
	[dreg:$0x6] =	wrdreg s7  }
0x10: {  	s19 =	sadd.s32 s6, s10;
	s21 =	sadd.s32 s1, s10;
	[dreg:$0x4] =	wrdreg s17  }
0x11: {  	s0 =	sadd.s32 $0x9E680, s0;
	p1 =	por !p2, !p0;
	[dreg:$0x5] =	wrdreg s2  }
0x12: {  	p2 =	por p2, !p0;
	p3 =	por !p4, p0;
	[dreg:$0x7] =	wrdreg s19  }
0x13: {  	p4 =	por p4, p0;
	s7 =	simm.s32 $0x5;
	[dreg:$0xa] =	wrdreg s21  }
0x14: {  	s10 =	simm.s32 $0x8;
	s23 =	sadd.s32 $0x78800, s12;
	[dreg:$0xf] =	wrdreg s0  }
0x15: {  	s2 =	sadd.s32 s18, s3;
	s25 =	sadd.s32 $0x8C200, s12;
	[dreg:$0xc] =	wrdreg s23  }
0x16: {  	s26 =	smax.u32 s8, $0x1;
	s21 =	simm.s32 $0x9;
	[dreg:$0xe] =	wrdreg s25  }
.Ltmp0:
0x17: {  	s0 =	sshll.u32 @!p2 s4, $0x6;
	[dreg:$0x10] =	wrdreg s26;
	(pc) =	sbr.rel .LBB2_1-.Ltmp0, $4  }
0x18: {  	s8 =	simm.s32 $0x7;
	s12 =	simm.s32 $0x0;
	[dreg:$0x8] =	wrdreg s2  }
0x19: {  	s23 =	sshrl.u32 @!p1 s2, $0x3;
	s24 =	sor.u32 @!p2 $0x1C09, s0;
	s0 =	simm.s32 @!p0 $0x0  }
0x1a: {  	s25 =	simm.s32 $0x80;
	s26 =	simm.s32 $0xA000;
	s0 =	simm.s32 @p0 $0x1  }
0x1b: {  	s2 =	simm.s32 $0x2;
	[smem:$0x7FD] =	sst s0;
	s0 =	simm.s32 $0x10000  }
.LBB2_4:
0x1c: {  	_ =	swait.ge [sflag:s10], $0x2000  }
0x1d: {  	[sflag:s10] =	ssyncset.done $0x0  }
0x1e: {  	[sflag:s10] =	ssyncadd.s32 $0xFFFFE000  }
0x1f: {  	[bflag:$0x0] =	sbarrier.arrive $0xFFFF  }
0x20: {  	s4 =	simm.s32 @!p1 $0x1FC9;
	s9 =	rddreg [dreg:$0xd]  }
0x21: {  	[hbm:s9], [sflag:s4] =	dma.local @!p1 [spmem:s23], $0x1400  }
0x22: {  	s4 =	simm.s32 @!p1 $0x9  }
0x23: {  	_ =	swait.ge @!p1 [sflag:s4], $0x1400  }
0x24: {  	[sflag:s4] =	ssyncset.done @!p1 $0x0  }
0x25: {  	[sflag:s4] =	ssyncadd.s32 @!p1 $0xFFFFEC00;
	s4 =	rddreg [dreg:$0xc]  }
0x26: {  	[hbm:s4], [sflag:s24] =	dma.local @!p2 [spmem:s13], $0x1380  }
0x27: {  	s4 =	simm.s32 @!p2 $0x9  }
0x28: {  	_ =	swait.ge @!p2 [sflag:s4], $0x1380  }
0x29: {  	[sflag:s4] =	ssyncset.done @!p2 $0x0  }
0x2a: {  	s9 =	rddreg [dreg:$0xf];
	[sflag:s4] =	ssyncadd.s32 @!p2 $0xFFFFEC80;
	s4 =	simm.s32 @!p3 $0x1FC9  }
0x2b: {  	[hbm:s9], [sflag:s4] =	dma.local @!p3 [spmem:s14], $0x1400  }
0x2c: {  	s4 =	simm.s32 @!p3 $0x9  }
0x2d: {  	_ =	swait.ge @!p3 [sflag:s4], $0x1400  }
0x2e: {  	[sflag:s4] =	ssyncset.done @!p3 $0x0  }
0x2f: {  	[sflag:s4] =	ssyncadd.s32 @!p3 $0xFFFFEC00;
	s4 =	rddreg [dreg:$0xe]  }
0x30: {  	[hbm:s4], [sflag:s15] =	dma.local @!p4 [spmem:s16], $0x1380  }
0x31: {  	s4 =	simm.s32 @!p4 $0x9  }
0x32: {  	_ =	swait.ge @!p4 [sflag:s4], $0x1380  }
0x33: {  	s12 =	sadd.s32 $0x1, s12;
	s19 =	rddreg [dreg:$0x10]  }
0x34: {  	p0 =	sne.s32 s12, s19  }
.Ltmp1:
0x35: {  	_ = 	snop;
	(pc) =	sbr.rel @!p0 .LBB2_5-.Ltmp1, $3  }
0x36: {  	_ =	sdelay $0x1  }
0x37: {  	[sflag:s4] =	ssyncset.done @!p4 $0x0  }
0x38: {  	[sflag:s4] =	ssyncadd.s32 @!p4 $0xFFFFEC80  }
.LBB2_1:
0x39: {  	s9 =	simm.s32 $0x0;
	s4 =	rddreg [dreg:$0x4]  }
0x3a: {  	[tilespmem:s9], [sflag:$0x9] =	stream.linear.gather [hbm4b:s4+s9], $0x5000, $0x38;
	[tilespmem:$0x1BE00] =	vst v63  }
0x3b: {  	_ =	swait.ge [sflag:s21], $0x5000  }
0x3c: {  	[sflag:s21] =	ssyncset.done $0x0  }
0x3d: {  	s11 =	simm.s32 $0x5000;
	s16 =	rddreg [dreg:$0x5];
	[sflag:s21] =	ssyncadd.s32 $0xFFFFB000  }
0x3e: {  	[tilespmem:s11], [sflag:$0x9] =	stream.linear.gather [hbm4b:s16+s9], $0x5000, $0x38;
	[tilespmem:$0x1BE00] =	vst v63  }
0x3f: {  	_ =	swait.ge [sflag:s21], $0x5000  }
0x40: {  	[sflag:s21] =	ssyncset.done $0x0  }
0x41: {  	s11 =	simm.s32 @!p1 $0x1FC9;
	s4 =	rddreg [dreg:$0x9];
	[sflag:s21] =	ssyncadd.s32 $0xFFFFB000  }
0x42: {  	[spmem:s23], [sflag:s11] =	dma.local @!p1 [hbm:s4], $0x1400  }
0x43: {  	s11 =	simm.s32 @!p1 $0x9  }
0x44: {  	_ =	swait.ge @!p1 [sflag:s11], $0x1400  }
0x45: {  	s16 =	rddreg [dreg:$0x6]  }
0x46: {  	[sflag:s11] =	ssyncset.done @!p1 $0x0;
	s4 =	rddreg [dreg:$0x7]  }
0x47: {  	[sflag:s11] =	ssyncadd.s32 @!p1 $0xFFFFEC00;
	s13 =	sshrl.u32 @!p2 s16, $0x3;
	s11 =	simm.s32 @!p2 $0x9  }
0x48: {  	[spmem:s13], [sflag:s24] =	dma.local @!p2 [hbm:s4], $0x1380  }
0x49: {  	_ =	swait.ge @!p2 [sflag:s11], $0x1380  }
0x4a: {  	[sflag:s11] =	ssyncset.done @!p2 $0x0  }
0x4b: {  	s4 =	rddreg [dreg:$0x8];
	[sflag:s11] =	ssyncadd.s32 @!p2 $0xFFFFEC80  }
0x4c: {  	s14 =	sshrl.u32 @!p3 s4, $0x3;
	s11 =	simm.s32 @!p3 $0x1FC9;
	s4 =	rddreg [dreg:$0xb]  }
0x4d: {  	[spmem:s14], [sflag:s11] =	dma.local @!p3 [hbm:s4], $0x1400  }
0x4e: {  	s11 =	simm.s32 @!p3 $0x9;
	s4 =	stileid.u32  }
0x4f: {  	_ =	swait.ge @!p3 [sflag:s11], $0x1400;
	s15 =	sshll.u32 @!p4 s4, $0x6  }
0x50: {  	s16 =	sshrl.u32 @!p4 s16, $0x3;
	[sflag:s11] =	ssyncset.done @!p3 $0x0;
	s15 =	sor.u32 @!p4 $0x1C09, s15  }
0x51: {  	s4 =	rddreg [dreg:$0xa];
	[sflag:s11] =	ssyncadd.s32 @!p3 $0xFFFFEC00;
	s11 =	simm.s32 @!p4 $0x9  }
0x52: {  	[spmem:s16], [sflag:s15] =	dma.local @!p4 [hbm:s4], $0x1380  }
0x53: {  	_ =	swait.ge @!p4 [sflag:s11], $0x1380  }
0x54: {  	s17 =	sld [smem:$0x7FD];
	_ =	sdelay $0x1  }
0x55: {  	[sflag:s11] =	ssyncset.done @!p4 $0x0  }
0x56: {  	[sflag:s11] =	ssyncadd.s32 @!p4 $0xFFFFEC80;
	s11 =	smov.u32 s1;
	p0 =	seq.s32 s17, $0x1  }
0x57: {  	[bflag:$0x0] =	sbarrier.arrive $0xFFFF;
	s11 =	smov.u32 @p0 s6  }
0x58: {  	[tilespmem:s26], [sflag:$0x1] =	stream.indirect.gather [hbm4b:s11+s25], $0x40, s9, s25, $0xb8;
	[tilespmem:$0x1BE00] =	vst v63  }
0x59: {  	_ = 	snop  }
0x5a: {  	[tilespmem:s28], [sflag:$0x2] =	stream.indirect.gather [hbm4b:s11+s25], $0x40, s25, s25, $0xb8;
	[tilespmem:$0x1BE00] =	vst v63  }
0x5b: {  	s18 =	simm.s32 $0x100  }
0x5c: {  	[tilespmem:s30], [sflag:$0x3] =	stream.indirect.gather [hbm4b:s11+s25], $0x40, s18, s25, $0xb8;
	[tilespmem:$0x1BE00] =	vst v63  }
0x5d: {  	s19 =	simm.s32 $0x180  }
0x5e: {  	[tilespmem:s0], [sflag:$0x4] =	stream.indirect.gather [hbm4b:s11+s25], $0x40, s19, s25, $0xb8;
	[tilespmem:$0x1BE00] =	vst v63  }
0x5f: {  	s11 =	simm.s32 $0x0  }
.LBB2_2:
0x60: {  	_ =	swait.ge [sflag:s22], $0x2000  }
0x61: {  	s17 =	sshra.s32 s11, $0x2;
	[sflag:s22] =	ssyncset.done $0x0  }
0x62: {  	s18 =	sadd.s32 $0x5000, s17;
	[sflag:s22] =	ssyncadd.s32 $0xFFFFE000  }
0x63: {  	[spmem:s3] =	stream.indirect.scatter.add.f32 [tilespmem:s26], [sflag:$0x5], $0x40, s18, s25, $0xb8;
	[tilespmem:$0x1BE00] =	vst v63  }
0x64: {  	_ =	swait.ge [sflag:s2], $0x2000  }
0x65: {  	[sflag:s2] =	ssyncset.done $0x0  }
0x66: {  	s4 =	sadd.s32 $0x5080, s17;
	[sflag:s2] =	ssyncadd.s32 $0xFFFFE000  }
0x67: {  	[spmem:s3] =	stream.indirect.scatter.add.f32 [tilespmem:s28], [sflag:$0x6], $0x40, s4, s25, $0xb8;
	[tilespmem:$0x1BE00] =	vst v63  }
0x68: {  	_ =	swait.ge [sflag:s29], $0x2000  }
0x69: {  	[sflag:s29] =	ssyncset.done $0x0  }
0x6a: {  	s9 =	sadd.s32 $0x5100, s17;
	[sflag:s29] =	ssyncadd.s32 $0xFFFFE000  }
0x6b: {  	[spmem:s3] =	stream.indirect.scatter.add.f32 [tilespmem:s30], [sflag:$0x7], $0x40, s9, s25, $0xb8;
	[tilespmem:$0x1BE00] =	vst v63  }
0x6c: {  	_ =	swait.ge [sflag:s31], $0x2000  }
0x6d: {  	[sflag:s31] =	ssyncset.done $0x0  }
0x6e: {  	s19 =	sadd.s32 $0x5180, s17;
	[sflag:s31] =	ssyncadd.s32 $0xFFFFE000  }
0x6f: {  	[spmem:s3] =	stream.indirect.scatter.add.f32 [tilespmem:s0], [sflag:$0x8], $0x40, s19, s25, $0xb8;
	[tilespmem:$0x1BE00] =	vst v63  }
0x70: {  	_ =	swait.ge [sflag:s7], $0x2000  }
0x71: {  	p5 =	seq.s32 s11, $0x13800;
	[sflag:s7] =	ssyncset.done $0x0  }
0x72: {  	s18 =	simm.s32 @p5 $0x6;
	[sflag:s7] =	ssyncadd.s32 $0xFFFFE000  }
0x73: {  	_ =	swait.ge @p5 [sflag:s18], $0x2000  }
0x74: {  	[sflag:s18] =	ssyncset.done @p5 $0x0  }
0x75: {  	[sflag:s18] =	ssyncadd.s32 @p5 $0xFFFFE000;
	s18 =	sshra.s32 @!p5 s11, $0x2  }
0x76: {  	s4 =	simm.s32 @!p5 $0x80;
	s9 =	simm.s32 @!p5 $0xA000;
	s19 =	sadd.s32 @!p5 $0x200, s18  }
0x77: {  	[tilespmem:s9], [sflag:$0x1] =	stream.indirect.gather @!p5 [hbm4b:s20+s4], $0x40, s19, s4, $0xb8;
	[tilespmem:$0x1BE00] =	vst v63  }
0x78: {  	p6 =	sne.s32 @!p5 s5, $0x0;
	s4 =	simm.s32 @!p5 $0x6  }
0x79: {  	p0 =	por !p6, p5;
	_ =	swait.ge @!p5 [sflag:s4], $0x2000  }
0x7a: {  	s9 =	simm.s32 @!p0 $0x80;
	[sflag:s4] =	ssyncset.done @!p5 $0x0  }
0x7b: {  	[sflag:s4] =	ssyncadd.s32 @!p5 $0xFFFFE000;
	s4 =	sadd.s32 @!p5 $0x280, s18;
	s18 =	simm.s32 @!p0 $0xC000  }
0x7c: {  	[tilespmem:s18], [sflag:$0x2] =	stream.indirect.gather @!p0 [hbm4b:s6+s9], $0x40, s4, s9, $0xb8;
	[tilespmem:$0x1BE00] =	vst v63  }
0x7d: {  	p0 =	por p6, p5  }
.Ltmp2:
0x7e: {  	s9 =	simm.s32 @!p0 $0x80;
	s18 =	simm.s32 @!p0 $0xC000;
	(pc) =	sbr.rel @p5 .LBB2_4-.Ltmp2, $4  }
0x7f: {  	[tilespmem:s18], [sflag:$0x2] =	stream.indirect.gather @!p0 [hbm4b:s1+s9], $0x40, s4, s9, $0xb8;
	[tilespmem:$0x1BE00] =	vst v63  }
0x80: {  	_ =	swait.ge [sflag:s8], $0x2000  }
0x81: {  	[sflag:s8] =	ssyncset.done $0x0  }
0x82: {  	[sflag:s8] =	ssyncadd.s32 $0xFFFFE000  }
0x83: {  	s4 =	sadd.s32 $0x300, s17  }
0x84: {  	[tilespmem:s30], [sflag:$0x3] =	stream.indirect.gather [hbm4b:s20+s25], $0x40, s4, s25, $0xb8;
	[tilespmem:$0x1BE00] =	vst v63  }
.Ltmp3:
0x85: {  	_ = 	snop;
	(pc) =	sbr.rel .LBB2_2-.Ltmp3, $4  }
0x86: {  	_ =	swait.ge [sflag:s10], $0x2000  }
0x87: {  	[sflag:s10] =	ssyncset.done $0x0  }
0x88: {  	s19 =	sadd.s32 $0x380, s17;
	s11 =	sadd.s32 $0x800, s11;
	[sflag:s10] =	ssyncadd.s32 $0xFFFFE000  }
0x89: {  	[tilespmem:s0], [sflag:$0x4] =	stream.indirect.gather [hbm4b:s20+s25], $0x40, s19, s25, $0xb8;
	[tilespmem:$0x1BE00] =	vst v63  }
.LBB2_5:
0x8a: {  	_ =	sfence.sel $0x180000  }
0x8b: {  	[bflag:$0x0] =	sbarrier.arrive $0xFFFF  }
0x8c: {  	_ =	strace $0x9000004D  }
0x8d: {  	s0 =	stileid.u32;
	[bflag:$0x2] =	sbarrier.arrive $0xFFFF  }
0x8e: {  	p0 =	sne.s32 s0, $0x0;
	s0 =	rddreg [dreg:$0x3]  }
0x8f: {  	s0 =	sadd.s32 @!p0 $0x100000, s0  }
0x90: {  	[sflag:s0] =	ssyncadd.tile.s32 @!p0 $0x1;
	_ =	shalt  }
.Lfunc_end2:
_tile_overlayer_lowered:
.L_overlay_start_2:
0x91: {  	(tag) =	ssettag $0x2  }
0x92: {  	s0 =	rddreg [dreg:$0x0];
	s2 =	stileid.u32  }
0x93: {  	s1 =	rddreg [dreg:$0x1];
	p0 =	sne.s32 s2, $0x0  }
0x94: {  	s3 =	rddreg [dreg:$0x2];
	[bflag:$0x3] =	sbarrier.arrive $0xFFFF;
	s2 =	simm.s32 @!p0 $0x1C09  }
0x95: {  	[timem:s3], [sflag:s2] =	dma.local @!p0 [hbm:s0], s1  }
0x96: {  	s0 =	simm.s32 @!p0 $0x9  }
0x97: {  	_ =	swait.ge @!p0 [sflag:s0], s1  }
0x98: {  	s1 =	ssub.s32 @!p0 $0x0, s1;
	[sflag:s0] =	ssyncset.done @!p0 $0x0  }
0x99: {  	[sflag:s0] =	ssyncadd.s32 @!p0 s1  }
0x9a: {  	[bflag:$0x3] =	sbarrier.arrive $0xFFFF  }
0x9b: {  	_ =	shalt  }

// kernel: kernel.8.cloned.1.call-start
scs
__scs_entry_jumppad:
0x0: {  	(pc) =	sbr.rel $0x88, $3  }
0x1: {  	(tag) =	ssettag $0x0;
	lr =	simm.s32 $0x1  }
0x2: {  	[smem:$0x3F9B] =	sst lr;
	_ =	strace $0xD0000000  }
0x3: {  	_ = 	snop  }
0x4: {  	_ = 	snop  }
0x5: {  	_ = 	snop  }
0x6: {  	_ = 	snop  }
0x7: {  	_ = 	snop  }
__scs_overlays_trampoline_lowered:
0x8: {  	[smem:$0x3FAA] =	sst s0  }
0x9: {  	[smem:$0x3FAB] =	sst s1  }
0xa: {  	[smem:$0x3FAC] =	sst s2  }
0xb: {  	[smem:$0x3FAD] =	sst s3  }
0xc: {  	[smem:$0x3FAE] =	sst s4  }
0xd: {  	[smem:$0x3FAF] =	sst s5  }
0xe: {  	[smem:$0x3FB0] =	sst s6  }
0xf: {  	[smem:$0x3FB1] =	sst s7  }
0x10: {  	[smem:$0x3FB2] =	sst s8  }
0x11: {  	[smem:$0x3FB3] =	sst s9;
	s0 =	simm.s32 @!p0 $0x0  }
0x12: {  	s1 =	sld [smem:$0x3F99];
	s0 =	simm.s32 @p0 $0x1  }
0x13: {  	[smem:$0x3FB4] =	sst s0;
	s0 =	simm.s32 @!p1 $0x0  }
0x14: {  	s2 =	sld [smem:$0x3F98];
	s0 =	simm.s32 @p1 $0x1  }
0x15: {  	[smem:$0x3FB5] =	sst s0;
	s0 =	simm.s32 @!p2 $0x0  }
0x16: {  	s3 =	sld [smem:$0x3FDB];
	s0 =	simm.s32 @p2 $0x1  }
0x17: {  	s4 =	simm.s32 $0x1BF5;
	[smem:$0x3FB7] =	sst s0  }
0x18: {  	s0 =	sld [smem:$0x3F9A];
	_ =	swait.ge [sflag:s4], $0x0  }
0x19: {  	s7 =	sld [smem:$0x3F9B]  }
0x1a: {  	s8 =	sadd.s32 $0xFFFFE003, lr  }
0x1b: {  	s9 =	sadd.s32 $0xFFFFFEF7, lr;
	s5 =	simm.s32 $0xFFFFFFFF;
	p2 =	slt.u32 s8, $0xFFFFF086  }
0x1c: {  	p1 =	slt.u32 s9, $0xF7A;
	s5 =	simm.s32 @!p2 $0x0  }
0x1d: {  	s5 =	simm.s32 @p1 $0x1;
	p0 =	seq.s32 s7, s2  }
0x1e: {  	s7 =	smul.u32 @!p0 $0xF7A, s2;
	p2 =	seq.s32 @!p0 s5, $0x0  }
0x1f: {  	s9 =	smul.u32 $0xF7A, s1;
	s8 =	simm.s32 @!p0 $0x1BF5;
	p2 =	por !p2, p0  }
0x20: {  	[sflag:s8] =	ssyncset.s32 @!p0 $0xFFFFF086;
	s6 =	sadd.s32 @!p0 s3, s7;
	s7 =	simm.s32 @!p0 $0x108  }
0x21: {  	s3 =	sadd.s32 s3, s9;
	s6 =	sadd.s32 @!p0 $0x88, s6;
	s7 =	simm.s32 @p2 $0x1082  }
0x22: {  	[simem:s7], [sflag:s8] =	dma.local @!p0 [hbm:s6], $0xF7A  }
0x23: {  	s9 =	sor.u32 $0xD0000000, s2;
	s6 =	simm.s32 $0x108;
	_ =	swait.ge @!p0 [sflag:s8], $0x0  }
0x24: {  	s3 =	sadd.s32 $0x88, s3;
	s6 =	simm.s32 @!p1 $0x1082;
	[sflag:s4] =	ssyncset.s32 $0xFFFFF086  }
0x25: {  	[simem:s6], [sflag:s4] =	dma.local [hbm:s3], $0xF7A  }
0x26: {  	[smem:$0x3F9B] =	sst s1;
	(tag) =	ssettag s2;
	_ =	strace s9  }
0x27: {  	s1 =	sld [smem:$0x3FAB]  }
0x28: {  	s2 =	sld [smem:$0x3FAC]  }
0x29: {  	s4 =	sld [smem:$0x3FAE]  }
0x2a: {  	p0 =	seq.s32 s5, $0x0;
	s5 =	sld [smem:$0x3FAF]  }
0x2b: {  	s6 =	sld [smem:$0x3FB0]  }
0x2c: {  	s7 =	sld [smem:$0x3FB1]  }
0x2d: {  	s3 =	simm.s32 $0x108;
	s8 =	sld [smem:$0x3FB2]  }
0x2e: {  	s3 =	simm.s32 @!p0 $0x1082;
	s9 =	sld [smem:$0x3FB3]  }
0x2f: {  	lr =	sadd.s32 s0, s3;
	s0 =	sld [smem:$0x3FAA]  }
0x30: {  	s3 =	sld [smem:$0x3FAD]  }
0x31: {  	[smem:$0x3FB6] =	sst s10  }
0x32: {  	s10 =	sld [smem:$0x3FB4];
	_ =	sdelay $0x3  }
0x33: {  	p0 =	seq.s32 s10, $0x1;
	s10 =	sld [smem:$0x3FB6];
	_ =	sdelay $0x3  }
0x34: {  	[smem:$0x3FB6] =	sst s10  }
0x35: {  	s10 =	sld [smem:$0x3FB5];
	_ =	sdelay $0x3  }
0x36: {  	p1 =	seq.s32 s10, $0x1;
	s10 =	sld [smem:$0x3FB6];
	_ =	sdelay $0x3  }
0x37: {  	[smem:$0x3FB6] =	sst s10  }
0x38: {  	s10 =	sld [smem:$0x3FB7]  }
0x39: {  	_ = 	snop;
	(pc) =	sbr.ind lr, $3  }
0x3a: {  	_ = 	snop  }
0x3b: {  	_ = 	snop  }
0x3c: {  	p2 =	seq.s32 s10, $0x1;
	s10 =	sld [smem:$0x3FB6]  }
0x3d: {  	_ =	shalt  }
0x3e: {  	_ =	shalt  }
0x3f: {  	_ =	shalt  }
0x40: {  	_ =	shalt  }
0x41: {  	_ =	shalt  }
0x42: {  	_ =	shalt  }
0x43: {  	_ =	shalt  }
0x44: {  	_ =	shalt  }
0x45: {  	_ =	shalt  }
0x46: {  	_ =	shalt  }
0x47: {  	_ =	shalt  }
0x48: {  	_ =	shalt  }
0x49: {  	_ =	shalt  }
0x4a: {  	_ =	shalt  }
0x4b: {  	_ =	shalt  }
0x4c: {  	_ =	shalt  }
0x4d: {  	_ =	shalt  }
0x4e: {  	_ =	shalt  }
0x4f: {  	_ =	shalt  }
0x50: {  	_ =	shalt  }
0x51: {  	_ =	shalt  }
0x52: {  	_ =	shalt  }
0x53: {  	_ =	shalt  }
0x54: {  	_ =	shalt  }
0x55: {  	_ =	shalt  }
0x56: {  	_ =	shalt  }
0x57: {  	_ =	shalt  }
0x58: {  	_ =	shalt  }
0x59: {  	_ =	shalt  }
0x5a: {  	_ =	shalt  }
0x5b: {  	_ =	shalt  }
0x5c: {  	_ =	shalt  }
0x5d: {  	_ =	shalt  }
0x5e: {  	_ =	shalt  }
0x5f: {  	_ =	shalt  }
0x60: {  	_ =	shalt  }
0x61: {  	_ =	shalt  }
0x62: {  	_ =	shalt  }
0x63: {  	_ =	shalt  }
0x64: {  	_ =	shalt  }
0x65: {  	_ =	shalt  }
0x66: {  	_ =	shalt  }
0x67: {  	_ =	shalt  }
0x68: {  	_ =	shalt  }
0x69: {  	_ =	shalt  }
0x6a: {  	_ =	shalt  }
0x6b: {  	_ =	shalt  }
0x6c: {  	_ =	shalt  }
0x6d: {  	_ =	shalt  }
0x6e: {  	_ =	shalt  }
0x6f: {  	_ =	shalt  }
0x70: {  	_ =	shalt  }
0x71: {  	_ =	shalt  }
0x72: {  	_ =	shalt  }
0x73: {  	_ =	shalt  }
0x74: {  	_ =	shalt  }
0x75: {  	_ =	shalt  }
0x76: {  	_ =	shalt  }
0x77: {  	_ =	shalt  }
0x78: {  	_ =	shalt  }
0x79: {  	_ =	shalt  }
0x7a: {  	_ =	shalt  }
0x7b: {  	_ =	shalt  }
0x7c: {  	_ =	shalt  }
0x7d: {  	_ =	shalt  }
0x7e: {  	_ =	shalt  }
0x7f: {  	_ =	shalt  }
0x80: {  	_ =	shalt  }
0x81: {  	_ =	shalt  }
0x82: {  	_ =	shalt  }
0x83: {  	_ =	shalt  }
0x84: {  	_ =	shalt  }
0x85: {  	_ =	shalt  }
0x86: {  	_ =	shalt  }
0x87: {  	_ =	shalt  }
.Lfunc_end0:
.L_simem_size_0:
called_computation_lowered:
.L_overlay_start_0:
0x88: {  	s2 =	sld [smem:$0x3FD9]  }
0x89: {  	s3 =	sld [smem:$0x3FFE];
	_ =	sdelay $0x1  }
0x8a: {  	s1 =	srdreg.scid  }
0x8b: {  	s0 =	sand.u32 $0x1, s1  }
0x8c: {  	s17 =	sshll.u32 s0, $0xA;
	s2 =	sadd.s32 s3, s2  }
0x8d: {  	s2 =	sadd.s32 s2, s17  }
0x8e: {  	[smem:$0x3FC2] =	sst s2  }
0x8f: {  	_ = 	snop  }
0x90: {  	s2 =	sld [smem:$0x3FD0];
	(tm) =	ssettm $0x1  }
0x91: {  	s18 =	sld [smem:$0x3FFB];
	_ =	sdelay $0x3  }
0x92: {  	_ =	strace s18  }
0x93: {  	s3 =	sld [smem:$0x3FFC];
	_ =	sdelay $0x3  }
0x94: {  	_ =	strace s3  }
0x95: {  	s3 =	sld [smem:$0x3FFD];
	_ =	sdelay $0x3  }
0x96: {  	_ =	strace s3  }
0x97: {  	_ =	strace $0x8FFFFFFF  }
0x98: {  	s19 =	sld [smem:$0x3FDB];
	_ =	sdelay $0x1  }
0x99: {  	s4 =	simm.s32 $_scs_section_size  }
0x9a: {  	s5 =	simm.s32 $_size__tile_overlayer_lowered;
	s6 =	simm.s32 $_tile_overlayer_lowered  }
0x9b: {  	s22 =	simm.s32 $0x1BFF;
	s21 =	sshll.u32 s6, $0x1;
	s3 =	sadd.s32 s4, s19  }
0x9c: {  	s7 =	simm.s32 $0x0;
	s20 =	sshll.u32 s5, $0x1;
	s5 =	sadd.s32 s21, s3  }
0x9d: {  	[timem:s7], [sflag:s22] =	dma.local [hbm:s5], s20  }
0x9e: {  	_ =	swait.ge [sflag:s22], s20  }
0x9f: {  	s4 =	ssub.s32 $0x0, s20;
	[sflag:s22] =	ssyncset.done $0x0  }
0xa0: {  	[sflag:s22] =	ssyncadd.s32 s4;
	_ =	sdelay $0x1  }
0xa1: {  	s23 =	simm.s32 $0x1B8B  }
0xa2: {  	_ =	swait.ge [sflag:s23], $0x1  }
0xa3: {  	[sflag:s23] =	ssyncset.done $0x0  }
0xa4: {  	s25 =	simm.s32 $0x1B8E;
	s24 =	sld [smem:$0x3FFE];
	[sflag:s23] =	ssyncadd.s32 $0xFFFFFFFF  }
0xa5: {  	s26 =	simm.s32 $execute0_lowered;
	[smem:$0x3FD2] =	sst s25  }
0xa6: {  	s5 =	sshll.u32 s26, $0x1;
	_ =	strace $0x80000046;
	[dreg:$0x1] =	wrdreg $0xFFFFFFFF  }
0xa7: {  	s28 =	simm.s32 $_size_execute0_lowered;
	s3 =	sadd.s32 s3, s5;
	[dreg:$0x0] =	wrdreg $0x0  }
0xa8: {  	s5 =	sshll.u32 s28, $0x1;
	[dreg:$0x2] =	wrdreg s3  }
0xa9: {  	[dreg:$0x3] =	wrdreg s5  }
0xaa: {  	[dreg:$0x4] =	wrdreg $0xC0  }
0xab: {  	_ =	task [dreg:s7], $0x5FFFF  }
0xac: {  	[dreg:$0x1] =	wrdreg $0xFFFFFFFF  }
0xad: {  	[dreg:$0x0] =	wrdreg $0x60  }
0xae: {  	[dreg:$0x2] =	wrdreg s24  }
0xaf: {  	[dreg:$0x3] =	wrdreg s2  }
0xb0: {  	[dreg:$0x4] =	wrdreg $0x2B000  }
0xb1: {  	[dreg:$0x5] =	wrdreg $0x9  }
0xb2: {  	_ =	task.clear_ibuf [dreg:s7], $0x6FFFF;
	_ =	strace $0x90000046  }
0xb3: {  	s29 =	simm.s32 $0x9;
	_ =	strace $0x80000048  }
0xb4: {  	_ =	swait.ge [sflag:s29], $0x1  }
0xb5: {  	[sflag:s29] =	ssyncadd.s32 $0xFFFFFFFF  }
0xb6: {  	_ =	strace $0x90000048  }
0xb7: {  	_ =	sfence  }
0xb8: {  	s30 =	sld [smem:$0x0];
	_ =	sdelay $0x2  }
0xb9: {  	s31 =	sshll.u32 s1, $0xD;
	s1 =	sshrl.u32 s1, $0x2  }
0xba: {  	s3 =	sand.u32 $0x4000, s31;
	s1 =	sadd.s32 s1, s30  }
0xbb: {  	s0 =	sor.u32 s3, s0;
	s1 =	sshll.u32 s1, $0x11  }
0xbc: {  	s0 =	sor.u32 s1, s0  }
0xbd: {  	s0 =	sadd.s32 $0x8F2B, s0  }
0xbe: {  	[sflag:s0] =	ssyncadd.remote.s32 $0x1  }
0xbf: {  	_ =	sfence.sel $0xFFFF  }
0xc0: {  	[dreg:$0x0] =	wrdreg $0xFFFFFFFF;
	(pc) =	sbr.abs _section_cstart, $3  }
0xc1: {  	[dreg:$0x1] =	wrdreg $0xFFFFFFFF  }
0xc2: {  	_ =	task.clear_ibuf [dreg:s7], $0x2FFFF;
	_ =	strace $0x9FFFFFFF  }
0xc3: {  	(tm) =	ssettm $0x7FFFFFFF  }
tec
execute0_lowered:
.L_overlay_start_1:
0x0: {  	(tag) =	ssettag $0x1  }
0x1: {  	s5 =	rddreg [dreg:$0x0]  }
0x2: {  	s8 =	rddreg [dreg:$0x1]  }
0x3: {  	s0 =	srdreg.scid;
	s2 =	rddreg [dreg:$0x2];
	s3 =	simm.s32 $0x0  }
0x4: {  	s13 =	simm.s32 $0x80;
	s4 =	sand.u32 $0x1, s0;
	s0 =	stileid.u32  }
0x5: {  	s14 =	simm.s32 $0x2800;
	s15 =	simm.s32 $0x0;
	s7 =	smul.u32 $0x9E0, s0  }
0x6: {  	[smem:$0x7FF] =	sst s3;
	s1 =	sshll.u32 s4, $0x4;
	s10 =	smul.u32 $0x270, s0  }
0x7: {  	s9 =	ssub.s32 $0x2, s4;
	s12 =	smul.u32 $0x2710, s4;
	s1 =	sor.u32 s0, s1  }
0x8: {  	p0 =	seq.s32 s0, $0xF;
	s11 =	sshrl.u32 s9, $0x1;
	s6 =	smul.u32 $0x500, s1  }
0x9: {  	s1 =	rddreg [dreg:$0x3];
	_ =	strace $0x80000047;
	s11 =	ssub.s32 s9, s11  }
0xa: {  	s28 =	sshrl.u32 s7, $0x2;
	s29 =	sadd.s32 s10, s12;
	s31 =	sshrl.u32 s12, $0x3  }
0xb: {  	s12 =	simm.s32 $0x2880;
	s30 =	sshrl.u32 s29, $0x3;
	s9 =	sadd.s32 s8, s31  }
0xc: {  	s26 =	sadd.s32 s6, s5;
	s5 =	sadd.s32 s28, s2;
	s6 =	sadd.s32 s10, s2  }
0xd: {  	s7 =	sadd.s32 s8, s30;
	s8 =	sadd.s32 $0x2490, s2;
	s9 =	sadd.s32 $0x492, s9  }
0xe: {  	v0 =	vimm.f32 $1.000000000e+00;
	v1 =	vimm.f32 $0.0e+00;
	s10 =	smax.u32 s11, $0x1;
	s11 =	simm.s32 $0x1;
	s4 =	sadd.s32 $0x2C00, s26  }
.LBB2_1:
0xf: {  	[tilespmem:$0x2800] =	vst v0  }
0x10: {  	[tilespmem:$0x2810] =	vst v0  }
0x11: {  	[tilespmem:$0x2820] =	vst v0  }
0x12: {  	[tilespmem:$0x2830] =	vst v0  }
0x13: {  	[tilespmem:$0x2840] =	vst v0  }
0x14: {  	[tilespmem:$0x2850] =	vst v0  }
0x15: {  	[tilespmem:$0x2860] =	vst v0  }
0x16: {  	[tilespmem:$0x2870] =	vst v0  }
0x17: {  	[tilespmem:$0x2880] =	vst v1  }
0x18: {  	[tilespmem:$0x2890] =	vst v1  }
0x19: {  	[tilespmem:$0x28A0] =	vst v1  }
0x1a: {  	[tilespmem:$0x28B0] =	vst v1  }
0x1b: {  	[tilespmem:$0x28C0] =	vst v1  }
0x1c: {  	[tilespmem:$0x28D0] =	vst v1  }
0x1d: {  	[tilespmem:$0x28E0] =	vst v1  }
0x1e: {  	[tilespmem:$0x28F0] =	vst v1  }
0x1f: {  	[tilespmem:$0x2900] =	vst v1  }
0x20: {  	[tilespmem:$0x2910] =	vst v1  }
0x21: {  	[tilespmem:$0x2920] =	vst v1  }
0x22: {  	[tilespmem:$0x2930] =	vst v1  }
0x23: {  	[tilespmem:$0x2940] =	vst v1  }
0x24: {  	[tilespmem:$0x2950] =	vst v1  }
0x25: {  	[tilespmem:$0x2960] =	vst v1  }
0x26: {  	[tilespmem:$0x2970] =	vst v1  }
0x27: {  	[tilespmem:$0x2980] =	vst v1  }
0x28: {  	[tilespmem:$0x2990] =	vst v1  }
0x29: {  	[tilespmem:$0x29A0] =	vst v1  }
0x2a: {  	[tilespmem:$0x29B0] =	vst v1  }
0x2b: {  	[tilespmem:$0x29C0] =	vst v1  }
0x2c: {  	[tilespmem:$0x29D0] =	vst v1  }
0x2d: {  	[tilespmem:$0x29E0] =	vst v1  }
0x2e: {  	[tilespmem:$0x29F0] =	vst v1  }
0x2f: {  	[tilespmem:$0x2A00] =	vst v1  }
0x30: {  	[tilespmem:$0x2A10] =	vst v1  }
0x31: {  	[tilespmem:$0x2A20] =	vst v1  }
0x32: {  	[tilespmem:$0x2A30] =	vst v1  }
0x33: {  	[tilespmem:$0x2A40] =	vst v1  }
0x34: {  	[tilespmem:$0x2A50] =	vst v1  }
0x35: {  	[tilespmem:$0x2A60] =	vst v1  }
0x36: {  	[tilespmem:$0x2A70] =	vst v1  }
0x37: {  	[tilespmem:$0x2A80] =	vst v1  }
0x38: {  	[tilespmem:$0x2A90] =	vst v1  }
0x39: {  	[tilespmem:$0x2AA0] =	vst v1  }
0x3a: {  	[tilespmem:$0x2AB0] =	vst v1  }
0x3b: {  	[tilespmem:$0x2AC0] =	vst v1  }
0x3c: {  	[tilespmem:$0x2AD0] =	vst v1  }
0x3d: {  	[tilespmem:$0x2AE0] =	vst v1  }
0x3e: {  	[tilespmem:$0x2AF0] =	vst v1  }
0x3f: {  	[tilespmem:s3], [sflag:$0x1] =	stream.linear.gather [hbm4b:s4+s3], $0x2800, $0x38;
	[tilespmem:$0x2D78] =	vst v63  }
0x40: {  	_ =	swait.ge [sflag:s11], $0x2800  }
0x41: {  	[sflag:s11] =	ssyncset.done $0x0  }
0x42: {  	[sflag:s11] =	ssyncadd.s32 $0xFFFFD800  }
0x43: {  	[spmem:s5] =	stream.linear.scatter [tilespmem:s12], [sflag:$0x1], $0x278, $0x38;
	[tilespmem:$0x2D78] =	vst v63  }
0x44: {  	_ =	swait.ge [sflag:s11], $0x278  }
0x45: {  	[sflag:s11] =	ssyncset.done $0x0  }
0x46: {  	[sflag:s11] =	ssyncadd.s32 $0xFFFFFD88  }
0x47: {  	s16 =	simm.s32 $0x0;
	[bflag:$0x0] =	sbarrier.arrive $0xFFFF  }
0x48: {  	[spmem:s2] =	stream.indirect.scatter.add.f32 [tilespmem:s14], [sflag:$0x1], $0x1, s16, s13, $0xb8;
	[tilespmem:$0x2D78] =	vst v63  }
0x49: {  	_ =	swait.ge [sflag:s11], $0x80  }
0x4a: {  	s16 =	simm.s32 $0x200;
	[sflag:s11] =	ssyncset.done $0x0  }
.LBB2_2:
0x4b: {  	s17 =	sshra.s32 s16, $0x2;
	[sflag:s11] =	ssyncadd.s32 $0xFFFFFF80;
	p1 =	sne.s32 s16, $0x9E00  }
0x4c: {  	[spmem:s2] =	stream.indirect.scatter.add.f32 [tilespmem:s14], [sflag:$0x1], $0x1, s17, s13, $0xb8;
	[tilespmem:$0x2D78] =	vst v63  }
.Ltmp0:
0x4d: {  	_ = 	snop;
	(pc) =	sbr.rel @p1 .LBB2_2-.Ltmp0, $4  }
0x4e: {  	_ = 	snop  }
0x4f: {  	s16 =	sadd.s32 $0x200, s16  }
0x50: {  	_ =	swait.ge [sflag:s11], $0x80  }
0x51: {  	[sflag:s11] =	ssyncset.done $0x0  }
0x52: {  	[sflag:s11] =	ssyncadd.s32 $0xFFFFFF80  }
0x53: {  	s16 =	simm.s32 @p0 $0x2880;
	s17 =	simm.s32 @p0 $0x1;
	[bflag:$0x0] =	sbarrier.arrive $0xFFFF  }
0x54: {  	[tilespmem:s16], [sflag:$0x1] =	stream.linear.gather @p0 [spmem:s8], $0x280, $0x38;
	[tilespmem:$0x2D78] =	vst v63  }
0x55: {  	_ =	swait.ge @p0 [sflag:s17], $0x280  }
0x56: {  	[sflag:s17] =	ssyncset.done @p0 $0x0  }
0x57: {  	s18 =	simm.s32 @p0 $0x0;
	[sflag:s17] =	ssyncadd.s32 @p0 $0xFFFFFD80  }
0x58: {  	[hbm4b:s9+s18] =	stream.linear.scatter @p0 [tilespmem:s16], [sflag:$0x1], $0x280, $0x38;
	[tilespmem:$0x2D78] =	vst v63  }
0x59: {  	_ =	swait.ge @p0 [sflag:s17], $0x280  }
0x5a: {  	[sflag:s17] =	ssyncset.done @p0 $0x0  }
0x5b: {  	s16 =	simm.s32 @!p0 $0x2880;
	[sflag:s17] =	ssyncadd.s32 @p0 $0xFFFFFD80;
	s17 =	simm.s32 @!p0 $0x1  }
0x5c: {  	[tilespmem:s16], [sflag:$0x1] =	stream.linear.gather @!p0 [spmem:s6], $0x270, $0x38;
	[tilespmem:$0x2D78] =	vst v63  }
0x5d: {  	s15 =	sadd.s32 $0x1, s15;
	_ =	swait.ge @!p0 [sflag:s17], $0x270  }
0x5e: {  	p1 =	sne.s32 s15, s10;
	[sflag:s17] =	ssyncset.done @!p0 $0x0  }
.Ltmp1:
0x5f: {  	s18 =	simm.s32 @!p0 $0x0;
	[sflag:s17] =	ssyncadd.s32 @!p0 $0xFFFFFD90;
	(pc) =	sbr.rel @p1 .LBB2_1-.Ltmp1, $4  }
0x60: {  	[hbm4b:s7+s18] =	stream.linear.scatter @!p0 [tilespmem:s16], [sflag:$0x1], $0x270, $0x38;
	[tilespmem:$0x2D78] =	vst v63  }
0x61: {  	_ =	swait.ge @!p0 [sflag:s17], $0x270  }
0x62: {  	[sflag:s17] =	ssyncset.done @!p0 $0x0  }
0x63: {  	[sflag:s17] =	ssyncadd.s32 @!p0 $0xFFFFFD90  }
0x64: {  	_ =	sfence.sel $0x180000  }
0x65: {  	[bflag:$0x0] =	sbarrier.arrive $0xFFFF  }
0x66: {  	p0 =	sne.s32 s0, $0x0;
	_ =	strace $0x90000047  }
0x67: {  	s0 =	sadd.s32 @!p0 $0x100000, s1;
	[bflag:$0x2] =	sbarrier.arrive $0xFFFF  }
0x68: {  	[sflag:s0] =	ssyncadd.tile.s32 @!p0 $0x1;
	_ =	shalt  }
.Lfunc_end2:
_tile_overlayer_lowered:
.L_overlay_start_2:
0x69: {  	(tag) =	ssettag $0x2  }
0x6a: {  	s0 =	rddreg [dreg:$0x0];
	s2 =	stileid.u32  }
0x6b: {  	s1 =	rddreg [dreg:$0x1];
	p0 =	sne.s32 s2, $0x0  }
0x6c: {  	s3 =	rddreg [dreg:$0x2];
	[bflag:$0x3] =	sbarrier.arrive $0xFFFF;
	s2 =	simm.s32 @!p0 $0x1C01  }
0x6d: {  	[timem:s3], [sflag:s2] =	dma.local @!p0 [hbm:s0], s1  }
0x6e: {  	s0 =	simm.s32 @!p0 $0x1  }
0x6f: {  	_ =	swait.ge @!p0 [sflag:s0], s1  }
0x70: {  	s1 =	ssub.s32 @!p0 $0x0, s1;
	[sflag:s0] =	ssyncset.done @!p0 $0x0  }
0x71: {  	[sflag:s0] =	ssyncadd.s32 @!p0 s1  }
0x72: {  	[bflag:$0x3] =	sbarrier.arrive $0xFFFF  }
0x73: {  	_ =	shalt  }

</sc_bundles>
